<compile_context>
chip_gen: v7x
topology: tpu7x:2x2x1
jax: 0.10.2.dev20260603
libtpu: 0.0.44.dev20260713+nightly
codegen_flags: <defaults>
</compile_context>

<pallas_src>
import jax
import jax.numpy as jnp
from jax import lax
from jax.experimental import pallas as pl
from jax.experimental.pallas import tpu as pltpu
from jax.experimental.pallas import tpu_sc as plsc

N = 10000
NPAD = 10240
DIN = 128
D = 64
E = 320000
LANES = 128
CH = 80
NC = 2
NS = 16
NW = NC * NS
EPAD = NW * CH * LANES
RPS = NPAD // NS
BLK = 512
GRID = NPAD // BLK

_mesh = plsc.VectorSubcoreMesh(core_axis_name="c", subcore_axis_name="s")



NBUF = 8


def _seg_body(table_hbm, edges_hbm, out_hbm, src_idx, dst_idx, rows,
              acc, gsems, ssems):
    cid = lax.axis_index("c")
    sid = lax.axis_index("s")
    wid = sid * NC + cid

    pltpu.async_copy(edges_hbm.at[0, wid], src_idx, gsems[0])
    pltpu.async_copy(edges_hbm.at[1, wid], dst_idx, gsems[1])

    def fill(i, carry):
        for k in range(D // 16):
            rows[0][i, pl.ds(k * 16, 16)] = jnp.zeros((16,), jnp.float32)
        return carry

    lax.fori_loop(0, LANES, fill, 0)
    for k in range(RPS // LANES):
        pltpu.sync_copy(rows[0], acc.at[pl.ds(sid * RPS + k * LANES, LANES)])
    plsc.subcore_barrier()

    pltpu.make_async_copy(edges_hbm.at[0, wid], src_idx, gsems[0]).wait()
    pltpu.make_async_copy(edges_hbm.at[1, wid], dst_idx, gsems[1]).wait()

    for b in range(NBUF):
        pltpu.async_copy(table_hbm.at[src_idx.at[b]], rows[b], gsems[b])

    def step(i, carry):
        j = i * NBUF
        for b in range(NBUF):
            pltpu.make_async_copy(
                table_hbm.at[src_idx.at[j + b]], rows[b], gsems[b]).wait()
            pltpu.async_copy(rows[b], acc.at[dst_idx.at[j + b]], ssems[b],
                             add=True)
        for b in range(NBUF):
            pltpu.make_async_copy(
                rows[b], acc.at[dst_idx.at[j + b]], ssems[b]).wait()

            @pl.when(i + 1 < CH // NBUF)
            def _g():
                pltpu.async_copy(table_hbm.at[src_idx.at[j + NBUF + b]],
                                 rows[b], gsems[b])
        return carry

    lax.fori_loop(0, CH // NBUF, step, 0)
    plsc.subcore_barrier()

    pltpu.sync_copy(acc.at[pl.ds(sid * RPS, RPS)],
                    out_hbm.at[cid, pl.ds(sid * RPS, RPS)])


_seg_kernel = pl.kernel(
    _seg_body,
    mesh=_mesh,
    out_type=jax.ShapeDtypeStruct((NC, NPAD, D), jnp.float32),
    scratch_types=[
        pltpu.VMEM((CH, LANES), jnp.int32),
        pltpu.VMEM((CH, LANES), jnp.int32),
        [pltpu.VMEM((LANES, D), jnp.float32) for _ in range(NBUF)],
        pltpu.VMEM_SHARED((NPAD, D), jnp.float32),
        [pltpu.SemaphoreType.DMA for _ in range(NBUF)],
        [pltpu.SemaphoreType.DMA for _ in range(NBUF)],
    ],
    compiler_params=pltpu.CompilerParams(use_tc_tiling_on_sc=False),
)



def _deg_body(edges_hbm, out_hbm, dst_idx, ones_v, zbuf, acc, dsems):
    cid = lax.axis_index("c")
    sid = lax.axis_index("s")
    wid = sid * NC + cid

    def fill(i, carry):
        zbuf[pl.ds(i * 16, 16)] = jnp.zeros((16,), jnp.float32)
        return carry

    lax.fori_loop(0, RPS // 16, fill, 0)
    for k in range(LANES // 16):
        ones_v[pl.ds(k * 16, 16)] = jnp.ones((16,), jnp.float32)

    pltpu.sync_copy(zbuf, acc.at[pl.ds(sid * RPS, RPS)])
    plsc.subcore_barrier()

    pltpu.sync_copy(edges_hbm.at[1, wid], dst_idx)

    def step(i, carry):
        j = i * NBUF
        for b in range(NBUF):
            @pl.when(i > 0)
            def _w():
                pltpu.make_async_copy(
                    ones_v, acc.at[dst_idx.at[j - NBUF + b]], dsems[b]).wait()

            pltpu.async_copy(ones_v, acc.at[dst_idx.at[j + b]], dsems[b],
                             add=True)
        return carry

    lax.fori_loop(0, CH // NBUF, step, 0)
    for b in range(NBUF):
        pltpu.make_async_copy(
            ones_v, acc.at[dst_idx.at[CH - NBUF + b]], dsems[b]).wait()
    plsc.subcore_barrier()

    pltpu.sync_copy(acc.at[pl.ds(sid * RPS, RPS)],
                    out_hbm.at[cid, pl.ds(sid * RPS, RPS)])


_deg_kernel = pl.kernel(
    _deg_body,
    mesh=_mesh,
    out_type=jax.ShapeDtypeStruct((NC, NPAD), jnp.float32),
    scratch_types=[
        pltpu.VMEM((CH, LANES), jnp.int32),
        pltpu.VMEM((LANES,), jnp.float32),
        pltpu.VMEM((RPS,), jnp.float32),
        pltpu.VMEM_SHARED((NPAD,), jnp.float32),
        [pltpu.SemaphoreType.DMA for _ in range(NBUF)],
    ],
    compiler_params=pltpu.CompilerParams(use_tc_tiling_on_sc=False),
)



def _scale_body(deg_ref, x_ref, w_ref, t_ref, dinv_ref):
    degt = deg_ref[0] + deg_ref[1] + 1.0
    dinv = lax.rsqrt(degt)
    xw = lax.dot_general(
        x_ref[...], w_ref[...], (((1,), (0,)), ((), ())),
        preferred_element_type=jnp.float32,
        precision=lax.Precision.HIGHEST)
    dinv_ref[...] = dinv
    t_ref[...] = xw * dinv


_scale = pl.pallas_call(
    _scale_body,
    grid=(GRID,),
    in_specs=[
        pl.BlockSpec((NC, BLK, 1), lambda i: (0, i, 0)),
        pl.BlockSpec((BLK, DIN), lambda i: (i, 0)),
        pl.BlockSpec((DIN, D), lambda i: (0, 0)),
    ],
    out_specs=[
        pl.BlockSpec((BLK, D), lambda i: (i, 0)),
        pl.BlockSpec((BLK, 1), lambda i: (i, 0)),
    ],
    out_shape=[
        jax.ShapeDtypeStruct((NPAD, D), jnp.float32),
        jax.ShapeDtypeStruct((NPAD, 1), jnp.float32),
    ],
)


def _layer_body(t1_ref, seg_ref, dinv_ref, b_ref, w_ref, t2_ref):
    dinv = dinv_ref[...]
    seg = seg_ref[0] + seg_ref[1]
    pre = (seg + t1_ref[...]) * dinv + b_ref[...][None, :]
    h = jnp.maximum(pre, 0.0)
    xw2 = lax.dot_general(
        h, w_ref[...], (((1,), (0,)), ((), ())),
        preferred_element_type=jnp.float32,
        precision=lax.Precision.HIGHEST)
    t2_ref[...] = xw2 * dinv


_layer = pl.pallas_call(
    _layer_body,
    grid=(GRID,),
    in_specs=[
        pl.BlockSpec((BLK, D), lambda i: (i, 0)),
        pl.BlockSpec((NC, BLK, D), lambda i: (0, i, 0)),
        pl.BlockSpec((BLK, 1), lambda i: (i, 0)),
        pl.BlockSpec((D,), lambda i: (0,)),
        pl.BlockSpec((D, D), lambda i: (0, 0)),
    ],
    out_specs=pl.BlockSpec((BLK, D), lambda i: (i, 0)),
    out_shape=jax.ShapeDtypeStruct((NPAD, D), jnp.float32),
)


def _final_body(t2_ref, seg_ref, dinv_ref, b_ref, o_ref):
    i = pl.program_id(0)
    seg = seg_ref[0] + seg_ref[1]
    pre = (seg + t2_ref[...]) * dinv_ref[...] + b_ref[...][None, :]
    h = jnp.maximum(pre, 0.0)
    row = lax.broadcasted_iota(jnp.int32, (BLK, 1), 0) + i * BLK
    h = jnp.where(row < N, h, 0.0)
    s = jnp.sum(h, axis=0) * (1.0 / N)

    @pl.when(i == 0)
    def _init():
        o_ref[...] = s

    @pl.when(i > 0)
    def _acc():
        o_ref[...] = o_ref[...] + s


_final = pl.pallas_call(
    _final_body,
    grid=(GRID,),
    in_specs=[
        pl.BlockSpec((BLK, D), lambda i: (i, 0)),
        pl.BlockSpec((NC, BLK, D), lambda i: (0, i, 0)),
        pl.BlockSpec((BLK, 1), lambda i: (i, 0)),
        pl.BlockSpec((D,), lambda i: (0,)),
    ],
    out_specs=pl.BlockSpec((D,), lambda i: (0,)),
    out_shape=jax.ShapeDtypeStruct((D,), jnp.float32),
)


def kernel(x, edge_index, W1, b1, W2, b2):
    pad = (jnp.arange(EPAD - E, dtype=jnp.int32) % (NPAD - N)) + N
    edges = jnp.concatenate(
        [edge_index, jnp.broadcast_to(pad, (2, EPAD - E))], axis=1
    ).reshape(2, NW, CH, LANES)
    xp = jnp.pad(x, ((0, NPAD - N), (0, 0)))

    deg = _deg_kernel(edges)
    t1, dinv = _scale(jnp.reshape(deg, (NC, NPAD, 1)), xp, W1)
    seg1 = _seg_kernel(t1, edges)
    t2 = _layer(t1, seg1, dinv, b1, W2)
    seg2 = _seg_kernel(t2, edges)
    return _final(t2, seg2, dinv, b2)

# --- scband reference (transcript-rebuilt; emitter-appended) ---
"""Pipeline reference for scband-gcndecoder-67035849556597 (READ-ONLY COPY).

The authoritative reference and input builder live on the scoring server;
editing this copy changes nothing except your own understanding.
"""

import jax, jax.numpy as jnp
import numpy as np

N = 10000
E = 320000
D_IN = 128
D_HID = 64
D_OUT = 64


def setup_inputs(seed: int = 0) -> dict:
    key = jax.random.key(seed)
    k1, k2, k3, k4 = jax.random.split(key, 4)
    x = jax.random.normal(k1, (N, D_IN), dtype=jnp.float32)
    edge_index = jax.random.randint(k2, (2, E), 0, N, dtype=jnp.int32)
    # GCNConv learned params (glorot-ish init)
    W1 = jax.random.normal(k3, (D_IN, D_HID), dtype=jnp.float32) * (1.0 / np.sqrt(D_IN))
    b1 = jnp.zeros((D_HID,), dtype=jnp.float32)
    W2 = jax.random.normal(k4, (D_HID, D_OUT), dtype=jnp.float32) * (1.0 / np.sqrt(D_HID))
    b2 = jnp.zeros((D_OUT,), dtype=jnp.float32)
    return {"x": x, "edge_index": edge_index, "W1": W1, "b1": b1, "W2": W2, "b2": b2}


def _gcn_conv(x, edge_index, W, b):
    # Faithful PyG GCNConv: x' = D^{-1/2} (A + I) D^{-1/2} X W + b
    xw = x @ W
    src = edge_index[0]
    dst = edge_index[1]
    loop = jnp.arange(N, dtype=edge_index.dtype)
    src = jnp.concatenate([src, loop])
    dst = jnp.concatenate([dst, loop])
    deg = jnp.zeros((N,), dtype=xw.dtype).at[dst].add(1.0)
    dinv = jnp.where(deg > 0, 1.0 / jnp.sqrt(deg), 0.0)
    norm = dinv[src] * dinv[dst]
    msg = xw[src] * norm[:, None]
    out = jnp.zeros((N, xw.shape[1]), dtype=xw.dtype).at[dst].add(msg)
    return out + b


def reference(x, edge_index, W1, b1, W2, b2):
    h = jax.nn.relu(_gcn_conv(x, edge_index, W1, b1))
    h = jax.nn.relu(_gcn_conv(h, edge_index, W2, b2))
    return h.mean(axis=0)

if __name__ == "__main__":
    import jax
    _d = setup_inputs()
    print(jax.jit(kernel)(*tuple(_d.values())))

</pallas_src>

<mosaic_0001>
#map = affine_map<(d0, d1) -> (0, 0)>
#map1 = affine_map<(d0, d1) -> (0, 0, 0, 0)>
#map2 = affine_map<(d0, d1) -> (0, 0, 0)>
module attributes {stable_mosaic.version = 14 : i64} {
  func.func @_seg_body(%arg0: i32, %arg1: i32, %arg2: memref<10240x64xf32, #tpu.memory_space<hbm>>, %arg3: memref<2x32x80x128xi32, #tpu.memory_space<hbm>>, %arg4: memref<2x10240x64xf32, #tpu.memory_space<hbm>>, %arg5: memref<80x128xi32, #tpu.memory_space<vmem>>, %arg6: memref<80x128xi32, #tpu.memory_space<vmem>>, %arg7: memref<128x64xf32, #tpu.memory_space<vmem>>, %arg8: memref<128x64xf32, #tpu.memory_space<vmem>>, %arg9: memref<128x64xf32, #tpu.memory_space<vmem>>, %arg10: memref<128x64xf32, #tpu.memory_space<vmem>>, %arg11: memref<128x64xf32, #tpu.memory_space<vmem>>, %arg12: memref<128x64xf32, #tpu.memory_space<vmem>>, %arg13: memref<128x64xf32, #tpu.memory_space<vmem>>, %arg14: memref<128x64xf32, #tpu.memory_space<vmem>>, %arg15: memref<10240x64xf32, #tpu.memory_space<vmem_shared>>, %arg16: memref<!tpu.dma_semaphore, #tpu.memory_space<semaphore_mem>>, %arg17: memref<!tpu.dma_semaphore, #tpu.memory_space<semaphore_mem>>, %arg18: memref<!tpu.dma_semaphore, #tpu.memory_space<semaphore_mem>>, %arg19: memref<!tpu.dma_semaphore, #tpu.memory_space<semaphore_mem>>, %arg20: memref<!tpu.dma_semaphore, #tpu.memory_space<semaphore_mem>>, %arg21: memref<!tpu.dma_semaphore, #tpu.memory_space<semaphore_mem>>, %arg22: memref<!tpu.dma_semaphore, #tpu.memory_space<semaphore_mem>>, %arg23: memref<!tpu.dma_semaphore, #tpu.memory_space<semaphore_mem>>, %arg24: memref<!tpu.dma_semaphore, #tpu.memory_space<semaphore_mem>>, %arg25: memref<!tpu.dma_semaphore, #tpu.memory_space<semaphore_mem>>, %arg26: memref<!tpu.dma_semaphore, #tpu.memory_space<semaphore_mem>>, %arg27: memref<!tpu.dma_semaphore, #tpu.memory_space<semaphore_mem>>, %arg28: memref<!tpu.dma_semaphore, #tpu.memory_space<semaphore_mem>>, %arg29: memref<!tpu.dma_semaphore, #tpu.memory_space<semaphore_mem>>, %arg30: memref<!tpu.dma_semaphore, #tpu.memory_space<semaphore_mem>>, %arg31: memref<!tpu.dma_semaphore, #tpu.memory_space<semaphore_mem>>) attributes {dimension_semantics = [#tpu.dimension_semantics<core_parallel>, #tpu.dimension_semantics<subcore_parallel>], iteration_bounds = array<i64: 2, 16>, scalar_prefetch = 0 : i64, scratch_operands = 27 : i64, tpu.core_type = #tpu.core_type<sc_vector_subcore>, window_params = [{transform_indices = #map}, {transform_indices = #map1}, {transform_indices = #map2}]} {
    %mul3A = arith.constant 2 : i32
    %mul3A_0 = arith.muli %arg1, %mul3A : i32
    %add3A = arith.addi %mul3A_0, %arg0 : i32
    %dma_start3A = arith.constant 0 : i32
    %dma_start3A_1 = arith.constant 0 : i32
    %dma_start3A_2 = arith.constant 0 : i32
    %dma_start3A_3 = tpu.memref_slice %arg3[%dma_start3A, %add3A, %dma_start3A_1, %dma_start3A_2] : memref<2x32x80x128xi32, #tpu.memory_space<hbm>> -> memref<1x1x80x128xi32, #tpu.memory_space<hbm>>
    %dma_start3A_4 = tpu.memref_squeeze %dma_start3A_3 : memref<1x1x80x128xi32, #tpu.memory_space<hbm>> -> memref<80x128xi32, #tpu.memory_space<hbm>>
    %dma_start3A_5 = arith.constant 0 : i32
    %dma_start3A_6 = arith.constant 0 : i32
    %dma_start3A_7 = tpu.memref_slice %arg3[%dma_start3A, %add3A, %dma_start3A_5, %dma_start3A_6] : memref<2x32x80x128xi32, #tpu.memory_space<hbm>> -> memref<1x1x80x128xi32, #tpu.memory_space<hbm>>
    %dma_start3A_8 = tpu.memref_squeeze %dma_start3A_7 : memref<1x1x80x128xi32, #tpu.memory_space<hbm>> -> memref<80x128xi32, #tpu.memory_space<hbm>>
    tpu.enqueue_dma source(%dma_start3A_8 : memref<80x128xi32, #tpu.memory_space<hbm>>) target(%arg5 : memref<80x128xi32, #tpu.memory_space<vmem>>) target_semaphore(%arg16 : memref<!tpu.dma_semaphore, #tpu.memory_space<semaphore_mem>>)
    %dma_start3A_9 = arith.constant 1 : i32
    %dma_start3A_10 = arith.constant 0 : i32
    %dma_start3A_11 = arith.constant 0 : i32
    %dma_start3A_12 = tpu.memref_slice %arg3[%dma_start3A_9, %add3A, %dma_start3A_10, %dma_start3A_11] : memref<2x32x80x128xi32, #tpu.memory_space<hbm>> -> memref<1x1x80x128xi32, #tpu.memory_space<hbm>>
    %dma_start3A_13 = tpu.memref_squeeze %dma_start3A_12 : memref<1x1x80x128xi32, #tpu.memory_space<hbm>> -> memref<80x128xi32, #tpu.memory_space<hbm>>
    %dma_start3A_14 = arith.constant 0 : i32
    %dma_start3A_15 = arith.constant 0 : i32
    %dma_start3A_16 = tpu.memref_slice %arg3[%dma_start3A_9, %add3A, %dma_start3A_14, %dma_start3A_15] : memref<2x32x80x128xi32, #tpu.memory_space<hbm>> -> memref<1x1x80x128xi32, #tpu.memory_space<hbm>>
    %dma_start3A_17 = tpu.memref_squeeze %dma_start3A_16 : memref<1x1x80x128xi32, #tpu.memory_space<hbm>> -> memref<80x128xi32, #tpu.memory_space<hbm>>
    tpu.enqueue_dma source(%dma_start3A_17 : memref<80x128xi32, #tpu.memory_space<hbm>>) target(%arg6 : memref<80x128xi32, #tpu.memory_space<vmem>>) target_semaphore(%arg17 : memref<!tpu.dma_semaphore, #tpu.memory_space<semaphore_mem>>)
    %scan3A = arith.constant 0 : i32
    %scan3A_18 = arith.constant 0 : i32
    %scan3A_19 = arith.constant 128 : i32
    %scan3A_20 = arith.addi %scan3A_18, %scan3A_19 : i32
    %scan3A_21 = arith.constant 1 : i32
    scf.for %scan3A_127 = %scan3A_18 to %scan3A_20 step %scan3A_21  : i32 {
      %broadcast_in_dim3A = arith.constant 0.000000e+00 : f32
      %broadcast_in_dim3A_128 = vector.broadcast %broadcast_in_dim3A : f32 to vector<16xf32>
      %swap3A = arith.index_cast %scan3A_127 : i32 to index
      %swap3A_129 = arith.constant 0 : index
      %swap3A_130 = tpu.vector_load %arg7[%swap3A, %swap3A_129] {strides = array<i32>} : memref<128x64xf32, #tpu.memory_space<vmem>>, vector<1x16xf32>,
      %swap3A_131 = vector.shape_cast %swap3A_130 : vector<1x16xf32> to vector<16xf32>
      %swap3A_132 = vector.shape_cast %broadcast_in_dim3A_128 : vector<16xf32> to vector<1x16xf32>
      tpu.vector_store %arg7[%swap3A, %swap3A_129], %swap3A_132 {strides = array<i32>} : memref<128x64xf32, #tpu.memory_space<vmem>>, vector<1x16xf32>,
      %broadcast_in_dim3A_133 = arith.constant 0.000000e+00 : f32
      %broadcast_in_dim3A_134 = vector.broadcast %broadcast_in_dim3A_133 : f32 to vector<16xf32>
      %swap3A_135 = arith.index_cast %scan3A_127 : i32 to index
      %swap3A_136 = arith.constant 16 : index
      %swap3A_137 = tpu.vector_load %arg7[%swap3A_135, %swap3A_136] {strides = array<i32>} : memref<128x64xf32, #tpu.memory_space<vmem>>, vector<1x16xf32>,
      %swap3A_138 = vector.shape_cast %swap3A_137 : vector<1x16xf32> to vector<16xf32>
      %swap3A_139 = vector.shape_cast %broadcast_in_dim3A_134 : vector<16xf32> to vector<1x16xf32>
      tpu.vector_store %arg7[%swap3A_135, %swap3A_136], %swap3A_139 {strides = array<i32>} : memref<128x64xf32, #tpu.memory_space<vmem>>, vector<1x16xf32>,
      %broadcast_in_dim3A_140 = arith.constant 0.000000e+00 : f32
      %broadcast_in_dim3A_141 = vector.broadcast %broadcast_in_dim3A_140 : f32 to vector<16xf32>
      %swap3A_142 = arith.index_cast %scan3A_127 : i32 to index
      %swap3A_143 = arith.constant 32 : index
      %swap3A_144 = tpu.vector_load %arg7[%swap3A_142, %swap3A_143] {strides = array<i32>} : memref<128x64xf32, #tpu.memory_space<vmem>>, vector<1x16xf32>,
      %swap3A_145 = vector.shape_cast %swap3A_144 : vector<1x16xf32> to vector<16xf32>
      %swap3A_146 = vector.shape_cast %broadcast_in_dim3A_141 : vector<16xf32> to vector<1x16xf32>
      tpu.vector_store %arg7[%swap3A_142, %swap3A_143], %swap3A_146 {strides = array<i32>} : memref<128x64xf32, #tpu.memory_space<vmem>>, vector<1x16xf32>,
      %broadcast_in_dim3A_147 = arith.constant 0.000000e+00 : f32
      %broadcast_in_dim3A_148 = vector.broadcast %broadcast_in_dim3A_147 : f32 to vector<16xf32>
      %swap3A_149 = arith.index_cast %scan3A_127 : i32 to index
      %swap3A_150 = arith.constant 48 : index
      %swap3A_151 = tpu.vector_load %arg7[%swap3A_149, %swap3A_150] {strides = array<i32>} : memref<128x64xf32, #tpu.memory_space<vmem>>, vector<1x16xf32>,
      %swap3A_152 = vector.shape_cast %swap3A_151 : vector<1x16xf32> to vector<16xf32>
      %swap3A_153 = vector.shape_cast %broadcast_in_dim3A_148 : vector<16xf32> to vector<1x16xf32>
      tpu.vector_store %arg7[%swap3A_149, %swap3A_150], %swap3A_153 {strides = array<i32>} : memref<128x64xf32, #tpu.memory_space<vmem>>, vector<1x16xf32>,
    }
    %scan3A_22 = arith.constant 128 : i32
    %mul3A_23 = arith.constant 640 : i32
    %mul3A_24 = arith.muli %arg1, %mul3A_23 : i32
    %add3A_25 = arith.constant 0 : i32
    %add3A_26 = arith.addi %mul3A_24, %add3A_25 : i32
    "tpu.region"() ({
      %run_scoped3A = tpu.sem_alloc : memref<!tpu.dma_semaphore, #tpu.memory_space<semaphore_mem>>
      %dma_start3A_127 = arith.constant 0 : i32
      %dma_start3A_128 = tpu.memref_slice %arg15[%add3A_26, %dma_start3A_127] : memref<10240x64xf32, #tpu.memory_space<vmem_shared>> -> memref<128x64xf32, #tpu.memory_space<vmem_shared>>
      %dma_start3A_129 = arith.constant 0 : i32
      %dma_start3A_130 = tpu.memref_slice %arg15[%add3A_26, %dma_start3A_129] : memref<10240x64xf32, #tpu.memory_space<vmem_shared>> -> memref<128x64xf32, #tpu.memory_space<vmem_shared>>
      tpu.enqueue_dma source(%arg7 : memref<128x64xf32, #tpu.memory_space<vmem>>) target(%dma_start3A_130 : memref<128x64xf32, #tpu.memory_space<vmem_shared>>) target_semaphore(%run_scoped3A : memref<!tpu.dma_semaphore, #tpu.memory_space<semaphore_mem>>)
      %dma_wait3A_131 = arith.constant 0 : i32
      %dma_wait3A_132 = tpu.memref_slice %arg15[%add3A_26, %dma_wait3A_131] : memref<10240x64xf32, #tpu.memory_space<vmem_shared>> -> memref<128x64xf32, #tpu.memory_space<vmem_shared>>
      %dma_wait3A_133 = arith.constant 0 : i32
      %dma_wait3A_134 = tpu.memref_slice %arg15[%add3A_26, %dma_wait3A_133] : memref<10240x64xf32, #tpu.memory_space<vmem_shared>> -> memref<128x64xf32, #tpu.memory_space<vmem_shared>>
      tpu.wait_dma2 semaphore(%run_scoped3A : memref<!tpu.dma_semaphore, #tpu.memory_space<semaphore_mem>>) src(%arg7 : memref<128x64xf32, #tpu.memory_space<vmem>>) dst(%dma_wait3A_134 : memref<128x64xf32, #tpu.memory_space<vmem_shared>>)
      tpu.yield
    }) : () -> ()
    %mul3A_27 = arith.constant 640 : i32
    %mul3A_28 = arith.muli %arg1, %mul3A_27 : i32
    %add3A_29 = arith.constant 128 : i32
    %add3A_30 = arith.addi %mul3A_28, %add3A_29 : i32
    "tpu.region"() ({
      %run_scoped3A = tpu.sem_alloc : memref<!tpu.dma_semaphore, #tpu.memory_space<semaphore_mem>>
      %dma_start3A_127 = arith.constant 0 : i32
      %dma_start3A_128 = tpu.memref_slice %arg15[%add3A_30, %dma_start3A_127] : memref<10240x64xf32, #tpu.memory_space<vmem_shared>> -> memref<128x64xf32, #tpu.memory_space<vmem_shared>>
      %dma_start3A_129 = arith.constant 0 : i32
      %dma_start3A_130 = tpu.memref_slice %arg15[%add3A_30, %dma_start3A_129] : memref<10240x64xf32, #tpu.memory_space<vmem_shared>> -> memref<128x64xf32, #tpu.memory_space<vmem_shared>>
      tpu.enqueue_dma source(%arg7 : memref<128x64xf32, #tpu.memory_space<vmem>>) target(%dma_start3A_130 : memref<128x64xf32, #tpu.memory_space<vmem_shared>>) target_semaphore(%run_scoped3A : memref<!tpu.dma_semaphore, #tpu.memory_space<semaphore_mem>>)
      %dma_wait3A_131 = arith.constant 0 : i32
      %dma_wait3A_132 = tpu.memref_slice %arg15[%add3A_30, %dma_wait3A_131] : memref<10240x64xf32, #tpu.memory_space<vmem_shared>> -> memref<128x64xf32, #tpu.memory_space<vmem_shared>>
      %dma_wait3A_133 = arith.constant 0 : i32
      %dma_wait3A_134 = tpu.memref_slice %arg15[%add3A_30, %dma_wait3A_133] : memref<10240x64xf32, #tpu.memory_space<vmem_shared>> -> memref<128x64xf32, #tpu.memory_space<vmem_shared>>
      tpu.wait_dma2 semaphore(%run_scoped3A : memref<!tpu.dma_semaphore, #tpu.memory_space<semaphore_mem>>) src(%arg7 : memref<128x64xf32, #tpu.memory_space<vmem>>) dst(%dma_wait3A_134 : memref<128x64xf32, #tpu.memory_space<vmem_shared>>)
      tpu.yield
    }) : () -> ()
    %mul3A_31 = arith.constant 640 : i32
    %mul3A_32 = arith.muli %arg1, %mul3A_31 : i32
    %add3A_33 = arith.constant 256 : i32
    %add3A_34 = arith.addi %mul3A_32, %add3A_33 : i32
    "tpu.region"() ({
      %run_scoped3A = tpu.sem_alloc : memref<!tpu.dma_semaphore, #tpu.memory_space<semaphore_mem>>
      %dma_start3A_127 = arith.constant 0 : i32
      %dma_start3A_128 = tpu.memref_slice %arg15[%add3A_34, %dma_start3A_127] : memref<10240x64xf32, #tpu.memory_space<vmem_shared>> -> memref<128x64xf32, #tpu.memory_space<vmem_shared>>
      %dma_start3A_129 = arith.constant 0 : i32
      %dma_start3A_130 = tpu.memref_slice %arg15[%add3A_34, %dma_start3A_129] : memref<10240x64xf32, #tpu.memory_space<vmem_shared>> -> memref<128x64xf32, #tpu.memory_space<vmem_shared>>
      tpu.enqueue_dma source(%arg7 : memref<128x64xf32, #tpu.memory_space<vmem>>) target(%dma_start3A_130 : memref<128x64xf32, #tpu.memory_space<vmem_shared>>) target_semaphore(%run_scoped3A : memref<!tpu.dma_semaphore, #tpu.memory_space<semaphore_mem>>)
      %dma_wait3A_131 = arith.constant 0 : i32
      %dma_wait3A_132 = tpu.memref_slice %arg15[%add3A_34, %dma_wait3A_131] : memref<10240x64xf32, #tpu.memory_space<vmem_shared>> -> memref<128x64xf32, #tpu.memory_space<vmem_shared>>
      %dma_wait3A_133 = arith.constant 0 : i32
      %dma_wait3A_134 = tpu.memref_slice %arg15[%add3A_34, %dma_wait3A_133] : memref<10240x64xf32, #tpu.memory_space<vmem_shared>> -> memref<128x64xf32, #tpu.memory_space<vmem_shared>>
      tpu.wait_dma2 semaphore(%run_scoped3A : memref<!tpu.dma_semaphore, #tpu.memory_space<semaphore_mem>>) src(%arg7 : memref<128x64xf32, #tpu.memory_space<vmem>>) dst(%dma_wait3A_134 : memref<128x64xf32, #tpu.memory_space<vmem_shared>>)
      tpu.yield
    }) : () -> ()
    %mul3A_35 = arith.constant 640 : i32
    %mul3A_36 = arith.muli %arg1, %mul3A_35 : i32
    %add3A_37 = arith.constant 384 : i32
    %add3A_38 = arith.addi %mul3A_36, %add3A_37 : i32
    "tpu.region"() ({
      %run_scoped3A = tpu.sem_alloc : memref<!tpu.dma_semaphore, #tpu.memory_space<semaphore_mem>>
      %dma_start3A_127 = arith.constant 0 : i32
      %dma_start3A_128 = tpu.memref_slice %arg15[%add3A_38, %dma_start3A_127] : memref<10240x64xf32, #tpu.memory_space<vmem_shared>> -> memref<128x64xf32, #tpu.memory_space<vmem_shared>>
      %dma_start3A_129 = arith.constant 0 : i32
      %dma_start3A_130 = tpu.memref_slice %arg15[%add3A_38, %dma_start3A_129] : memref<10240x64xf32, #tpu.memory_space<vmem_shared>> -> memref<128x64xf32, #tpu.memory_space<vmem_shared>>
      tpu.enqueue_dma source(%arg7 : memref<128x64xf32, #tpu.memory_space<vmem>>) target(%dma_start3A_130 : memref<128x64xf32, #tpu.memory_space<vmem_shared>>) target_semaphore(%run_scoped3A : memref<!tpu.dma_semaphore, #tpu.memory_space<semaphore_mem>>)
      %dma_wait3A_131 = arith.constant 0 : i32
      %dma_wait3A_132 = tpu.memref_slice %arg15[%add3A_38, %dma_wait3A_131] : memref<10240x64xf32, #tpu.memory_space<vmem_shared>> -> memref<128x64xf32, #tpu.memory_space<vmem_shared>>
      %dma_wait3A_133 = arith.constant 0 : i32
      %dma_wait3A_134 = tpu.memref_slice %arg15[%add3A_38, %dma_wait3A_133] : memref<10240x64xf32, #tpu.memory_space<vmem_shared>> -> memref<128x64xf32, #tpu.memory_space<vmem_shared>>
      tpu.wait_dma2 semaphore(%run_scoped3A : memref<!tpu.dma_semaphore, #tpu.memory_space<semaphore_mem>>) src(%arg7 : memref<128x64xf32, #tpu.memory_space<vmem>>) dst(%dma_wait3A_134 : memref<128x64xf32, #tpu.memory_space<vmem_shared>>)
      tpu.yield
    }) : () -> ()
    %mul3A_39 = arith.constant 640 : i32
    %mul3A_40 = arith.muli %arg1, %mul3A_39 : i32
    %add3A_41 = arith.constant 512 : i32
    %add3A_42 = arith.addi %mul3A_40, %add3A_41 : i32
    "tpu.region"() ({
      %run_scoped3A = tpu.sem_alloc : memref<!tpu.dma_semaphore, #tpu.memory_space<semaphore_mem>>
      %dma_start3A_127 = arith.constant 0 : i32
      %dma_start3A_128 = tpu.memref_slice %arg15[%add3A_42, %dma_start3A_127] : memref<10240x64xf32, #tpu.memory_space<vmem_shared>> -> memref<128x64xf32, #tpu.memory_space<vmem_shared>>
      %dma_start3A_129 = arith.constant 0 : i32
      %dma_start3A_130 = tpu.memref_slice %arg15[%add3A_42, %dma_start3A_129] : memref<10240x64xf32, #tpu.memory_space<vmem_shared>> -> memref<128x64xf32, #tpu.memory_space<vmem_shared>>
      tpu.enqueue_dma source(%arg7 : memref<128x64xf32, #tpu.memory_space<vmem>>) target(%dma_start3A_130 : memref<128x64xf32, #tpu.memory_space<vmem_shared>>) target_semaphore(%run_scoped3A : memref<!tpu.dma_semaphore, #tpu.memory_space<semaphore_mem>>)
      %dma_wait3A_131 = arith.constant 0 : i32
      %dma_wait3A_132 = tpu.memref_slice %arg15[%add3A_42, %dma_wait3A_131] : memref<10240x64xf32, #tpu.memory_space<vmem_shared>> -> memref<128x64xf32, #tpu.memory_space<vmem_shared>>
      %dma_wait3A_133 = arith.constant 0 : i32
      %dma_wait3A_134 = tpu.memref_slice %arg15[%add3A_42, %dma_wait3A_133] : memref<10240x64xf32, #tpu.memory_space<vmem_shared>> -> memref<128x64xf32, #tpu.memory_space<vmem_shared>>
      tpu.wait_dma2 semaphore(%run_scoped3A : memref<!tpu.dma_semaphore, #tpu.memory_space<semaphore_mem>>) src(%arg7 : memref<128x64xf32, #tpu.memory_space<vmem>>) dst(%dma_wait3A_134 : memref<128x64xf32, #tpu.memory_space<vmem_shared>>)
      tpu.yield
    }) : () -> ()
    %barrier3A = arith.constant 0 : index
    tpu.barrier barrier_id(%barrier3A)
    %dma_wait3A = arith.constant 0 : i32
    %dma_wait3A_43 = arith.constant 0 : i32
    %dma_wait3A_44 = arith.constant 0 : i32
    %dma_wait3A_45 = tpu.memref_slice %arg3[%dma_wait3A, %add3A, %dma_wait3A_43, %dma_wait3A_44] : memref<2x32x80x128xi32, #tpu.memory_space<hbm>> -> memref<1x1x80x128xi32, #tpu.memory_space<hbm>>
    %dma_wait3A_46 = tpu.memref_squeeze %dma_wait3A_45 : memref<1x1x80x128xi32, #tpu.memory_space<hbm>> -> memref<80x128xi32, #tpu.memory_space<hbm>>
    %dma_wait3A_47 = arith.constant 0 : i32
    %dma_wait3A_48 = arith.constant 0 : i32
    %dma_wait3A_49 = tpu.memref_slice %arg3[%dma_wait3A, %add3A, %dma_wait3A_47, %dma_wait3A_48] : memref<2x32x80x128xi32, #tpu.memory_space<hbm>> -> memref<1x1x80x128xi32, #tpu.memory_space<hbm>>
    %dma_wait3A_50 = tpu.memref_squeeze %dma_wait3A_49 : memref<1x1x80x128xi32, #tpu.memory_space<hbm>> -> memref<80x128xi32, #tpu.memory_space<hbm>>
    tpu.wait_dma2 semaphore(%arg16 : memref<!tpu.dma_semaphore, #tpu.memory_space<semaphore_mem>>) src(%dma_wait3A_50 : memref<80x128xi32, #tpu.memory_space<hbm>>) dst(%arg5 : memref<80x128xi32, #tpu.memory_space<vmem>>)
    %dma_wait3A_51 = arith.constant 1 : i32
    %dma_wait3A_52 = arith.constant 0 : i32
    %dma_wait3A_53 = arith.constant 0 : i32
    %dma_wait3A_54 = tpu.memref_slice %arg3[%dma_wait3A_51, %add3A, %dma_wait3A_52, %dma_wait3A_53] : memref<2x32x80x128xi32, #tpu.memory_space<hbm>> -> memref<1x1x80x128xi32, #tpu.memory_space<hbm>>
    %dma_wait3A_55 = tpu.memref_squeeze %dma_wait3A_54 : memref<1x1x80x128xi32, #tpu.memory_space<hbm>> -> memref<80x128xi32, #tpu.memory_space<hbm>>
    %dma_wait3A_56 = arith.constant 0 : i32
    %dma_wait3A_57 = arith.constant 0 : i32
    %dma_wait3A_58 = tpu.memref_slice %arg3[%dma_wait3A_51, %add3A, %dma_wait3A_56, %dma_wait3A_57] : memref<2x32x80x128xi32, #tpu.memory_space<hbm>> -> memref<1x1x80x128xi32, #tpu.memory_space<hbm>>
    %dma_wait3A_59 = tpu.memref_squeeze %dma_wait3A_58 : memref<1x1x80x128xi32, #tpu.memory_space<hbm>> -> memref<80x128xi32, #tpu.memory_space<hbm>>
    tpu.wait_dma2 semaphore(%arg17 : memref<!tpu.dma_semaphore, #tpu.memory_space<semaphore_mem>>) src(%dma_wait3A_59 : memref<80x128xi32, #tpu.memory_space<hbm>>) dst(%arg6 : memref<80x128xi32, #tpu.memory_space<vmem>>)
    %dma_start3A_60 = arith.constant 0 : i32
    %dma_start3A_61 = arith.constant 0 : i32
    %dma_start3A_62 = tpu.memref_slice %arg5[%dma_start3A_60, %dma_start3A_61] : memref<80x128xi32, #tpu.memory_space<vmem>> -> memref<1x128xi32, #tpu.memory_space<vmem>>
    %dma_start3A_63 = tpu.memref_squeeze %dma_start3A_62 : memref<1x128xi32, #tpu.memory_space<vmem>> -> memref<128xi32, #tpu.memory_space<vmem>>
    %dma_start3A_64 = arith.constant 0 : i32
    %dma_start3A_65 = arith.constant 0 : i32
    %dma_start3A_66 = tpu.memref_slice %arg2[%dma_start3A_64, %dma_start3A_65] : memref<10240x64xf32, #tpu.memory_space<hbm>> -> memref<10240x64xf32, #tpu.memory_space<hbm>>
    tpu.enqueue_indirect_dma source(%dma_start3A_66 : memref<10240x64xf32, #tpu.memory_space<hbm>>) target(%arg7 : memref<128x64xf32, #tpu.memory_space<vmem>>) offsets(%dma_start3A_63 : memref<128xi32, #tpu.memory_space<vmem>>) semaphore(%arg16 : memref<!tpu.dma_semaphore, #tpu.memory_space<semaphore_mem>>)
    %dma_start3A_67 = arith.constant 1 : i32
    %dma_start3A_68 = arith.constant 0 : i32
    %dma_start3A_69 = tpu.memref_slice %arg5[%dma_start3A_67, %dma_start3A_68] : memref<80x128xi32, #tpu.memory_space<vmem>> -> memref<1x128xi32, #tpu.memory_space<vmem>>
    %dma_start3A_70 = tpu.memref_squeeze %dma_start3A_69 : memref<1x128xi32, #tpu.memory_space<vmem>> -> memref<128xi32, #tpu.memory_space<vmem>>
    %dma_start3A_71 = arith.constant 0 : i32
    %dma_start3A_72 = arith.constant 0 : i32
    %dma_start3A_73 = tpu.memref_slice %arg2[%dma_start3A_71, %dma_start3A_72] : memref<10240x64xf32, #tpu.memory_space<hbm>> -> memref<10240x64xf32, #tpu.memory_space<hbm>>
    tpu.enqueue_indirect_dma source(%dma_start3A_73 : memref<10240x64xf32, #tpu.memory_space<hbm>>) target(%arg8 : memref<128x64xf32, #tpu.memory_space<vmem>>) offsets(%dma_start3A_70 : memref<128xi32, #tpu.memory_space<vmem>>) semaphore(%arg17 : memref<!tpu.dma_semaphore, #tpu.memory_space<semaphore_mem>>)
    %dma_start3A_74 = arith.constant 2 : i32
    %dma_start3A_75 = arith.constant 0 : i32
    %dma_start3A_76 = tpu.memref_slice %arg5[%dma_start3A_74, %dma_start3A_75] : memref<80x128xi32, #tpu.memory_space<vmem>> -> memref<1x128xi32, #tpu.memory_space<vmem>>
    %dma_start3A_77 = tpu.memref_squeeze %dma_start3A_76 : memref<1x128xi32, #tpu.memory_space<vmem>> -> memref<128xi32, #tpu.memory_space<vmem>>
    %dma_start3A_78 = arith.constant 0 : i32
    %dma_start3A_79 = arith.constant 0 : i32
    %dma_start3A_80 = tpu.memref_slice %arg2[%dma_start3A_78, %dma_start3A_79] : memref<10240x64xf32, #tpu.memory_space<hbm>> -> memref<10240x64xf32, #tpu.memory_space<hbm>>
    tpu.enqueue_indirect_dma source(%dma_start3A_80 : memref<10240x64xf32, #tpu.memory_space<hbm>>) target(%arg9 : memref<128x64xf32, #tpu.memory_space<vmem>>) offsets(%dma_start3A_77 : memref<128xi32, #tpu.memory_space<vmem>>) semaphore(%arg18 : memref<!tpu.dma_semaphore, #tpu.memory_space<semaphore_mem>>)
    %dma_start3A_81 = arith.constant 3 : i32
    %dma_start3A_82 = arith.constant 0 : i32
    %dma_start3A_83 = tpu.memref_slice %arg5[%dma_start3A_81, %dma_start3A_82] : memref<80x128xi32, #tpu.memory_space<vmem>> -> memref<1x128xi32, #tpu.memory_space<vmem>>
    %dma_start3A_84 = tpu.memref_squeeze %dma_start3A_83 : memref<1x128xi32, #tpu.memory_space<vmem>> -> memref<128xi32, #tpu.memory_space<vmem>>
    %dma_start3A_85 = arith.constant 0 : i32
    %dma_start3A_86 = arith.constant 0 : i32
    %dma_start3A_87 = tpu.memref_slice %arg2[%dma_start3A_85, %dma_start3A_86] : memref<10240x64xf32, #tpu.memory_space<hbm>> -> memref<10240x64xf32, #tpu.memory_space<hbm>>
    tpu.enqueue_indirect_dma source(%dma_start3A_87 : memref<10240x64xf32, #tpu.memory_space<hbm>>) target(%arg10 : memref<128x64xf32, #tpu.memory_space<vmem>>) offsets(%dma_start3A_84 : memref<128xi32, #tpu.memory_space<vmem>>) semaphore(%arg19 : memref<!tpu.dma_semaphore, #tpu.memory_space<semaphore_mem>>)
    %dma_start3A_88 = arith.constant 4 : i32
    %dma_start3A_89 = arith.constant 0 : i32
    %dma_start3A_90 = tpu.memref_slice %arg5[%dma_start3A_88, %dma_start3A_89] : memref<80x128xi32, #tpu.memory_space<vmem>> -> memref<1x128xi32, #tpu.memory_space<vmem>>
    %dma_start3A_91 = tpu.memref_squeeze %dma_start3A_90 : memref<1x128xi32, #tpu.memory_space<vmem>> -> memref<128xi32, #tpu.memory_space<vmem>>
    %dma_start3A_92 = arith.constant 0 : i32
    %dma_start3A_93 = arith.constant 0 : i32
    %dma_start3A_94 = tpu.memref_slice %arg2[%dma_start3A_92, %dma_start3A_93] : memref<10240x64xf32, #tpu.memory_space<hbm>> -> memref<10240x64xf32, #tpu.memory_space<hbm>>
    tpu.enqueue_indirect_dma source(%dma_start3A_94 : memref<10240x64xf32, #tpu.memory_space<hbm>>) target(%arg11 : memref<128x64xf32, #tpu.memory_space<vmem>>) offsets(%dma_start3A_91 : memref<128xi32, #tpu.memory_space<vmem>>) semaphore(%arg20 : memref<!tpu.dma_semaphore, #tpu.memory_space<semaphore_mem>>)
    %dma_start3A_95 = arith.constant 5 : i32
    %dma_start3A_96 = arith.constant 0 : i32
    %dma_start3A_97 = tpu.memref_slice %arg5[%dma_start3A_95, %dma_start3A_96] : memref<80x128xi32, #tpu.memory_space<vmem>> -> memref<1x128xi32, #tpu.memory_space<vmem>>
    %dma_start3A_98 = tpu.memref_squeeze %dma_start3A_97 : memref<1x128xi32, #tpu.memory_space<vmem>> -> memref<128xi32, #tpu.memory_space<vmem>>
    %dma_start3A_99 = arith.constant 0 : i32
    %dma_start3A_100 = arith.constant 0 : i32
    %dma_start3A_101 = tpu.memref_slice %arg2[%dma_start3A_99, %dma_start3A_100] : memref<10240x64xf32, #tpu.memory_space<hbm>> -> memref<10240x64xf32, #tpu.memory_space<hbm>>
    tpu.enqueue_indirect_dma source(%dma_start3A_101 : memref<10240x64xf32, #tpu.memory_space<hbm>>) target(%arg12 : memref<128x64xf32, #tpu.memory_space<vmem>>) offsets(%dma_start3A_98 : memref<128xi32, #tpu.memory_space<vmem>>) semaphore(%arg21 : memref<!tpu.dma_semaphore, #tpu.memory_space<semaphore_mem>>)
    %dma_start3A_102 = arith.constant 6 : i32
    %dma_start3A_103 = arith.constant 0 : i32
    %dma_start3A_104 = tpu.memref_slice %arg5[%dma_start3A_102, %dma_start3A_103] : memref<80x128xi32, #tpu.memory_space<vmem>> -> memref<1x128xi32, #tpu.memory_space<vmem>>
    %dma_start3A_105 = tpu.memref_squeeze %dma_start3A_104 : memref<1x128xi32, #tpu.memory_space<vmem>> -> memref<128xi32, #tpu.memory_space<vmem>>
    %dma_start3A_106 = arith.constant 0 : i32
    %dma_start3A_107 = arith.constant 0 : i32
    %dma_start3A_108 = tpu.memref_slice %arg2[%dma_start3A_106, %dma_start3A_107] : memref<10240x64xf32, #tpu.memory_space<hbm>> -> memref<10240x64xf32, #tpu.memory_space<hbm>>
    tpu.enqueue_indirect_dma source(%dma_start3A_108 : memref<10240x64xf32, #tpu.memory_space<hbm>>) target(%arg13 : memref<128x64xf32, #tpu.memory_space<vmem>>) offsets(%dma_start3A_105 : memref<128xi32, #tpu.memory_space<vmem>>) semaphore(%arg22 : memref<!tpu.dma_semaphore, #tpu.memory_space<semaphore_mem>>)
    %dma_start3A_109 = arith.constant 7 : i32
    %dma_start3A_110 = arith.constant 0 : i32
    %dma_start3A_111 = tpu.memref_slice %arg5[%dma_start3A_109, %dma_start3A_110] : memref<80x128xi32, #tpu.memory_space<vmem>> -> memref<1x128xi32, #tpu.memory_space<vmem>>
    %dma_start3A_112 = tpu.memref_squeeze %dma_start3A_111 : memref<1x128xi32, #tpu.memory_space<vmem>> -> memref<128xi32, #tpu.memory_space<vmem>>
    %dma_start3A_113 = arith.constant 0 : i32
    %dma_start3A_114 = arith.constant 0 : i32
    %dma_start3A_115 = tpu.memref_slice %arg2[%dma_start3A_113, %dma_start3A_114] : memref<10240x64xf32, #tpu.memory_space<hbm>> -> memref<10240x64xf32, #tpu.memory_space<hbm>>
    tpu.enqueue_indirect_dma source(%dma_start3A_115 : memref<10240x64xf32, #tpu.memory_space<hbm>>) target(%arg14 : memref<128x64xf32, #tpu.memory_space<vmem>>) offsets(%dma_start3A_112 : memref<128xi32, #tpu.memory_space<vmem>>) semaphore(%arg23 : memref<!tpu.dma_semaphore, #tpu.memory_space<semaphore_mem>>)
    %scan3A_116 = arith.constant 0 : i32
    %scan3A_117 = arith.constant 0 : i32
    %scan3A_118 = arith.constant 10 : i32
    %scan3A_119 = arith.addi %scan3A_117, %scan3A_118 : i32
    %scan3A_120 = arith.constant 1 : i32
    scf.for %scan3A_127 = %scan3A_117 to %scan3A_119 step %scan3A_120  : i32 {
      %mul3A_128 = arith.constant 8 : i32
      %mul3A_129 = arith.muli %scan3A_127, %mul3A_128 : i32
      %add3A_130 = arith.constant 0 : i32
      %add3A_131 = arith.addi %mul3A_129, %add3A_130 : i32
      %dma_wait3A_132 = arith.constant 0 : i32
      %dma_wait3A_133 = tpu.memref_slice %arg5[%add3A_131, %dma_wait3A_132] : memref<80x128xi32, #tpu.memory_space<vmem>> -> memref<1x128xi32, #tpu.memory_space<vmem>>
      %dma_wait3A_134 = tpu.memref_squeeze %dma_wait3A_133 : memref<1x128xi32, #tpu.memory_space<vmem>> -> memref<128xi32, #tpu.memory_space<vmem>>
      %dma_wait3A_135 = arith.constant 0 : i32
      %dma_wait3A_136 = arith.constant 0 : i32
      %dma_wait3A_137 = tpu.memref_slice %arg2[%dma_wait3A_135, %dma_wait3A_136] : memref<10240x64xf32, #tpu.memory_space<hbm>> -> memref<10240x64xf32, #tpu.memory_space<hbm>>
      tpu.wait_indirect_dma semaphore(%arg16 : memref<!tpu.dma_semaphore, #tpu.memory_space<semaphore_mem>>) src(%dma_wait3A_137 : memref<10240x64xf32, #tpu.memory_space<hbm>>) dst(%arg7 : memref<128x64xf32, #tpu.memory_space<vmem>>)
      %add3A_138 = arith.constant 0 : i32
      %add3A_139 = arith.addi %mul3A_129, %add3A_138 : i32
      %dma_start3A_140 = arith.constant 0 : i32
      %dma_start3A_141 = tpu.memref_slice %arg6[%add3A_139, %dma_start3A_140] : memref<80x128xi32, #tpu.memory_space<vmem>> -> memref<1x128xi32, #tpu.memory_space<vmem>>
      %dma_start3A_142 = tpu.memref_squeeze %dma_start3A_141 : memref<1x128xi32, #tpu.memory_space<vmem>> -> memref<128xi32, #tpu.memory_space<vmem>>
      %dma_start3A_143 = arith.constant 0 : i32
      %dma_start3A_144 = arith.constant 0 : i32
      %dma_start3A_145 = tpu.memref_slice %arg15[%dma_start3A_143, %dma_start3A_144] : memref<10240x64xf32, #tpu.memory_space<vmem_shared>> -> memref<10240x64xf32, #tpu.memory_space<vmem_shared>>
      tpu.enqueue_indirect_dma source(%arg7 : memref<128x64xf32, #tpu.memory_space<vmem>>) target(%dma_start3A_145 : memref<10240x64xf32, #tpu.memory_space<vmem_shared>>) offsets(%dma_start3A_142 : memref<128xi32, #tpu.memory_space<vmem>>) semaphore(%arg24 : memref<!tpu.dma_semaphore, #tpu.memory_space<semaphore_mem>>) {add = true}
      %add3A_146 = arith.constant 1 : i32
      %add3A_147 = arith.addi %mul3A_129, %add3A_146 : i32
      %dma_wait3A_148 = arith.constant 0 : i32
      %dma_wait3A_149 = tpu.memref_slice %arg5[%add3A_147, %dma_wait3A_148] : memref<80x128xi32, #tpu.memory_space<vmem>> -> memref<1x128xi32, #tpu.memory_space<vmem>>
      %dma_wait3A_150 = tpu.memref_squeeze %dma_wait3A_149 : memref<1x128xi32, #tpu.memory_space<vmem>> -> memref<128xi32, #tpu.memory_space<vmem>>
      %dma_wait3A_151 = arith.constant 0 : i32
      %dma_wait3A_152 = arith.constant 0 : i32
      %dma_wait3A_153 = tpu.memref_slice %arg2[%dma_wait3A_151, %dma_wait3A_152] : memref<10240x64xf32, #tpu.memory_space<hbm>> -> memref<10240x64xf32, #tpu.memory_space<hbm>>
      tpu.wait_indirect_dma semaphore(%arg17 : memref<!tpu.dma_semaphore, #tpu.memory_space<semaphore_mem>>) src(%dma_wait3A_153 : memref<10240x64xf32, #tpu.memory_space<hbm>>) dst(%arg8 : memref<128x64xf32, #tpu.memory_space<vmem>>)
      %add3A_154 = arith.constant 1 : i32
      %add3A_155 = arith.addi %mul3A_129, %add3A_154 : i32
      %dma_start3A_156 = arith.constant 0 : i32
      %dma_start3A_157 = tpu.memref_slice %arg6[%add3A_155, %dma_start3A_156] : memref<80x128xi32, #tpu.memory_space<vmem>> -> memref<1x128xi32, #tpu.memory_space<vmem>>
      %dma_start3A_158 = tpu.memref_squeeze %dma_start3A_157 : memref<1x128xi32, #tpu.memory_space<vmem>> -> memref<128xi32, #tpu.memory_space<vmem>>
      %dma_start3A_159 = arith.constant 0 : i32
      %dma_start3A_160 = arith.constant 0 : i32
      %dma_start3A_161 = tpu.memref_slice %arg15[%dma_start3A_159, %dma_start3A_160] : memref<10240x64xf32, #tpu.memory_space<vmem_shared>> -> memref<10240x64xf32, #tpu.memory_space<vmem_shared>>
      tpu.enqueue_indirect_dma source(%arg8 : memref<128x64xf32, #tpu.memory_space<vmem>>) target(%dma_start3A_161 : memref<10240x64xf32, #tpu.memory_space<vmem_shared>>) offsets(%dma_start3A_158 : memref<128xi32, #tpu.memory_space<vmem>>) semaphore(%arg25 : memref<!tpu.dma_semaphore, #tpu.memory_space<semaphore_mem>>) {add = true}
      %add3A_162 = arith.constant 2 : i32
      %add3A_163 = arith.addi %mul3A_129, %add3A_162 : i32
      %dma_wait3A_164 = arith.constant 0 : i32
      %dma_wait3A_165 = tpu.memref_slice %arg5[%add3A_163, %dma_wait3A_164] : memref<80x128xi32, #tpu.memory_space<vmem>> -> memref<1x128xi32, #tpu.memory_space<vmem>>
      %dma_wait3A_166 = tpu.memref_squeeze %dma_wait3A_165 : memref<1x128xi32, #tpu.memory_space<vmem>> -> memref<128xi32, #tpu.memory_space<vmem>>
      %dma_wait3A_167 = arith.constant 0 : i32
      %dma_wait3A_168 = arith.constant 0 : i32
      %dma_wait3A_169 = tpu.memref_slice %arg2[%dma_wait3A_167, %dma_wait3A_168] : memref<10240x64xf32, #tpu.memory_space<hbm>> -> memref<10240x64xf32, #tpu.memory_space<hbm>>
      tpu.wait_indirect_dma semaphore(%arg18 : memref<!tpu.dma_semaphore, #tpu.memory_space<semaphore_mem>>) src(%dma_wait3A_169 : memref<10240x64xf32, #tpu.memory_space<hbm>>) dst(%arg9 : memref<128x64xf32, #tpu.memory_space<vmem>>)
      %add3A_170 = arith.constant 2 : i32
      %add3A_171 = arith.addi %mul3A_129, %add3A_170 : i32
      %dma_start3A_172 = arith.constant 0 : i32
      %dma_start3A_173 = tpu.memref_slice %arg6[%add3A_171, %dma_start3A_172] : memref<80x128xi32, #tpu.memory_space<vmem>> -> memref<1x128xi32, #tpu.memory_space<vmem>>
      %dma_start3A_174 = tpu.memref_squeeze %dma_start3A_173 : memref<1x128xi32, #tpu.memory_space<vmem>> -> memref<128xi32, #tpu.memory_space<vmem>>
      %dma_start3A_175 = arith.constant 0 : i32
      %dma_start3A_176 = arith.constant 0 : i32
      %dma_start3A_177 = tpu.memref_slice %arg15[%dma_start3A_175, %dma_start3A_176] : memref<10240x64xf32, #tpu.memory_space<vmem_shared>> -> memref<10240x64xf32, #tpu.memory_space<vmem_shared>>
      tpu.enqueue_indirect_dma source(%arg9 : memref<128x64xf32, #tpu.memory_space<vmem>>) target(%dma_start3A_177 : memref<10240x64xf32, #tpu.memory_space<vmem_shared>>) offsets(%dma_start3A_174 : memref<128xi32, #tpu.memory_space<vmem>>) semaphore(%arg26 : memref<!tpu.dma_semaphore, #tpu.memory_space<semaphore_mem>>) {add = true}
      %add3A_178 = arith.constant 3 : i32
      %add3A_179 = arith.addi %mul3A_129, %add3A_178 : i32
      %dma_wait3A_180 = arith.constant 0 : i32
      %dma_wait3A_181 = tpu.memref_slice %arg5[%add3A_179, %dma_wait3A_180] : memref<80x128xi32, #tpu.memory_space<vmem>> -> memref<1x128xi32, #tpu.memory_space<vmem>>
      %dma_wait3A_182 = tpu.memref_squeeze %dma_wait3A_181 : memref<1x128xi32, #tpu.memory_space<vmem>> -> memref<128xi32, #tpu.memory_space<vmem>>
      %dma_wait3A_183 = arith.constant 0 : i32
      %dma_wait3A_184 = arith.constant 0 : i32
      %dma_wait3A_185 = tpu.memref_slice %arg2[%dma_wait3A_183, %dma_wait3A_184] : memref<10240x64xf32, #tpu.memory_space<hbm>> -> memref<10240x64xf32, #tpu.memory_space<hbm>>
      tpu.wait_indirect_dma semaphore(%arg19 : memref<!tpu.dma_semaphore, #tpu.memory_space<semaphore_mem>>) src(%dma_wait3A_185 : memref<10240x64xf32, #tpu.memory_space<hbm>>) dst(%arg10 : memref<128x64xf32, #tpu.memory_space<vmem>>)
      %add3A_186 = arith.constant 3 : i32
      %add3A_187 = arith.addi %mul3A_129, %add3A_186 : i32
      %dma_start3A_188 = arith.constant 0 : i32
      %dma_start3A_189 = tpu.memref_slice %arg6[%add3A_187, %dma_start3A_188] : memref<80x128xi32, #tpu.memory_space<vmem>> -> memref<1x128xi32, #tpu.memory_space<vmem>>
      %dma_start3A_190 = tpu.memref_squeeze %dma_start3A_189 : memref<1x128xi32, #tpu.memory_space<vmem>> -> memref<128xi32, #tpu.memory_space<vmem>>
      %dma_start3A_191 = arith.constant 0 : i32
      %dma_start3A_192 = arith.constant 0 : i32
      %dma_start3A_193 = tpu.memref_slice %arg15[%dma_start3A_191, %dma_start3A_192] : memref<10240x64xf32, #tpu.memory_space<vmem_shared>> -> memref<10240x64xf32, #tpu.memory_space<vmem_shared>>
      tpu.enqueue_indirect_dma source(%arg10 : memref<128x64xf32, #tpu.memory_space<vmem>>) target(%dma_start3A_193 : memref<10240x64xf32, #tpu.memory_space<vmem_shared>>) offsets(%dma_start3A_190 : memref<128xi32, #tpu.memory_space<vmem>>) semaphore(%arg27 : memref<!tpu.dma_semaphore, #tpu.memory_space<semaphore_mem>>) {add = true}
      %add3A_194 = arith.constant 4 : i32
      %add3A_195 = arith.addi %mul3A_129, %add3A_194 : i32
      %dma_wait3A_196 = arith.constant 0 : i32
      %dma_wait3A_197 = tpu.memref_slice %arg5[%add3A_195, %dma_wait3A_196] : memref<80x128xi32, #tpu.memory_space<vmem>> -> memref<1x128xi32, #tpu.memory_space<vmem>>
      %dma_wait3A_198 = tpu.memref_squeeze %dma_wait3A_197 : memref<1x128xi32, #tpu.memory_space<vmem>> -> memref<128xi32, #tpu.memory_space<vmem>>
      %dma_wait3A_199 = arith.constant 0 : i32
      %dma_wait3A_200 = arith.constant 0 : i32
      %dma_wait3A_201 = tpu.memref_slice %arg2[%dma_wait3A_199, %dma_wait3A_200] : memref<10240x64xf32, #tpu.memory_space<hbm>> -> memref<10240x64xf32, #tpu.memory_space<hbm>>
      tpu.wait_indirect_dma semaphore(%arg20 : memref<!tpu.dma_semaphore, #tpu.memory_space<semaphore_mem>>) src(%dma_wait3A_201 : memref<10240x64xf32, #tpu.memory_space<hbm>>) dst(%arg11 : memref<128x64xf32, #tpu.memory_space<vmem>>)
      %add3A_202 = arith.constant 4 : i32
      %add3A_203 = arith.addi %mul3A_129, %add3A_202 : i32
      %dma_start3A_204 = arith.constant 0 : i32
      %dma_start3A_205 = tpu.memref_slice %arg6[%add3A_203, %dma_start3A_204] : memref<80x128xi32, #tpu.memory_space<vmem>> -> memref<1x128xi32, #tpu.memory_space<vmem>>
      %dma_start3A_206 = tpu.memref_squeeze %dma_start3A_205 : memref<1x128xi32, #tpu.memory_space<vmem>> -> memref<128xi32, #tpu.memory_space<vmem>>
      %dma_start3A_207 = arith.constant 0 : i32
      %dma_start3A_208 = arith.constant 0 : i32
      %dma_start3A_209 = tpu.memref_slice %arg15[%dma_start3A_207, %dma_start3A_208] : memref<10240x64xf32, #tpu.memory_space<vmem_shared>> -> memref<10240x64xf32, #tpu.memory_space<vmem_shared>>
      tpu.enqueue_indirect_dma source(%arg11 : memref<128x64xf32, #tpu.memory_space<vmem>>) target(%dma_start3A_209 : memref<10240x64xf32, #tpu.memory_space<vmem_shared>>) offsets(%dma_start3A_206 : memref<128xi32, #tpu.memory_space<vmem>>) semaphore(%arg28 : memref<!tpu.dma_semaphore, #tpu.memory_space<semaphore_mem>>) {add = true}
      %add3A_210 = arith.constant 5 : i32
      %add3A_211 = arith.addi %mul3A_129, %add3A_210 : i32
      %dma_wait3A_212 = arith.constant 0 : i32
      %dma_wait3A_213 = tpu.memref_slice %arg5[%add3A_211, %dma_wait3A_212] : memref<80x128xi32, #tpu.memory_space<vmem>> -> memref<1x128xi32, #tpu.memory_space<vmem>>
      %dma_wait3A_214 = tpu.memref_squeeze %dma_wait3A_213 : memref<1x128xi32, #tpu.memory_space<vmem>> -> memref<128xi32, #tpu.memory_space<vmem>>
      %dma_wait3A_215 = arith.constant 0 : i32
      %dma_wait3A_216 = arith.constant 0 : i32
      %dma_wait3A_217 = tpu.memref_slice %arg2[%dma_wait3A_215, %dma_wait3A_216] : memref<10240x64xf32, #tpu.memory_space<hbm>> -> memref<10240x64xf32, #tpu.memory_space<hbm>>
      tpu.wait_indirect_dma semaphore(%arg21 : memref<!tpu.dma_semaphore, #tpu.memory_space<semaphore_mem>>) src(%dma_wait3A_217 : memref<10240x64xf32, #tpu.memory_space<hbm>>) dst(%arg12 : memref<128x64xf32, #tpu.memory_space<vmem>>)
      %add3A_218 = arith.constant 5 : i32
      %add3A_219 = arith.addi %mul3A_129, %add3A_218 : i32
      %dma_start3A_220 = arith.constant 0 : i32
      %dma_start3A_221 = tpu.memref_slice %arg6[%add3A_219, %dma_start3A_220] : memref<80x128xi32, #tpu.memory_space<vmem>> -> memref<1x128xi32, #tpu.memory_space<vmem>>
      %dma_start3A_222 = tpu.memref_squeeze %dma_start3A_221 : memref<1x128xi32, #tpu.memory_space<vmem>> -> memref<128xi32, #tpu.memory_space<vmem>>
      %dma_start3A_223 = arith.constant 0 : i32
      %dma_start3A_224 = arith.constant 0 : i32
      %dma_start3A_225 = tpu.memref_slice %arg15[%dma_start3A_223, %dma_start3A_224] : memref<10240x64xf32, #tpu.memory_space<vmem_shared>> -> memref<10240x64xf32, #tpu.memory_space<vmem_shared>>
      tpu.enqueue_indirect_dma source(%arg12 : memref<128x64xf32, #tpu.memory_space<vmem>>) target(%dma_start3A_225 : memref<10240x64xf32, #tpu.memory_space<vmem_shared>>) offsets(%dma_start3A_222 : memref<128xi32, #tpu.memory_space<vmem>>) semaphore(%arg29 : memref<!tpu.dma_semaphore, #tpu.memory_space<semaphore_mem>>) {add = true}
      %add3A_226 = arith.constant 6 : i32
      %add3A_227 = arith.addi %mul3A_129, %add3A_226 : i32
      %dma_wait3A_228 = arith.constant 0 : i32
      %dma_wait3A_229 = tpu.memref_slice %arg5[%add3A_227, %dma_wait3A_228] : memref<80x128xi32, #tpu.memory_space<vmem>> -> memref<1x128xi32, #tpu.memory_space<vmem>>
      %dma_wait3A_230 = tpu.memref_squeeze %dma_wait3A_229 : memref<1x128xi32, #tpu.memory_space<vmem>> -> memref<128xi32, #tpu.memory_space<vmem>>
      %dma_wait3A_231 = arith.constant 0 : i32
      %dma_wait3A_232 = arith.constant 0 : i32
      %dma_wait3A_233 = tpu.memref_slice %arg2[%dma_wait3A_231, %dma_wait3A_232] : memref<10240x64xf32, #tpu.memory_space<hbm>> -> memref<10240x64xf32, #tpu.memory_space<hbm>>
      tpu.wait_indirect_dma semaphore(%arg22 : memref<!tpu.dma_semaphore, #tpu.memory_space<semaphore_mem>>) src(%dma_wait3A_233 : memref<10240x64xf32, #tpu.memory_space<hbm>>) dst(%arg13 : memref<128x64xf32, #tpu.memory_space<vmem>>)
      %add3A_234 = arith.constant 6 : i32
      %add3A_235 = arith.addi %mul3A_129, %add3A_234 : i32
      %dma_start3A_236 = arith.constant 0 : i32
      %dma_start3A_237 = tpu.memref_slice %arg6[%add3A_235, %dma_start3A_236] : memref<80x128xi32, #tpu.memory_space<vmem>> -> memref<1x128xi32, #tpu.memory_space<vmem>>
      %dma_start3A_238 = tpu.memref_squeeze %dma_start3A_237 : memref<1x128xi32, #tpu.memory_space<vmem>> -> memref<128xi32, #tpu.memory_space<vmem>>
      %dma_start3A_239 = arith.constant 0 : i32
      %dma_start3A_240 = arith.constant 0 : i32
      %dma_start3A_241 = tpu.memref_slice %arg15[%dma_start3A_239, %dma_start3A_240] : memref<10240x64xf32, #tpu.memory_space<vmem_shared>> -> memref<10240x64xf32, #tpu.memory_space<vmem_shared>>
      tpu.enqueue_indirect_dma source(%arg13 : memref<128x64xf32, #tpu.memory_space<vmem>>) target(%dma_start3A_241 : memref<10240x64xf32, #tpu.memory_space<vmem_shared>>) offsets(%dma_start3A_238 : memref<128xi32, #tpu.memory_space<vmem>>) semaphore(%arg30 : memref<!tpu.dma_semaphore, #tpu.memory_space<semaphore_mem>>) {add = true}
      %add3A_242 = arith.constant 7 : i32
      %add3A_243 = arith.addi %mul3A_129, %add3A_242 : i32
      %dma_wait3A_244 = arith.constant 0 : i32
      %dma_wait3A_245 = tpu.memref_slice %arg5[%add3A_243, %dma_wait3A_244] : memref<80x128xi32, #tpu.memory_space<vmem>> -> memref<1x128xi32, #tpu.memory_space<vmem>>
      %dma_wait3A_246 = tpu.memref_squeeze %dma_wait3A_245 : memref<1x128xi32, #tpu.memory_space<vmem>> -> memref<128xi32, #tpu.memory_space<vmem>>
      %dma_wait3A_247 = arith.constant 0 : i32
      %dma_wait3A_248 = arith.constant 0 : i32
      %dma_wait3A_249 = tpu.memref_slice %arg2[%dma_wait3A_247, %dma_wait3A_248] : memref<10240x64xf32, #tpu.memory_space<hbm>> -> memref<10240x64xf32, #tpu.memory_space<hbm>>
      tpu.wait_indirect_dma semaphore(%arg23 : memref<!tpu.dma_semaphore, #tpu.memory_space<semaphore_mem>>) src(%dma_wait3A_249 : memref<10240x64xf32, #tpu.memory_space<hbm>>) dst(%arg14 : memref<128x64xf32, #tpu.memory_space<vmem>>)
      %add3A_250 = arith.constant 7 : i32
      %add3A_251 = arith.addi %mul3A_129, %add3A_250 : i32
      %dma_start3A_252 = arith.constant 0 : i32
      %dma_start3A_253 = tpu.memref_slice %arg6[%add3A_251, %dma_start3A_252] : memref<80x128xi32, #tpu.memory_space<vmem>> -> memref<1x128xi32, #tpu.memory_space<vmem>>
      %dma_start3A_254 = tpu.memref_squeeze %dma_start3A_253 : memref<1x128xi32, #tpu.memory_space<vmem>> -> memref<128xi32, #tpu.memory_space<vmem>>
      %dma_start3A_255 = arith.constant 0 : i32
      %dma_start3A_256 = arith.constant 0 : i32
      %dma_start3A_257 = tpu.memref_slice %arg15[%dma_start3A_255, %dma_start3A_256] : memref<10240x64xf32, #tpu.memory_space<vmem_shared>> -> memref<10240x64xf32, #tpu.memory_space<vmem_shared>>
      tpu.enqueue_indirect_dma source(%arg14 : memref<128x64xf32, #tpu.memory_space<vmem>>) target(%dma_start3A_257 : memref<10240x64xf32, #tpu.memory_space<vmem_shared>>) offsets(%dma_start3A_254 : memref<128xi32, #tpu.memory_space<vmem>>) semaphore(%arg31 : memref<!tpu.dma_semaphore, #tpu.memory_space<semaphore_mem>>) {add = true}
      %add3A_258 = arith.constant 0 : i32
      %add3A_259 = arith.addi %mul3A_129, %add3A_258 : i32
      %dma_wait3A_260 = arith.constant 0 : i32
      %dma_wait3A_261 = tpu.memref_slice %arg6[%add3A_259, %dma_wait3A_260] : memref<80x128xi32, #tpu.memory_space<vmem>> -> memref<1x128xi32, #tpu.memory_space<vmem>>
      %dma_wait3A_262 = tpu.memref_squeeze %dma_wait3A_261 : memref<1x128xi32, #tpu.memory_space<vmem>> -> memref<128xi32, #tpu.memory_space<vmem>>
      %dma_wait3A_263 = arith.constant 0 : i32
      %dma_wait3A_264 = arith.constant 0 : i32
      %dma_wait3A_265 = tpu.memref_slice %arg15[%dma_wait3A_263, %dma_wait3A_264] : memref<10240x64xf32, #tpu.memory_space<vmem_shared>> -> memref<10240x64xf32, #tpu.memory_space<vmem_shared>>
      tpu.wait_indirect_dma semaphore(%arg24 : memref<!tpu.dma_semaphore, #tpu.memory_space<semaphore_mem>>) src(%arg7 : memref<128x64xf32, #tpu.memory_space<vmem>>) dst(%dma_wait3A_265 : memref<10240x64xf32, #tpu.memory_space<vmem_shared>>)
      %add3A_266 = arith.constant 1 : i32
      %add3A_267 = arith.addi %scan3A_127, %add3A_266 : i32
      %lt3A = arith.constant 10 : i32
      %lt3A_268 = arith.cmpi slt, %add3A_267, %lt3A : i32
      %convert_element_type3A = arith.extui %lt3A_268 : i1 to i32
      %cond3A = arith.constant 0 : i32
      %cond3A_269 = arith.cmpi ne, %convert_element_type3A, %cond3A : i32
      scf.if %cond3A_269 {
        %add3A_375 = arith.constant 8 : i32
        %add3A_376 = arith.addi %mul3A_129, %add3A_375 : i32
        %add3A_377 = arith.constant 0 : i32
        %add3A_378 = arith.addi %add3A_376, %add3A_377 : i32
        %dma_start3A_379 = arith.constant 0 : i32
        %dma_start3A_380 = tpu.memref_slice %arg5[%add3A_378, %dma_start3A_379] : memref<80x128xi32, #tpu.memory_space<vmem>> -> memref<1x128xi32, #tpu.memory_space<vmem>>
        %dma_start3A_381 = tpu.memref_squeeze %dma_start3A_380 : memref<1x128xi32, #tpu.memory_space<vmem>> -> memref<128xi32, #tpu.memory_space<vmem>>
        %dma_start3A_382 = arith.constant 0 : i32
        %dma_start3A_383 = arith.constant 0 : i32
        %dma_start3A_384 = tpu.memref_slice %arg2[%dma_start3A_382, %dma_start3A_383] : memref<10240x64xf32, #tpu.memory_space<hbm>> -> memref<10240x64xf32, #tpu.memory_space<hbm>>
        tpu.enqueue_indirect_dma source(%dma_start3A_384 : memref<10240x64xf32, #tpu.memory_space<hbm>>) target(%arg7 : memref<128x64xf32, #tpu.memory_space<vmem>>) offsets(%dma_start3A_381 : memref<128xi32, #tpu.memory_space<vmem>>) semaphore(%arg16 : memref<!tpu.dma_semaphore, #tpu.memory_space<semaphore_mem>>)
      } else {
      }
      %add3A_270 = arith.constant 1 : i32
      %add3A_271 = arith.addi %mul3A_129, %add3A_270 : i32
      %dma_wait3A_272 = arith.constant 0 : i32
      %dma_wait3A_273 = tpu.memref_slice %arg6[%add3A_271, %dma_wait3A_272] : memref<80x128xi32, #tpu.memory_space<vmem>> -> memref<1x128xi32, #tpu.memory_space<vmem>>
      %dma_wait3A_274 = tpu.memref_squeeze %dma_wait3A_273 : memref<1x128xi32, #tpu.memory_space<vmem>> -> memref<128xi32, #tpu.memory_space<vmem>>
      %dma_wait3A_275 = arith.constant 0 : i32
      %dma_wait3A_276 = arith.constant 0 : i32
      %dma_wait3A_277 = tpu.memref_slice %arg15[%dma_wait3A_275, %dma_wait3A_276] : memref<10240x64xf32, #tpu.memory_space<vmem_shared>> -> memref<10240x64xf32, #tpu.memory_space<vmem_shared>>
      tpu.wait_indirect_dma semaphore(%arg25 : memref<!tpu.dma_semaphore, #tpu.memory_space<semaphore_mem>>) src(%arg8 : memref<128x64xf32, #tpu.memory_space<vmem>>) dst(%dma_wait3A_277 : memref<10240x64xf32, #tpu.memory_space<vmem_shared>>)
      %add3A_278 = arith.constant 1 : i32
      %add3A_279 = arith.addi %scan3A_127, %add3A_278 : i32
      %lt3A_280 = arith.constant 10 : i32
      %lt3A_281 = arith.cmpi slt, %add3A_279, %lt3A_280 : i32
      %convert_element_type3A_282 = arith.extui %lt3A_281 : i1 to i32
      %cond3A_283 = arith.constant 0 : i32
      %cond3A_284 = arith.cmpi ne, %convert_element_type3A_282, %cond3A_283 : i32
      scf.if %cond3A_284 {
        %add3A_375 = arith.constant 8 : i32
        %add3A_376 = arith.addi %mul3A_129, %add3A_375 : i32
        %add3A_377 = arith.constant 1 : i32
        %add3A_378 = arith.addi %add3A_376, %add3A_377 : i32
        %dma_start3A_379 = arith.constant 0 : i32
        %dma_start3A_380 = tpu.memref_slice %arg5[%add3A_378, %dma_start3A_379] : memref<80x128xi32, #tpu.memory_space<vmem>> -> memref<1x128xi32, #tpu.memory_space<vmem>>
        %dma_start3A_381 = tpu.memref_squeeze %dma_start3A_380 : memref<1x128xi32, #tpu.memory_space<vmem>> -> memref<128xi32, #tpu.memory_space<vmem>>
        %dma_start3A_382 = arith.constant 0 : i32
        %dma_start3A_383 = arith.constant 0 : i32
        %dma_start3A_384 = tpu.memref_slice %arg2[%dma_start3A_382, %dma_start3A_383] : memref<10240x64xf32, #tpu.memory_space<hbm>> -> memref<10240x64xf32, #tpu.memory_space<hbm>>
        tpu.enqueue_indirect_dma source(%dma_start3A_384 : memref<10240x64xf32, #tpu.memory_space<hbm>>) target(%arg8 : memref<128x64xf32, #tpu.memory_space<vmem>>) offsets(%dma_start3A_381 : memref<128xi32, #tpu.memory_space<vmem>>) semaphore(%arg17 : memref<!tpu.dma_semaphore, #tpu.memory_space<semaphore_mem>>)
      } else {
      }
      %add3A_285 = arith.constant 2 : i32
      %add3A_286 = arith.addi %mul3A_129, %add3A_285 : i32
      %dma_wait3A_287 = arith.constant 0 : i32
      %dma_wait3A_288 = tpu.memref_slice %arg6[%add3A_286, %dma_wait3A_287] : memref<80x128xi32, #tpu.memory_space<vmem>> -> memref<1x128xi32, #tpu.memory_space<vmem>>
      %dma_wait3A_289 = tpu.memref_squeeze %dma_wait3A_288 : memref<1x128xi32, #tpu.memory_space<vmem>> -> memref<128xi32, #tpu.memory_space<vmem>>
      %dma_wait3A_290 = arith.constant 0 : i32
      %dma_wait3A_291 = arith.constant 0 : i32
      %dma_wait3A_292 = tpu.memref_slice %arg15[%dma_wait3A_290, %dma_wait3A_291] : memref<10240x64xf32, #tpu.memory_space<vmem_shared>> -> memref<10240x64xf32, #tpu.memory_space<vmem_shared>>
      tpu.wait_indirect_dma semaphore(%arg26 : memref<!tpu.dma_semaphore, #tpu.memory_space<semaphore_mem>>) src(%arg9 : memref<128x64xf32, #tpu.memory_space<vmem>>) dst(%dma_wait3A_292 : memref<10240x64xf32, #tpu.memory_space<vmem_shared>>)
      %add3A_293 = arith.constant 1 : i32
      %add3A_294 = arith.addi %scan3A_127, %add3A_293 : i32
      %lt3A_295 = arith.constant 10 : i32
      %lt3A_296 = arith.cmpi slt, %add3A_294, %lt3A_295 : i32
      %convert_element_type3A_297 = arith.extui %lt3A_296 : i1 to i32
      %cond3A_298 = arith.constant 0 : i32
      %cond3A_299 = arith.cmpi ne, %convert_element_type3A_297, %cond3A_298 : i32
      scf.if %cond3A_299 {
        %add3A_375 = arith.constant 8 : i32
        %add3A_376 = arith.addi %mul3A_129, %add3A_375 : i32
        %add3A_377 = arith.constant 2 : i32
        %add3A_378 = arith.addi %add3A_376, %add3A_377 : i32
        %dma_start3A_379 = arith.constant 0 : i32
        %dma_start3A_380 = tpu.memref_slice %arg5[%add3A_378, %dma_start3A_379] : memref<80x128xi32, #tpu.memory_space<vmem>> -> memref<1x128xi32, #tpu.memory_space<vmem>>
        %dma_start3A_381 = tpu.memref_squeeze %dma_start3A_380 : memref<1x128xi32, #tpu.memory_space<vmem>> -> memref<128xi32, #tpu.memory_space<vmem>>
        %dma_start3A_382 = arith.constant 0 : i32
        %dma_start3A_383 = arith.constant 0 : i32
        %dma_start3A_384 = tpu.memref_slice %arg2[%dma_start3A_382, %dma_start3A_383] : memref<10240x64xf32, #tpu.memory_space<hbm>> -> memref<10240x64xf32, #tpu.memory_space<hbm>>
        tpu.enqueue_indirect_dma source(%dma_start3A_384 : memref<10240x64xf32, #tpu.memory_space<hbm>>) target(%arg9 : memref<128x64xf32, #tpu.memory_space<vmem>>) offsets(%dma_start3A_381 : memref<128xi32, #tpu.memory_space<vmem>>) semaphore(%arg18 : memref<!tpu.dma_semaphore, #tpu.memory_space<semaphore_mem>>)
      } else {
      }
      %add3A_300 = arith.constant 3 : i32
      %add3A_301 = arith.addi %mul3A_129, %add3A_300 : i32
      %dma_wait3A_302 = arith.constant 0 : i32
      %dma_wait3A_303 = tpu.memref_slice %arg6[%add3A_301, %dma_wait3A_302] : memref<80x128xi32, #tpu.memory_space<vmem>> -> memref<1x128xi32, #tpu.memory_space<vmem>>
      %dma_wait3A_304 = tpu.memref_squeeze %dma_wait3A_303 : memref<1x128xi32, #tpu.memory_space<vmem>> -> memref<128xi32, #tpu.memory_space<vmem>>
      %dma_wait3A_305 = arith.constant 0 : i32
      %dma_wait3A_306 = arith.constant 0 : i32
      %dma_wait3A_307 = tpu.memref_slice %arg15[%dma_wait3A_305, %dma_wait3A_306] : memref<10240x64xf32, #tpu.memory_space<vmem_shared>> -> memref<10240x64xf32, #tpu.memory_space<vmem_shared>>
      tpu.wait_indirect_dma semaphore(%arg27 : memref<!tpu.dma_semaphore, #tpu.memory_space<semaphore_mem>>) src(%arg10 : memref<128x64xf32, #tpu.memory_space<vmem>>) dst(%dma_wait3A_307 : memref<10240x64xf32, #tpu.memory_space<vmem_shared>>)
      %add3A_308 = arith.constant 1 : i32
      %add3A_309 = arith.addi %scan3A_127, %add3A_308 : i32
      %lt3A_310 = arith.constant 10 : i32
      %lt3A_311 = arith.cmpi slt, %add3A_309, %lt3A_310 : i32
      %convert_element_type3A_312 = arith.extui %lt3A_311 : i1 to i32
      %cond3A_313 = arith.constant 0 : i32
      %cond3A_314 = arith.cmpi ne, %convert_element_type3A_312, %cond3A_313 : i32
      scf.if %cond3A_314 {
        %add3A_375 = arith.constant 8 : i32
        %add3A_376 = arith.addi %mul3A_129, %add3A_375 : i32
        %add3A_377 = arith.constant 3 : i32
        %add3A_378 = arith.addi %add3A_376, %add3A_377 : i32
        %dma_start3A_379 = arith.constant 0 : i32
        %dma_start3A_380 = tpu.memref_slice %arg5[%add3A_378, %dma_start3A_379] : memref<80x128xi32, #tpu.memory_space<vmem>> -> memref<1x128xi32, #tpu.memory_space<vmem>>
        %dma_start3A_381 = tpu.memref_squeeze %dma_start3A_380 : memref<1x128xi32, #tpu.memory_space<vmem>> -> memref<128xi32, #tpu.memory_space<vmem>>
        %dma_start3A_382 = arith.constant 0 : i32
        %dma_start3A_383 = arith.constant 0 : i32
        %dma_start3A_384 = tpu.memref_slice %arg2[%dma_start3A_382, %dma_start3A_383] : memref<10240x64xf32, #tpu.memory_space<hbm>> -> memref<10240x64xf32, #tpu.memory_space<hbm>>
        tpu.enqueue_indirect_dma source(%dma_start3A_384 : memref<10240x64xf32, #tpu.memory_space<hbm>>) target(%arg10 : memref<128x64xf32, #tpu.memory_space<vmem>>) offsets(%dma_start3A_381 : memref<128xi32, #tpu.memory_space<vmem>>) semaphore(%arg19 : memref<!tpu.dma_semaphore, #tpu.memory_space<semaphore_mem>>)
      } else {
      }
      %add3A_315 = arith.constant 4 : i32
      %add3A_316 = arith.addi %mul3A_129, %add3A_315 : i32
      %dma_wait3A_317 = arith.constant 0 : i32
      %dma_wait3A_318 = tpu.memref_slice %arg6[%add3A_316, %dma_wait3A_317] : memref<80x128xi32, #tpu.memory_space<vmem>> -> memref<1x128xi32, #tpu.memory_space<vmem>>
      %dma_wait3A_319 = tpu.memref_squeeze %dma_wait3A_318 : memref<1x128xi32, #tpu.memory_space<vmem>> -> memref<128xi32, #tpu.memory_space<vmem>>
      %dma_wait3A_320 = arith.constant 0 : i32
      %dma_wait3A_321 = arith.constant 0 : i32
      %dma_wait3A_322 = tpu.memref_slice %arg15[%dma_wait3A_320, %dma_wait3A_321] : memref<10240x64xf32, #tpu.memory_space<vmem_shared>> -> memref<10240x64xf32, #tpu.memory_space<vmem_shared>>
      tpu.wait_indirect_dma semaphore(%arg28 : memref<!tpu.dma_semaphore, #tpu.memory_space<semaphore_mem>>) src(%arg11 : memref<128x64xf32, #tpu.memory_space<vmem>>) dst(%dma_wait3A_322 : memref<10240x64xf32, #tpu.memory_space<vmem_shared>>)
      %add3A_323 = arith.constant 1 : i32
      %add3A_324 = arith.addi %scan3A_127, %add3A_323 : i32
      %lt3A_325 = arith.constant 10 : i32
      %lt3A_326 = arith.cmpi slt, %add3A_324, %lt3A_325 : i32
      %convert_element_type3A_327 = arith.extui %lt3A_326 : i1 to i32
      %cond3A_328 = arith.constant 0 : i32
      %cond3A_329 = arith.cmpi ne, %convert_element_type3A_327, %cond3A_328 : i32
      scf.if %cond3A_329 {
        %add3A_375 = arith.constant 8 : i32
        %add3A_376 = arith.addi %mul3A_129, %add3A_375 : i32
        %add3A_377 = arith.constant 4 : i32
        %add3A_378 = arith.addi %add3A_376, %add3A_377 : i32
        %dma_start3A_379 = arith.constant 0 : i32
        %dma_start3A_380 = tpu.memref_slice %arg5[%add3A_378, %dma_start3A_379] : memref<80x128xi32, #tpu.memory_space<vmem>> -> memref<1x128xi32, #tpu.memory_space<vmem>>
        %dma_start3A_381 = tpu.memref_squeeze %dma_start3A_380 : memref<1x128xi32, #tpu.memory_space<vmem>> -> memref<128xi32, #tpu.memory_space<vmem>>
        %dma_start3A_382 = arith.constant 0 : i32
        %dma_start3A_383 = arith.constant 0 : i32
        %dma_start3A_384 = tpu.memref_slice %arg2[%dma_start3A_382, %dma_start3A_383] : memref<10240x64xf32, #tpu.memory_space<hbm>> -> memref<10240x64xf32, #tpu.memory_space<hbm>>
        tpu.enqueue_indirect_dma source(%dma_start3A_384 : memref<10240x64xf32, #tpu.memory_space<hbm>>) target(%arg11 : memref<128x64xf32, #tpu.memory_space<vmem>>) offsets(%dma_start3A_381 : memref<128xi32, #tpu.memory_space<vmem>>) semaphore(%arg20 : memref<!tpu.dma_semaphore, #tpu.memory_space<semaphore_mem>>)
      } else {
      }
      %add3A_330 = arith.constant 5 : i32
      %add3A_331 = arith.addi %mul3A_129, %add3A_330 : i32
      %dma_wait3A_332 = arith.constant 0 : i32
      %dma_wait3A_333 = tpu.memref_slice %arg6[%add3A_331, %dma_wait3A_332] : memref<80x128xi32, #tpu.memory_space<vmem>> -> memref<1x128xi32, #tpu.memory_space<vmem>>
      %dma_wait3A_334 = tpu.memref_squeeze %dma_wait3A_333 : memref<1x128xi32, #tpu.memory_space<vmem>> -> memref<128xi32, #tpu.memory_space<vmem>>
      %dma_wait3A_335 = arith.constant 0 : i32
      %dma_wait3A_336 = arith.constant 0 : i32
      %dma_wait3A_337 = tpu.memref_slice %arg15[%dma_wait3A_335, %dma_wait3A_336] : memref<10240x64xf32, #tpu.memory_space<vmem_shared>> -> memref<10240x64xf32, #tpu.memory_space<vmem_shared>>
      tpu.wait_indirect_dma semaphore(%arg29 : memref<!tpu.dma_semaphore, #tpu.memory_space<semaphore_mem>>) src(%arg12 : memref<128x64xf32, #tpu.memory_space<vmem>>) dst(%dma_wait3A_337 : memref<10240x64xf32, #tpu.memory_space<vmem_shared>>)
      %add3A_338 = arith.constant 1 : i32
      %add3A_339 = arith.addi %scan3A_127, %add3A_338 : i32
      %lt3A_340 = arith.constant 10 : i32
      %lt3A_341 = arith.cmpi slt, %add3A_339, %lt3A_340 : i32
      %convert_element_type3A_342 = arith.extui %lt3A_341 : i1 to i32
      %cond3A_343 = arith.constant 0 : i32
      %cond3A_344 = arith.cmpi ne, %convert_element_type3A_342, %cond3A_343 : i32
      scf.if %cond3A_344 {
        %add3A_375 = arith.constant 8 : i32
        %add3A_376 = arith.addi %mul3A_129, %add3A_375 : i32
        %add3A_377 = arith.constant 5 : i32
        %add3A_378 = arith.addi %add3A_376, %add3A_377 : i32
        %dma_start3A_379 = arith.constant 0 : i32
        %dma_start3A_380 = tpu.memref_slice %arg5[%add3A_378, %dma_start3A_379] : memref<80x128xi32, #tpu.memory_space<vmem>> -> memref<1x128xi32, #tpu.memory_space<vmem>>
        %dma_start3A_381 = tpu.memref_squeeze %dma_start3A_380 : memref<1x128xi32, #tpu.memory_space<vmem>> -> memref<128xi32, #tpu.memory_space<vmem>>
        %dma_start3A_382 = arith.constant 0 : i32
        %dma_start3A_383 = arith.constant 0 : i32
        %dma_start3A_384 = tpu.memref_slice %arg2[%dma_start3A_382, %dma_start3A_383] : memref<10240x64xf32, #tpu.memory_space<hbm>> -> memref<10240x64xf32, #tpu.memory_space<hbm>>
        tpu.enqueue_indirect_dma source(%dma_start3A_384 : memref<10240x64xf32, #tpu.memory_space<hbm>>) target(%arg12 : memref<128x64xf32, #tpu.memory_space<vmem>>) offsets(%dma_start3A_381 : memref<128xi32, #tpu.memory_space<vmem>>) semaphore(%arg21 : memref<!tpu.dma_semaphore, #tpu.memory_space<semaphore_mem>>)
      } else {
      }
      %add3A_345 = arith.constant 6 : i32
      %add3A_346 = arith.addi %mul3A_129, %add3A_345 : i32
      %dma_wait3A_347 = arith.constant 0 : i32
      %dma_wait3A_348 = tpu.memref_slice %arg6[%add3A_346, %dma_wait3A_347] : memref<80x128xi32, #tpu.memory_space<vmem>> -> memref<1x128xi32, #tpu.memory_space<vmem>>
      %dma_wait3A_349 = tpu.memref_squeeze %dma_wait3A_348 : memref<1x128xi32, #tpu.memory_space<vmem>> -> memref<128xi32, #tpu.memory_space<vmem>>
      %dma_wait3A_350 = arith.constant 0 : i32
      %dma_wait3A_351 = arith.constant 0 : i32
      %dma_wait3A_352 = tpu.memref_slice %arg15[%dma_wait3A_350, %dma_wait3A_351] : memref<10240x64xf32, #tpu.memory_space<vmem_shared>> -> memref<10240x64xf32, #tpu.memory_space<vmem_shared>>
      tpu.wait_indirect_dma semaphore(%arg30 : memref<!tpu.dma_semaphore, #tpu.memory_space<semaphore_mem>>) src(%arg13 : memref<128x64xf32, #tpu.memory_space<vmem>>) dst(%dma_wait3A_352 : memref<10240x64xf32, #tpu.memory_space<vmem_shared>>)
      %add3A_353 = arith.constant 1 : i32
      %add3A_354 = arith.addi %scan3A_127, %add3A_353 : i32
      %lt3A_355 = arith.constant 10 : i32
      %lt3A_356 = arith.cmpi slt, %add3A_354, %lt3A_355 : i32
      %convert_element_type3A_357 = arith.extui %lt3A_356 : i1 to i32
      %cond3A_358 = arith.constant 0 : i32
      %cond3A_359 = arith.cmpi ne, %convert_element_type3A_357, %cond3A_358 : i32
      scf.if %cond3A_359 {
        %add3A_375 = arith.constant 8 : i32
        %add3A_376 = arith.addi %mul3A_129, %add3A_375 : i32
        %add3A_377 = arith.constant 6 : i32
        %add3A_378 = arith.addi %add3A_376, %add3A_377 : i32
        %dma_start3A_379 = arith.constant 0 : i32
        %dma_start3A_380 = tpu.memref_slice %arg5[%add3A_378, %dma_start3A_379] : memref<80x128xi32, #tpu.memory_space<vmem>> -> memref<1x128xi32, #tpu.memory_space<vmem>>
        %dma_start3A_381 = tpu.memref_squeeze %dma_start3A_380 : memref<1x128xi32, #tpu.memory_space<vmem>> -> memref<128xi32, #tpu.memory_space<vmem>>
        %dma_start3A_382 = arith.constant 0 : i32
        %dma_start3A_383 = arith.constant 0 : i32
        %dma_start3A_384 = tpu.memref_slice %arg2[%dma_start3A_382, %dma_start3A_383] : memref<10240x64xf32, #tpu.memory_space<hbm>> -> memref<10240x64xf32, #tpu.memory_space<hbm>>
        tpu.enqueue_indirect_dma source(%dma_start3A_384 : memref<10240x64xf32, #tpu.memory_space<hbm>>) target(%arg13 : memref<128x64xf32, #tpu.memory_space<vmem>>) offsets(%dma_start3A_381 : memref<128xi32, #tpu.memory_space<vmem>>) semaphore(%arg22 : memref<!tpu.dma_semaphore, #tpu.memory_space<semaphore_mem>>)
      } else {
      }
      %add3A_360 = arith.constant 7 : i32
      %add3A_361 = arith.addi %mul3A_129, %add3A_360 : i32
      %dma_wait3A_362 = arith.constant 0 : i32
      %dma_wait3A_363 = tpu.memref_slice %arg6[%add3A_361, %dma_wait3A_362] : memref<80x128xi32, #tpu.memory_space<vmem>> -> memref<1x128xi32, #tpu.memory_space<vmem>>
      %dma_wait3A_364 = tpu.memref_squeeze %dma_wait3A_363 : memref<1x128xi32, #tpu.memory_space<vmem>> -> memref<128xi32, #tpu.memory_space<vmem>>
      %dma_wait3A_365 = arith.constant 0 : i32
      %dma_wait3A_366 = arith.constant 0 : i32
      %dma_wait3A_367 = tpu.memref_slice %arg15[%dma_wait3A_365, %dma_wait3A_366] : memref<10240x64xf32, #tpu.memory_space<vmem_shared>> -> memref<10240x64xf32, #tpu.memory_space<vmem_shared>>
      tpu.wait_indirect_dma semaphore(%arg31 : memref<!tpu.dma_semaphore, #tpu.memory_space<semaphore_mem>>) src(%arg14 : memref<128x64xf32, #tpu.memory_space<vmem>>) dst(%dma_wait3A_367 : memref<10240x64xf32, #tpu.memory_space<vmem_shared>>)
      %add3A_368 = arith.constant 1 : i32
      %add3A_369 = arith.addi %scan3A_127, %add3A_368 : i32
      %lt3A_370 = arith.constant 10 : i32
      %lt3A_371 = arith.cmpi slt, %add3A_369, %lt3A_370 : i32
      %convert_element_type3A_372 = arith.extui %lt3A_371 : i1 to i32
      %cond3A_373 = arith.constant 0 : i32
      %cond3A_374 = arith.cmpi ne, %convert_element_type3A_372, %cond3A_373 : i32
      scf.if %cond3A_374 {
        %add3A_375 = arith.constant 8 : i32
        %add3A_376 = arith.addi %mul3A_129, %add3A_375 : i32
        %add3A_377 = arith.constant 7 : i32
        %add3A_378 = arith.addi %add3A_376, %add3A_377 : i32
        %dma_start3A_379 = arith.constant 0 : i32
        %dma_start3A_380 = tpu.memref_slice %arg5[%add3A_378, %dma_start3A_379] : memref<80x128xi32, #tpu.memory_space<vmem>> -> memref<1x128xi32, #tpu.memory_space<vmem>>
        %dma_start3A_381 = tpu.memref_squeeze %dma_start3A_380 : memref<1x128xi32, #tpu.memory_space<vmem>> -> memref<128xi32, #tpu.memory_space<vmem>>
        %dma_start3A_382 = arith.constant 0 : i32
        %dma_start3A_383 = arith.constant 0 : i32
        %dma_start3A_384 = tpu.memref_slice %arg2[%dma_start3A_382, %dma_start3A_383] : memref<10240x64xf32, #tpu.memory_space<hbm>> -> memref<10240x64xf32, #tpu.memory_space<hbm>>
        tpu.enqueue_indirect_dma source(%dma_start3A_384 : memref<10240x64xf32, #tpu.memory_space<hbm>>) target(%arg14 : memref<128x64xf32, #tpu.memory_space<vmem>>) offsets(%dma_start3A_381 : memref<128xi32, #tpu.memory_space<vmem>>) semaphore(%arg23 : memref<!tpu.dma_semaphore, #tpu.memory_space<semaphore_mem>>)
      } else {
      }
    }
    %scan3A_121 = arith.constant 10 : i32
    %barrier3A_122 = arith.constant 0 : index
    tpu.barrier barrier_id(%barrier3A_122)
    %mul3A_123 = arith.constant 640 : i32
    %mul3A_124 = arith.muli %arg1, %mul3A_123 : i32
    %mul3A_125 = arith.constant 640 : i32
    %mul3A_126 = arith.muli %arg1, %mul3A_125 : i32
    "tpu.region"() ({
      %run_scoped3A = tpu.sem_alloc : memref<!tpu.dma_semaphore, #tpu.memory_space<semaphore_mem>>
      %dma_start3A_127 = arith.constant 0 : i32
      %dma_start3A_128 = tpu.memref_slice %arg4[%arg0, %mul3A_126, %dma_start3A_127] : memref<2x10240x64xf32, #tpu.memory_space<hbm>> -> memref<1x640x64xf32, #tpu.memory_space<hbm>>
      %dma_start3A_129 = tpu.memref_squeeze %dma_start3A_128 : memref<1x640x64xf32, #tpu.memory_space<hbm>> -> memref<640x64xf32, #tpu.memory_space<hbm>>
      %dma_start3A_130 = arith.constant 0 : i32
      %dma_start3A_131 = tpu.memref_slice %arg15[%mul3A_124, %dma_start3A_130] : memref<10240x64xf32, #tpu.memory_space<vmem_shared>> -> memref<640x64xf32, #tpu.memory_space<vmem_shared>>
      tpu.enqueue_dma source(%dma_start3A_131 : memref<640x64xf32, #tpu.memory_space<vmem_shared>>) target(%dma_start3A_129 : memref<640x64xf32, #tpu.memory_space<hbm>>) target_semaphore(%run_scoped3A : memref<!tpu.dma_semaphore, #tpu.memory_space<semaphore_mem>>)
      %dma_wait3A_132 = arith.constant 0 : i32
      %dma_wait3A_133 = tpu.memref_slice %arg4[%arg0, %mul3A_126, %dma_wait3A_132] : memref<2x10240x64xf32, #tpu.memory_space<hbm>> -> memref<1x640x64xf32, #tpu.memory_space<hbm>>
      %dma_wait3A_134 = tpu.memref_squeeze %dma_wait3A_133 : memref<1x640x64xf32, #tpu.memory_space<hbm>> -> memref<640x64xf32, #tpu.memory_space<hbm>>
      %dma_wait3A_135 = arith.constant 0 : i32
      %dma_wait3A_136 = tpu.memref_slice %arg15[%mul3A_124, %dma_wait3A_135] : memref<10240x64xf32, #tpu.memory_space<vmem_shared>> -> memref<640x64xf32, #tpu.memory_space<vmem_shared>>
      tpu.wait_dma2 semaphore(%run_scoped3A : memref<!tpu.dma_semaphore, #tpu.memory_space<semaphore_mem>>) src(%dma_wait3A_136 : memref<640x64xf32, #tpu.memory_space<vmem_shared>>) dst(%dma_wait3A_134 : memref<640x64xf32, #tpu.memory_space<hbm>>)
      tpu.yield
    }) : () -> ()
    return
  }
}

#map = affine_map<(d0, d1) -> (0, 0, 0, 0)>
#map1 = affine_map<(d0, d1) -> (0, 0)>
module attributes {stable_mosaic.version = 14 : i64} {
  func.func @_deg_body(%arg0: i32, %arg1: i32, %arg2: memref<2x32x80x128xi32, #tpu.memory_space<hbm>>, %arg3: memref<2x10240xf32, #tpu.memory_space<hbm>>, %arg4: memref<80x128xi32, #tpu.memory_space<vmem>>, %arg5: memref<128xf32, #tpu.memory_space<vmem>>, %arg6: memref<640xf32, #tpu.memory_space<vmem>>, %arg7: memref<10240xf32, #tpu.memory_space<vmem_shared>>, %arg8: memref<!tpu.dma_semaphore, #tpu.memory_space<semaphore_mem>>, %arg9: memref<!tpu.dma_semaphore, #tpu.memory_space<semaphore_mem>>, %arg10: memref<!tpu.dma_semaphore, #tpu.memory_space<semaphore_mem>>, %arg11: memref<!tpu.dma_semaphore, #tpu.memory_space<semaphore_mem>>, %arg12: memref<!tpu.dma_semaphore, #tpu.memory_space<semaphore_mem>>, %arg13: memref<!tpu.dma_semaphore, #tpu.memory_space<semaphore_mem>>, %arg14: memref<!tpu.dma_semaphore, #tpu.memory_space<semaphore_mem>>, %arg15: memref<!tpu.dma_semaphore, #tpu.memory_space<semaphore_mem>>) attributes {dimension_semantics = [#tpu.dimension_semantics<core_parallel>, #tpu.dimension_semantics<subcore_parallel>], iteration_bounds = array<i64: 2, 16>, scalar_prefetch = 0 : i64, scratch_operands = 12 : i64, tpu.core_type = #tpu.core_type<sc_vector_subcore>, window_params = [{transform_indices = #map}, {transform_indices = #map1}]} {
    %mul3A = arith.constant 2 : i32
    %mul3A_0 = arith.muli %arg1, %mul3A : i32
    %add3A = arith.addi %mul3A_0, %arg0 : i32
    %scan3A = arith.constant 0 : i32
    %scan3A_1 = arith.constant 0 : i32
    %scan3A_2 = arith.constant 40 : i32
    %scan3A_3 = arith.addi %scan3A_1, %scan3A_2 : i32
    %scan3A_4 = arith.constant 1 : i32
    scf.for %scan3A_112 = %scan3A_1 to %scan3A_3 step %scan3A_4  : i32 {
      %broadcast_in_dim3A_113 = arith.constant 0.000000e+00 : f32
      %broadcast_in_dim3A_114 = vector.broadcast %broadcast_in_dim3A_113 : f32 to vector<16xf32>
      %mul3A_115 = arith.constant 16 : i32
      %mul3A_116 = arith.muli %scan3A_112, %mul3A_115 : i32
      %swap3A_117 = arith.index_cast %mul3A_116 : i32 to index
      %swap3A_118 = tpu.vector_load %arg6[%swap3A_117] {strides = array<i32>} : memref<640xf32, #tpu.memory_space<vmem>>, vector<16xf32>,
      %swap3A_119 = vector.shape_cast %swap3A_118 : vector<16xf32> to vector<16xf32>
      %swap3A_120 = vector.shape_cast %broadcast_in_dim3A_114 : vector<16xf32> to vector<16xf32>
      tpu.vector_store %arg6[%swap3A_117], %swap3A_120 {strides = array<i32>} : memref<640xf32, #tpu.memory_space<vmem>>, vector<16xf32>,
    }
    %scan3A_5 = arith.constant 40 : i32
    %broadcast_in_dim3A = arith.constant 1.000000e+00 : f32
    %broadcast_in_dim3A_6 = vector.broadcast %broadcast_in_dim3A : f32 to vector<16xf32>
    %swap3A = arith.constant 0 : index
    %swap3A_7 = tpu.vector_load %arg5[%swap3A] {strides = array<i32>} : memref<128xf32, #tpu.memory_space<vmem>>, vector<16xf32>,
    %swap3A_8 = vector.shape_cast %swap3A_7 : vector<16xf32> to vector<16xf32>
    %swap3A_9 = vector.shape_cast %broadcast_in_dim3A_6 : vector<16xf32> to vector<16xf32>
    tpu.vector_store %arg5[%swap3A], %swap3A_9 {strides = array<i32>} : memref<128xf32, #tpu.memory_space<vmem>>, vector<16xf32>,
    %broadcast_in_dim3A_10 = arith.constant 1.000000e+00 : f32
    %broadcast_in_dim3A_11 = vector.broadcast %broadcast_in_dim3A_10 : f32 to vector<16xf32>
    %swap3A_12 = arith.constant 16 : index
    %swap3A_13 = tpu.vector_load %arg5[%swap3A_12] {strides = array<i32>} : memref<128xf32, #tpu.memory_space<vmem>>, vector<16xf32>,
    %swap3A_14 = vector.shape_cast %swap3A_13 : vector<16xf32> to vector<16xf32>
    %swap3A_15 = vector.shape_cast %broadcast_in_dim3A_11 : vector<16xf32> to vector<16xf32>
    tpu.vector_store %arg5[%swap3A_12], %swap3A_15 {strides = array<i32>} : memref<128xf32, #tpu.memory_space<vmem>>, vector<16xf32>,
    %broadcast_in_dim3A_16 = arith.constant 1.000000e+00 : f32
    %broadcast_in_dim3A_17 = vector.broadcast %broadcast_in_dim3A_16 : f32 to vector<16xf32>
    %swap3A_18 = arith.constant 32 : index
    %swap3A_19 = tpu.vector_load %arg5[%swap3A_18] {strides = array<i32>} : memref<128xf32, #tpu.memory_space<vmem>>, vector<16xf32>,
    %swap3A_20 = vector.shape_cast %swap3A_19 : vector<16xf32> to vector<16xf32>
    %swap3A_21 = vector.shape_cast %broadcast_in_dim3A_17 : vector<16xf32> to vector<16xf32>
    tpu.vector_store %arg5[%swap3A_18], %swap3A_21 {strides = array<i32>} : memref<128xf32, #tpu.memory_space<vmem>>, vector<16xf32>,
    %broadcast_in_dim3A_22 = arith.constant 1.000000e+00 : f32
    %broadcast_in_dim3A_23 = vector.broadcast %broadcast_in_dim3A_22 : f32 to vector<16xf32>
    %swap3A_24 = arith.constant 48 : index
    %swap3A_25 = tpu.vector_load %arg5[%swap3A_24] {strides = array<i32>} : memref<128xf32, #tpu.memory_space<vmem>>, vector<16xf32>,
    %swap3A_26 = vector.shape_cast %swap3A_25 : vector<16xf32> to vector<16xf32>
    %swap3A_27 = vector.shape_cast %broadcast_in_dim3A_23 : vector<16xf32> to vector<16xf32>
    tpu.vector_store %arg5[%swap3A_24], %swap3A_27 {strides = array<i32>} : memref<128xf32, #tpu.memory_space<vmem>>, vector<16xf32>,
    %broadcast_in_dim3A_28 = arith.constant 1.000000e+00 : f32
    %broadcast_in_dim3A_29 = vector.broadcast %broadcast_in_dim3A_28 : f32 to vector<16xf32>
    %swap3A_30 = arith.constant 64 : index
    %swap3A_31 = tpu.vector_load %arg5[%swap3A_30] {strides = array<i32>} : memref<128xf32, #tpu.memory_space<vmem>>, vector<16xf32>,
    %swap3A_32 = vector.shape_cast %swap3A_31 : vector<16xf32> to vector<16xf32>
    %swap3A_33 = vector.shape_cast %broadcast_in_dim3A_29 : vector<16xf32> to vector<16xf32>
    tpu.vector_store %arg5[%swap3A_30], %swap3A_33 {strides = array<i32>} : memref<128xf32, #tpu.memory_space<vmem>>, vector<16xf32>,
    %broadcast_in_dim3A_34 = arith.constant 1.000000e+00 : f32
    %broadcast_in_dim3A_35 = vector.broadcast %broadcast_in_dim3A_34 : f32 to vector<16xf32>
    %swap3A_36 = arith.constant 80 : index
    %swap3A_37 = tpu.vector_load %arg5[%swap3A_36] {strides = array<i32>} : memref<128xf32, #tpu.memory_space<vmem>>, vector<16xf32>,
    %swap3A_38 = vector.shape_cast %swap3A_37 : vector<16xf32> to vector<16xf32>
    %swap3A_39 = vector.shape_cast %broadcast_in_dim3A_35 : vector<16xf32> to vector<16xf32>
    tpu.vector_store %arg5[%swap3A_36], %swap3A_39 {strides = array<i32>} : memref<128xf32, #tpu.memory_space<vmem>>, vector<16xf32>,
    %broadcast_in_dim3A_40 = arith.constant 1.000000e+00 : f32
    %broadcast_in_dim3A_41 = vector.broadcast %broadcast_in_dim3A_40 : f32 to vector<16xf32>
    %swap3A_42 = arith.constant 96 : index
    %swap3A_43 = tpu.vector_load %arg5[%swap3A_42] {strides = array<i32>} : memref<128xf32, #tpu.memory_space<vmem>>, vector<16xf32>,
    %swap3A_44 = vector.shape_cast %swap3A_43 : vector<16xf32> to vector<16xf32>
    %swap3A_45 = vector.shape_cast %broadcast_in_dim3A_41 : vector<16xf32> to vector<16xf32>
    tpu.vector_store %arg5[%swap3A_42], %swap3A_45 {strides = array<i32>} : memref<128xf32, #tpu.memory_space<vmem>>, vector<16xf32>,
    %broadcast_in_dim3A_46 = arith.constant 1.000000e+00 : f32
    %broadcast_in_dim3A_47 = vector.broadcast %broadcast_in_dim3A_46 : f32 to vector<16xf32>
    %swap3A_48 = arith.constant 112 : index
    %swap3A_49 = tpu.vector_load %arg5[%swap3A_48] {strides = array<i32>} : memref<128xf32, #tpu.memory_space<vmem>>, vector<16xf32>,
    %swap3A_50 = vector.shape_cast %swap3A_49 : vector<16xf32> to vector<16xf32>
    %swap3A_51 = vector.shape_cast %broadcast_in_dim3A_47 : vector<16xf32> to vector<16xf32>
    tpu.vector_store %arg5[%swap3A_48], %swap3A_51 {strides = array<i32>} : memref<128xf32, #tpu.memory_space<vmem>>, vector<16xf32>,
    %mul3A_52 = arith.constant 640 : i32
    %mul3A_53 = arith.muli %arg1, %mul3A_52 : i32
    "tpu.region"() ({
      %run_scoped3A_112 = tpu.sem_alloc : memref<!tpu.dma_semaphore, #tpu.memory_space<semaphore_mem>>
      %dma_start3A = tpu.memref_slice %arg7[%mul3A_53] : memref<10240xf32, #tpu.memory_space<vmem_shared>> -> memref<640xf32, #tpu.memory_space<vmem_shared>>
      %dma_start3A_113 = tpu.memref_slice %arg7[%mul3A_53] : memref<10240xf32, #tpu.memory_space<vmem_shared>> -> memref<640xf32, #tpu.memory_space<vmem_shared>>
      tpu.enqueue_dma source(%arg6 : memref<640xf32, #tpu.memory_space<vmem>>) target(%dma_start3A_113 : memref<640xf32, #tpu.memory_space<vmem_shared>>) target_semaphore(%run_scoped3A_112 : memref<!tpu.dma_semaphore, #tpu.memory_space<semaphore_mem>>)
      %dma_wait3A_114 = tpu.memref_slice %arg7[%mul3A_53] : memref<10240xf32, #tpu.memory_space<vmem_shared>> -> memref<640xf32, #tpu.memory_space<vmem_shared>>
      %dma_wait3A_115 = tpu.memref_slice %arg7[%mul3A_53] : memref<10240xf32, #tpu.memory_space<vmem_shared>> -> memref<640xf32, #tpu.memory_space<vmem_shared>>
      tpu.wait_dma2 semaphore(%run_scoped3A_112 : memref<!tpu.dma_semaphore, #tpu.memory_space<semaphore_mem>>) src(%arg6 : memref<640xf32, #tpu.memory_space<vmem>>) dst(%dma_wait3A_115 : memref<640xf32, #tpu.memory_space<vmem_shared>>)
      tpu.yield
    }) : () -> ()
    %barrier3A = arith.constant 0 : index
    tpu.barrier barrier_id(%barrier3A)
    %run_scoped3A = arith.constant 1 : i32
    "tpu.region"() ({
      %run_scoped3A_112 = tpu.sem_alloc : memref<!tpu.dma_semaphore, #tpu.memory_space<semaphore_mem>>
      %dma_start3A = arith.constant 0 : i32
      %dma_start3A_113 = arith.constant 0 : i32
      %dma_start3A_114 = tpu.memref_slice %arg2[%run_scoped3A, %add3A, %dma_start3A, %dma_start3A_113] : memref<2x32x80x128xi32, #tpu.memory_space<hbm>> -> memref<1x1x80x128xi32, #tpu.memory_space<hbm>>
      %dma_start3A_115 = tpu.memref_squeeze %dma_start3A_114 : memref<1x1x80x128xi32, #tpu.memory_space<hbm>> -> memref<80x128xi32, #tpu.memory_space<hbm>>
      %dma_start3A_116 = arith.constant 0 : i32
      %dma_start3A_117 = arith.constant 0 : i32
      %dma_start3A_118 = tpu.memref_slice %arg2[%run_scoped3A, %add3A, %dma_start3A_116, %dma_start3A_117] : memref<2x32x80x128xi32, #tpu.memory_space<hbm>> -> memref<1x1x80x128xi32, #tpu.memory_space<hbm>>
      %dma_start3A_119 = tpu.memref_squeeze %dma_start3A_118 : memref<1x1x80x128xi32, #tpu.memory_space<hbm>> -> memref<80x128xi32, #tpu.memory_space<hbm>>
      tpu.enqueue_dma source(%dma_start3A_119 : memref<80x128xi32, #tpu.memory_space<hbm>>) target(%arg4 : memref<80x128xi32, #tpu.memory_space<vmem>>) target_semaphore(%run_scoped3A_112 : memref<!tpu.dma_semaphore, #tpu.memory_space<semaphore_mem>>)
      %dma_wait3A_120 = arith.constant 0 : i32
      %dma_wait3A_121 = arith.constant 0 : i32
      %dma_wait3A_122 = tpu.memref_slice %arg2[%run_scoped3A, %add3A, %dma_wait3A_120, %dma_wait3A_121] : memref<2x32x80x128xi32, #tpu.memory_space<hbm>> -> memref<1x1x80x128xi32, #tpu.memory_space<hbm>>
      %dma_wait3A_123 = tpu.memref_squeeze %dma_wait3A_122 : memref<1x1x80x128xi32, #tpu.memory_space<hbm>> -> memref<80x128xi32, #tpu.memory_space<hbm>>
      %dma_wait3A_124 = arith.constant 0 : i32
      %dma_wait3A_125 = arith.constant 0 : i32
      %dma_wait3A_126 = tpu.memref_slice %arg2[%run_scoped3A, %add3A, %dma_wait3A_124, %dma_wait3A_125] : memref<2x32x80x128xi32, #tpu.memory_space<hbm>> -> memref<1x1x80x128xi32, #tpu.memory_space<hbm>>
      %dma_wait3A_127 = tpu.memref_squeeze %dma_wait3A_126 : memref<1x1x80x128xi32, #tpu.memory_space<hbm>> -> memref<80x128xi32, #tpu.memory_space<hbm>>
      tpu.wait_dma2 semaphore(%run_scoped3A_112 : memref<!tpu.dma_semaphore, #tpu.memory_space<semaphore_mem>>) src(%dma_wait3A_127 : memref<80x128xi32, #tpu.memory_space<hbm>>) dst(%arg4 : memref<80x128xi32, #tpu.memory_space<vmem>>)
      tpu.yield
    }) : () -> ()
    %scan3A_54 = arith.constant 0 : i32
    %scan3A_55 = arith.constant 0 : i32
    %scan3A_56 = arith.constant 10 : i32
    %scan3A_57 = arith.addi %scan3A_55, %scan3A_56 : i32
    %scan3A_58 = arith.constant 1 : i32
    scf.for %scan3A_112 = %scan3A_55 to %scan3A_57 step %scan3A_58  : i32 {
      %mul3A_113 = arith.constant 8 : i32
      %mul3A_114 = arith.muli %scan3A_112, %mul3A_113 : i32
      %gt3A = arith.constant 0 : i32
      %gt3A_115 = arith.cmpi sgt, %scan3A_112, %gt3A : i32
      %convert_element_type3A = arith.extui %gt3A_115 : i1 to i32
      %cond3A = arith.constant 0 : i32
      %cond3A_116 = arith.cmpi ne, %convert_element_type3A, %cond3A : i32
      scf.if %cond3A_116 {
        %sub3A = arith.constant 8 : i32
        %sub3A_207 = arith.subi %mul3A_114, %sub3A : i32
        %add3A_208 = arith.constant 0 : i32
        %add3A_209 = arith.addi %sub3A_207, %add3A_208 : i32
        %dma_wait3A_210 = arith.constant 0 : i32
        %dma_wait3A_211 = tpu.memref_slice %arg4[%add3A_209, %dma_wait3A_210] : memref<80x128xi32, #tpu.memory_space<vmem>> -> memref<1x128xi32, #tpu.memory_space<vmem>>
        %dma_wait3A_212 = tpu.memref_squeeze %dma_wait3A_211 : memref<1x128xi32, #tpu.memory_space<vmem>> -> memref<128xi32, #tpu.memory_space<vmem>>
        %dma_wait3A_213 = arith.constant 0 : i32
        %dma_wait3A_214 = tpu.memref_slice %arg7[%dma_wait3A_213] : memref<10240xf32, #tpu.memory_space<vmem_shared>> -> memref<10240xf32, #tpu.memory_space<vmem_shared>>
        tpu.wait_indirect_dma semaphore(%arg8 : memref<!tpu.dma_semaphore, #tpu.memory_space<semaphore_mem>>) src(%arg5 : memref<128xf32, #tpu.memory_space<vmem>>) dst(%dma_wait3A_214 : memref<10240xf32, #tpu.memory_space<vmem_shared>>)
      } else {
      }
      %add3A_117 = arith.constant 0 : i32
      %add3A_118 = arith.addi %mul3A_114, %add3A_117 : i32
      %dma_start3A = arith.constant 0 : i32
      %dma_start3A_119 = tpu.memref_slice %arg4[%add3A_118, %dma_start3A] : memref<80x128xi32, #tpu.memory_space<vmem>> -> memref<1x128xi32, #tpu.memory_space<vmem>>
      %dma_start3A_120 = tpu.memref_squeeze %dma_start3A_119 : memref<1x128xi32, #tpu.memory_space<vmem>> -> memref<128xi32, #tpu.memory_space<vmem>>
      %dma_start3A_121 = arith.constant 0 : i32
      %dma_start3A_122 = tpu.memref_slice %arg7[%dma_start3A_121] : memref<10240xf32, #tpu.memory_space<vmem_shared>> -> memref<10240xf32, #tpu.memory_space<vmem_shared>>
      tpu.enqueue_indirect_dma source(%arg5 : memref<128xf32, #tpu.memory_space<vmem>>) target(%dma_start3A_122 : memref<10240xf32, #tpu.memory_space<vmem_shared>>) offsets(%dma_start3A_120 : memref<128xi32, #tpu.memory_space<vmem>>) semaphore(%arg8 : memref<!tpu.dma_semaphore, #tpu.memory_space<semaphore_mem>>) {add = true}
      %gt3A_123 = arith.constant 0 : i32
      %gt3A_124 = arith.cmpi sgt, %scan3A_112, %gt3A_123 : i32
      %convert_element_type3A_125 = arith.extui %gt3A_124 : i1 to i32
      %cond3A_126 = arith.constant 0 : i32
      %cond3A_127 = arith.cmpi ne, %convert_element_type3A_125, %cond3A_126 : i32
      scf.if %cond3A_127 {
        %sub3A = arith.constant 8 : i32
        %sub3A_207 = arith.subi %mul3A_114, %sub3A : i32
        %add3A_208 = arith.constant 1 : i32
        %add3A_209 = arith.addi %sub3A_207, %add3A_208 : i32
        %dma_wait3A_210 = arith.constant 0 : i32
        %dma_wait3A_211 = tpu.memref_slice %arg4[%add3A_209, %dma_wait3A_210] : memref<80x128xi32, #tpu.memory_space<vmem>> -> memref<1x128xi32, #tpu.memory_space<vmem>>
        %dma_wait3A_212 = tpu.memref_squeeze %dma_wait3A_211 : memref<1x128xi32, #tpu.memory_space<vmem>> -> memref<128xi32, #tpu.memory_space<vmem>>
        %dma_wait3A_213 = arith.constant 0 : i32
        %dma_wait3A_214 = tpu.memref_slice %arg7[%dma_wait3A_213] : memref<10240xf32, #tpu.memory_space<vmem_shared>> -> memref<10240xf32, #tpu.memory_space<vmem_shared>>
        tpu.wait_indirect_dma semaphore(%arg9 : memref<!tpu.dma_semaphore, #tpu.memory_space<semaphore_mem>>) src(%arg5 : memref<128xf32, #tpu.memory_space<vmem>>) dst(%dma_wait3A_214 : memref<10240xf32, #tpu.memory_space<vmem_shared>>)
      } else {
      }
      %add3A_128 = arith.constant 1 : i32
      %add3A_129 = arith.addi %mul3A_114, %add3A_128 : i32
      %dma_start3A_130 = arith.constant 0 : i32
      %dma_start3A_131 = tpu.memref_slice %arg4[%add3A_129, %dma_start3A_130] : memref<80x128xi32, #tpu.memory_space<vmem>> -> memref<1x128xi32, #tpu.memory_space<vmem>>
      %dma_start3A_132 = tpu.memref_squeeze %dma_start3A_131 : memref<1x128xi32, #tpu.memory_space<vmem>> -> memref<128xi32, #tpu.memory_space<vmem>>
      %dma_start3A_133 = arith.constant 0 : i32
      %dma_start3A_134 = tpu.memref_slice %arg7[%dma_start3A_133] : memref<10240xf32, #tpu.memory_space<vmem_shared>> -> memref<10240xf32, #tpu.memory_space<vmem_shared>>
      tpu.enqueue_indirect_dma source(%arg5 : memref<128xf32, #tpu.memory_space<vmem>>) target(%dma_start3A_134 : memref<10240xf32, #tpu.memory_space<vmem_shared>>) offsets(%dma_start3A_132 : memref<128xi32, #tpu.memory_space<vmem>>) semaphore(%arg9 : memref<!tpu.dma_semaphore, #tpu.memory_space<semaphore_mem>>) {add = true}
      %gt3A_135 = arith.constant 0 : i32
      %gt3A_136 = arith.cmpi sgt, %scan3A_112, %gt3A_135 : i32
      %convert_element_type3A_137 = arith.extui %gt3A_136 : i1 to i32
      %cond3A_138 = arith.constant 0 : i32
      %cond3A_139 = arith.cmpi ne, %convert_element_type3A_137, %cond3A_138 : i32
      scf.if %cond3A_139 {
        %sub3A = arith.constant 8 : i32
        %sub3A_207 = arith.subi %mul3A_114, %sub3A : i32
        %add3A_208 = arith.constant 2 : i32
        %add3A_209 = arith.addi %sub3A_207, %add3A_208 : i32
        %dma_wait3A_210 = arith.constant 0 : i32
        %dma_wait3A_211 = tpu.memref_slice %arg4[%add3A_209, %dma_wait3A_210] : memref<80x128xi32, #tpu.memory_space<vmem>> -> memref<1x128xi32, #tpu.memory_space<vmem>>
        %dma_wait3A_212 = tpu.memref_squeeze %dma_wait3A_211 : memref<1x128xi32, #tpu.memory_space<vmem>> -> memref<128xi32, #tpu.memory_space<vmem>>
        %dma_wait3A_213 = arith.constant 0 : i32
        %dma_wait3A_214 = tpu.memref_slice %arg7[%dma_wait3A_213] : memref<10240xf32, #tpu.memory_space<vmem_shared>> -> memref<10240xf32, #tpu.memory_space<vmem_shared>>
        tpu.wait_indirect_dma semaphore(%arg10 : memref<!tpu.dma_semaphore, #tpu.memory_space<semaphore_mem>>) src(%arg5 : memref<128xf32, #tpu.memory_space<vmem>>) dst(%dma_wait3A_214 : memref<10240xf32, #tpu.memory_space<vmem_shared>>)
      } else {
      }
      %add3A_140 = arith.constant 2 : i32
      %add3A_141 = arith.addi %mul3A_114, %add3A_140 : i32
      %dma_start3A_142 = arith.constant 0 : i32
      %dma_start3A_143 = tpu.memref_slice %arg4[%add3A_141, %dma_start3A_142] : memref<80x128xi32, #tpu.memory_space<vmem>> -> memref<1x128xi32, #tpu.memory_space<vmem>>
      %dma_start3A_144 = tpu.memref_squeeze %dma_start3A_143 : memref<1x128xi32, #tpu.memory_space<vmem>> -> memref<128xi32, #tpu.memory_space<vmem>>
      %dma_start3A_145 = arith.constant 0 : i32
      %dma_start3A_146 = tpu.memref_slice %arg7[%dma_start3A_145] : memref<10240xf32, #tpu.memory_space<vmem_shared>> -> memref<10240xf32, #tpu.memory_space<vmem_shared>>
      tpu.enqueue_indirect_dma source(%arg5 : memref<128xf32, #tpu.memory_space<vmem>>) target(%dma_start3A_146 : memref<10240xf32, #tpu.memory_space<vmem_shared>>) offsets(%dma_start3A_144 : memref<128xi32, #tpu.memory_space<vmem>>) semaphore(%arg10 : memref<!tpu.dma_semaphore, #tpu.memory_space<semaphore_mem>>) {add = true}
      %gt3A_147 = arith.constant 0 : i32
      %gt3A_148 = arith.cmpi sgt, %scan3A_112, %gt3A_147 : i32
      %convert_element_type3A_149 = arith.extui %gt3A_148 : i1 to i32
      %cond3A_150 = arith.constant 0 : i32
      %cond3A_151 = arith.cmpi ne, %convert_element_type3A_149, %cond3A_150 : i32
      scf.if %cond3A_151 {
        %sub3A = arith.constant 8 : i32
        %sub3A_207 = arith.subi %mul3A_114, %sub3A : i32
        %add3A_208 = arith.constant 3 : i32
        %add3A_209 = arith.addi %sub3A_207, %add3A_208 : i32
        %dma_wait3A_210 = arith.constant 0 : i32
        %dma_wait3A_211 = tpu.memref_slice %arg4[%add3A_209, %dma_wait3A_210] : memref<80x128xi32, #tpu.memory_space<vmem>> -> memref<1x128xi32, #tpu.memory_space<vmem>>
        %dma_wait3A_212 = tpu.memref_squeeze %dma_wait3A_211 : memref<1x128xi32, #tpu.memory_space<vmem>> -> memref<128xi32, #tpu.memory_space<vmem>>
        %dma_wait3A_213 = arith.constant 0 : i32
        %dma_wait3A_214 = tpu.memref_slice %arg7[%dma_wait3A_213] : memref<10240xf32, #tpu.memory_space<vmem_shared>> -> memref<10240xf32, #tpu.memory_space<vmem_shared>>
        tpu.wait_indirect_dma semaphore(%arg11 : memref<!tpu.dma_semaphore, #tpu.memory_space<semaphore_mem>>) src(%arg5 : memref<128xf32, #tpu.memory_space<vmem>>) dst(%dma_wait3A_214 : memref<10240xf32, #tpu.memory_space<vmem_shared>>)
      } else {
      }
      %add3A_152 = arith.constant 3 : i32
      %add3A_153 = arith.addi %mul3A_114, %add3A_152 : i32
      %dma_start3A_154 = arith.constant 0 : i32
      %dma_start3A_155 = tpu.memref_slice %arg4[%add3A_153, %dma_start3A_154] : memref<80x128xi32, #tpu.memory_space<vmem>> -> memref<1x128xi32, #tpu.memory_space<vmem>>
      %dma_start3A_156 = tpu.memref_squeeze %dma_start3A_155 : memref<1x128xi32, #tpu.memory_space<vmem>> -> memref<128xi32, #tpu.memory_space<vmem>>
      %dma_start3A_157 = arith.constant 0 : i32
      %dma_start3A_158 = tpu.memref_slice %arg7[%dma_start3A_157] : memref<10240xf32, #tpu.memory_space<vmem_shared>> -> memref<10240xf32, #tpu.memory_space<vmem_shared>>
      tpu.enqueue_indirect_dma source(%arg5 : memref<128xf32, #tpu.memory_space<vmem>>) target(%dma_start3A_158 : memref<10240xf32, #tpu.memory_space<vmem_shared>>) offsets(%dma_start3A_156 : memref<128xi32, #tpu.memory_space<vmem>>) semaphore(%arg11 : memref<!tpu.dma_semaphore, #tpu.memory_space<semaphore_mem>>) {add = true}
      %gt3A_159 = arith.constant 0 : i32
      %gt3A_160 = arith.cmpi sgt, %scan3A_112, %gt3A_159 : i32
      %convert_element_type3A_161 = arith.extui %gt3A_160 : i1 to i32
      %cond3A_162 = arith.constant 0 : i32
      %cond3A_163 = arith.cmpi ne, %convert_element_type3A_161, %cond3A_162 : i32
      scf.if %cond3A_163 {
        %sub3A = arith.constant 8 : i32
        %sub3A_207 = arith.subi %mul3A_114, %sub3A : i32
        %add3A_208 = arith.constant 4 : i32
        %add3A_209 = arith.addi %sub3A_207, %add3A_208 : i32
        %dma_wait3A_210 = arith.constant 0 : i32
        %dma_wait3A_211 = tpu.memref_slice %arg4[%add3A_209, %dma_wait3A_210] : memref<80x128xi32, #tpu.memory_space<vmem>> -> memref<1x128xi32, #tpu.memory_space<vmem>>
        %dma_wait3A_212 = tpu.memref_squeeze %dma_wait3A_211 : memref<1x128xi32, #tpu.memory_space<vmem>> -> memref<128xi32, #tpu.memory_space<vmem>>
        %dma_wait3A_213 = arith.constant 0 : i32
        %dma_wait3A_214 = tpu.memref_slice %arg7[%dma_wait3A_213] : memref<10240xf32, #tpu.memory_space<vmem_shared>> -> memref<10240xf32, #tpu.memory_space<vmem_shared>>
        tpu.wait_indirect_dma semaphore(%arg12 : memref<!tpu.dma_semaphore, #tpu.memory_space<semaphore_mem>>) src(%arg5 : memref<128xf32, #tpu.memory_space<vmem>>) dst(%dma_wait3A_214 : memref<10240xf32, #tpu.memory_space<vmem_shared>>)
      } else {
      }
      %add3A_164 = arith.constant 4 : i32
      %add3A_165 = arith.addi %mul3A_114, %add3A_164 : i32
      %dma_start3A_166 = arith.constant 0 : i32
      %dma_start3A_167 = tpu.memref_slice %arg4[%add3A_165, %dma_start3A_166] : memref<80x128xi32, #tpu.memory_space<vmem>> -> memref<1x128xi32, #tpu.memory_space<vmem>>
      %dma_start3A_168 = tpu.memref_squeeze %dma_start3A_167 : memref<1x128xi32, #tpu.memory_space<vmem>> -> memref<128xi32, #tpu.memory_space<vmem>>
      %dma_start3A_169 = arith.constant 0 : i32
      %dma_start3A_170 = tpu.memref_slice %arg7[%dma_start3A_169] : memref<10240xf32, #tpu.memory_space<vmem_shared>> -> memref<10240xf32, #tpu.memory_space<vmem_shared>>
      tpu.enqueue_indirect_dma source(%arg5 : memref<128xf32, #tpu.memory_space<vmem>>) target(%dma_start3A_170 : memref<10240xf32, #tpu.memory_space<vmem_shared>>) offsets(%dma_start3A_168 : memref<128xi32, #tpu.memory_space<vmem>>) semaphore(%arg12 : memref<!tpu.dma_semaphore, #tpu.memory_space<semaphore_mem>>) {add = true}
      %gt3A_171 = arith.constant 0 : i32
      %gt3A_172 = arith.cmpi sgt, %scan3A_112, %gt3A_171 : i32
      %convert_element_type3A_173 = arith.extui %gt3A_172 : i1 to i32
      %cond3A_174 = arith.constant 0 : i32
      %cond3A_175 = arith.cmpi ne, %convert_element_type3A_173, %cond3A_174 : i32
      scf.if %cond3A_175 {
        %sub3A = arith.constant 8 : i32
        %sub3A_207 = arith.subi %mul3A_114, %sub3A : i32
        %add3A_208 = arith.constant 5 : i32
        %add3A_209 = arith.addi %sub3A_207, %add3A_208 : i32
        %dma_wait3A_210 = arith.constant 0 : i32
        %dma_wait3A_211 = tpu.memref_slice %arg4[%add3A_209, %dma_wait3A_210] : memref<80x128xi32, #tpu.memory_space<vmem>> -> memref<1x128xi32, #tpu.memory_space<vmem>>
        %dma_wait3A_212 = tpu.memref_squeeze %dma_wait3A_211 : memref<1x128xi32, #tpu.memory_space<vmem>> -> memref<128xi32, #tpu.memory_space<vmem>>
        %dma_wait3A_213 = arith.constant 0 : i32
        %dma_wait3A_214 = tpu.memref_slice %arg7[%dma_wait3A_213] : memref<10240xf32, #tpu.memory_space<vmem_shared>> -> memref<10240xf32, #tpu.memory_space<vmem_shared>>
        tpu.wait_indirect_dma semaphore(%arg13 : memref<!tpu.dma_semaphore, #tpu.memory_space<semaphore_mem>>) src(%arg5 : memref<128xf32, #tpu.memory_space<vmem>>) dst(%dma_wait3A_214 : memref<10240xf32, #tpu.memory_space<vmem_shared>>)
      } else {
      }
      %add3A_176 = arith.constant 5 : i32
      %add3A_177 = arith.addi %mul3A_114, %add3A_176 : i32
      %dma_start3A_178 = arith.constant 0 : i32
      %dma_start3A_179 = tpu.memref_slice %arg4[%add3A_177, %dma_start3A_178] : memref<80x128xi32, #tpu.memory_space<vmem>> -> memref<1x128xi32, #tpu.memory_space<vmem>>
      %dma_start3A_180 = tpu.memref_squeeze %dma_start3A_179 : memref<1x128xi32, #tpu.memory_space<vmem>> -> memref<128xi32, #tpu.memory_space<vmem>>
      %dma_start3A_181 = arith.constant 0 : i32
      %dma_start3A_182 = tpu.memref_slice %arg7[%dma_start3A_181] : memref<10240xf32, #tpu.memory_space<vmem_shared>> -> memref<10240xf32, #tpu.memory_space<vmem_shared>>
      tpu.enqueue_indirect_dma source(%arg5 : memref<128xf32, #tpu.memory_space<vmem>>) target(%dma_start3A_182 : memref<10240xf32, #tpu.memory_space<vmem_shared>>) offsets(%dma_start3A_180 : memref<128xi32, #tpu.memory_space<vmem>>) semaphore(%arg13 : memref<!tpu.dma_semaphore, #tpu.memory_space<semaphore_mem>>) {add = true}
      %gt3A_183 = arith.constant 0 : i32
      %gt3A_184 = arith.cmpi sgt, %scan3A_112, %gt3A_183 : i32
      %convert_element_type3A_185 = arith.extui %gt3A_184 : i1 to i32
      %cond3A_186 = arith.constant 0 : i32
      %cond3A_187 = arith.cmpi ne, %convert_element_type3A_185, %cond3A_186 : i32
      scf.if %cond3A_187 {
        %sub3A = arith.constant 8 : i32
        %sub3A_207 = arith.subi %mul3A_114, %sub3A : i32
        %add3A_208 = arith.constant 6 : i32
        %add3A_209 = arith.addi %sub3A_207, %add3A_208 : i32
        %dma_wait3A_210 = arith.constant 0 : i32
        %dma_wait3A_211 = tpu.memref_slice %arg4[%add3A_209, %dma_wait3A_210] : memref<80x128xi32, #tpu.memory_space<vmem>> -> memref<1x128xi32, #tpu.memory_space<vmem>>
        %dma_wait3A_212 = tpu.memref_squeeze %dma_wait3A_211 : memref<1x128xi32, #tpu.memory_space<vmem>> -> memref<128xi32, #tpu.memory_space<vmem>>
        %dma_wait3A_213 = arith.constant 0 : i32
        %dma_wait3A_214 = tpu.memref_slice %arg7[%dma_wait3A_213] : memref<10240xf32, #tpu.memory_space<vmem_shared>> -> memref<10240xf32, #tpu.memory_space<vmem_shared>>
        tpu.wait_indirect_dma semaphore(%arg14 : memref<!tpu.dma_semaphore, #tpu.memory_space<semaphore_mem>>) src(%arg5 : memref<128xf32, #tpu.memory_space<vmem>>) dst(%dma_wait3A_214 : memref<10240xf32, #tpu.memory_space<vmem_shared>>)
      } else {
      }
      %add3A_188 = arith.constant 6 : i32
      %add3A_189 = arith.addi %mul3A_114, %add3A_188 : i32
      %dma_start3A_190 = arith.constant 0 : i32
      %dma_start3A_191 = tpu.memref_slice %arg4[%add3A_189, %dma_start3A_190] : memref<80x128xi32, #tpu.memory_space<vmem>> -> memref<1x128xi32, #tpu.memory_space<vmem>>
      %dma_start3A_192 = tpu.memref_squeeze %dma_start3A_191 : memref<1x128xi32, #tpu.memory_space<vmem>> -> memref<128xi32, #tpu.memory_space<vmem>>
      %dma_start3A_193 = arith.constant 0 : i32
      %dma_start3A_194 = tpu.memref_slice %arg7[%dma_start3A_193] : memref<10240xf32, #tpu.memory_space<vmem_shared>> -> memref<10240xf32, #tpu.memory_space<vmem_shared>>
      tpu.enqueue_indirect_dma source(%arg5 : memref<128xf32, #tpu.memory_space<vmem>>) target(%dma_start3A_194 : memref<10240xf32, #tpu.memory_space<vmem_shared>>) offsets(%dma_start3A_192 : memref<128xi32, #tpu.memory_space<vmem>>) semaphore(%arg14 : memref<!tpu.dma_semaphore, #tpu.memory_space<semaphore_mem>>) {add = true}
      %gt3A_195 = arith.constant 0 : i32
      %gt3A_196 = arith.cmpi sgt, %scan3A_112, %gt3A_195 : i32
      %convert_element_type3A_197 = arith.extui %gt3A_196 : i1 to i32
      %cond3A_198 = arith.constant 0 : i32
      %cond3A_199 = arith.cmpi ne, %convert_element_type3A_197, %cond3A_198 : i32
      scf.if %cond3A_199 {
        %sub3A = arith.constant 8 : i32
        %sub3A_207 = arith.subi %mul3A_114, %sub3A : i32
        %add3A_208 = arith.constant 7 : i32
        %add3A_209 = arith.addi %sub3A_207, %add3A_208 : i32
        %dma_wait3A_210 = arith.constant 0 : i32
        %dma_wait3A_211 = tpu.memref_slice %arg4[%add3A_209, %dma_wait3A_210] : memref<80x128xi32, #tpu.memory_space<vmem>> -> memref<1x128xi32, #tpu.memory_space<vmem>>
        %dma_wait3A_212 = tpu.memref_squeeze %dma_wait3A_211 : memref<1x128xi32, #tpu.memory_space<vmem>> -> memref<128xi32, #tpu.memory_space<vmem>>
        %dma_wait3A_213 = arith.constant 0 : i32
        %dma_wait3A_214 = tpu.memref_slice %arg7[%dma_wait3A_213] : memref<10240xf32, #tpu.memory_space<vmem_shared>> -> memref<10240xf32, #tpu.memory_space<vmem_shared>>
        tpu.wait_indirect_dma semaphore(%arg15 : memref<!tpu.dma_semaphore, #tpu.memory_space<semaphore_mem>>) src(%arg5 : memref<128xf32, #tpu.memory_space<vmem>>) dst(%dma_wait3A_214 : memref<10240xf32, #tpu.memory_space<vmem_shared>>)
      } else {
      }
      %add3A_200 = arith.constant 7 : i32
      %add3A_201 = arith.addi %mul3A_114, %add3A_200 : i32
      %dma_start3A_202 = arith.constant 0 : i32
      %dma_start3A_203 = tpu.memref_slice %arg4[%add3A_201, %dma_start3A_202] : memref<80x128xi32, #tpu.memory_space<vmem>> -> memref<1x128xi32, #tpu.memory_space<vmem>>
      %dma_start3A_204 = tpu.memref_squeeze %dma_start3A_203 : memref<1x128xi32, #tpu.memory_space<vmem>> -> memref<128xi32, #tpu.memory_space<vmem>>
      %dma_start3A_205 = arith.constant 0 : i32
      %dma_start3A_206 = tpu.memref_slice %arg7[%dma_start3A_205] : memref<10240xf32, #tpu.memory_space<vmem_shared>> -> memref<10240xf32, #tpu.memory_space<vmem_shared>>
      tpu.enqueue_indirect_dma source(%arg5 : memref<128xf32, #tpu.memory_space<vmem>>) target(%dma_start3A_206 : memref<10240xf32, #tpu.memory_space<vmem_shared>>) offsets(%dma_start3A_204 : memref<128xi32, #tpu.memory_space<vmem>>) semaphore(%arg15 : memref<!tpu.dma_semaphore, #tpu.memory_space<semaphore_mem>>) {add = true}
    }
    %scan3A_59 = arith.constant 10 : i32
    %dma_wait3A = arith.constant 72 : i32
    %dma_wait3A_60 = arith.constant 0 : i32
    %dma_wait3A_61 = tpu.memref_slice %arg4[%dma_wait3A, %dma_wait3A_60] : memref<80x128xi32, #tpu.memory_space<vmem>> -> memref<1x128xi32, #tpu.memory_space<vmem>>
    %dma_wait3A_62 = tpu.memref_squeeze %dma_wait3A_61 : memref<1x128xi32, #tpu.memory_space<vmem>> -> memref<128xi32, #tpu.memory_space<vmem>>
    %dma_wait3A_63 = arith.constant 0 : i32
    %dma_wait3A_64 = tpu.memref_slice %arg7[%dma_wait3A_63] : memref<10240xf32, #tpu.memory_space<vmem_shared>> -> memref<10240xf32, #tpu.memory_space<vmem_shared>>
    tpu.wait_indirect_dma semaphore(%arg8 : memref<!tpu.dma_semaphore, #tpu.memory_space<semaphore_mem>>) src(%arg5 : memref<128xf32, #tpu.memory_space<vmem>>) dst(%dma_wait3A_64 : memref<10240xf32, #tpu.memory_space<vmem_shared>>)
    %dma_wait3A_65 = arith.constant 73 : i32
    %dma_wait3A_66 = arith.constant 0 : i32
    %dma_wait3A_67 = tpu.memref_slice %arg4[%dma_wait3A_65, %dma_wait3A_66] : memref<80x128xi32, #tpu.memory_space<vmem>> -> memref<1x128xi32, #tpu.memory_space<vmem>>
    %dma_wait3A_68 = tpu.memref_squeeze %dma_wait3A_67 : memref<1x128xi32, #tpu.memory_space<vmem>> -> memref<128xi32, #tpu.memory_space<vmem>>
    %dma_wait3A_69 = arith.constant 0 : i32
    %dma_wait3A_70 = tpu.memref_slice %arg7[%dma_wait3A_69] : memref<10240xf32, #tpu.memory_space<vmem_shared>> -> memref<10240xf32, #tpu.memory_space<vmem_shared>>
    tpu.wait_indirect_dma semaphore(%arg9 : memref<!tpu.dma_semaphore, #tpu.memory_space<semaphore_mem>>) src(%arg5 : memref<128xf32, #tpu.memory_space<vmem>>) dst(%dma_wait3A_70 : memref<10240xf32, #tpu.memory_space<vmem_shared>>)
    %dma_wait3A_71 = arith.constant 74 : i32
    %dma_wait3A_72 = arith.constant 0 : i32
    %dma_wait3A_73 = tpu.memref_slice %arg4[%dma_wait3A_71, %dma_wait3A_72] : memref<80x128xi32, #tpu.memory_space<vmem>> -> memref<1x128xi32, #tpu.memory_space<vmem>>
    %dma_wait3A_74 = tpu.memref_squeeze %dma_wait3A_73 : memref<1x128xi32, #tpu.memory_space<vmem>> -> memref<128xi32, #tpu.memory_space<vmem>>
    %dma_wait3A_75 = arith.constant 0 : i32
    %dma_wait3A_76 = tpu.memref_slice %arg7[%dma_wait3A_75] : memref<10240xf32, #tpu.memory_space<vmem_shared>> -> memref<10240xf32, #tpu.memory_space<vmem_shared>>
    tpu.wait_indirect_dma semaphore(%arg10 : memref<!tpu.dma_semaphore, #tpu.memory_space<semaphore_mem>>) src(%arg5 : memref<128xf32, #tpu.memory_space<vmem>>) dst(%dma_wait3A_76 : memref<10240xf32, #tpu.memory_space<vmem_shared>>)
    %dma_wait3A_77 = arith.constant 75 : i32
    %dma_wait3A_78 = arith.constant 0 : i32
    %dma_wait3A_79 = tpu.memref_slice %arg4[%dma_wait3A_77, %dma_wait3A_78] : memref<80x128xi32, #tpu.memory_space<vmem>> -> memref<1x128xi32, #tpu.memory_space<vmem>>
    %dma_wait3A_80 = tpu.memref_squeeze %dma_wait3A_79 : memref<1x128xi32, #tpu.memory_space<vmem>> -> memref<128xi32, #tpu.memory_space<vmem>>
    %dma_wait3A_81 = arith.constant 0 : i32
    %dma_wait3A_82 = tpu.memref_slice %arg7[%dma_wait3A_81] : memref<10240xf32, #tpu.memory_space<vmem_shared>> -> memref<10240xf32, #tpu.memory_space<vmem_shared>>
    tpu.wait_indirect_dma semaphore(%arg11 : memref<!tpu.dma_semaphore, #tpu.memory_space<semaphore_mem>>) src(%arg5 : memref<128xf32, #tpu.memory_space<vmem>>) dst(%dma_wait3A_82 : memref<10240xf32, #tpu.memory_space<vmem_shared>>)
    %dma_wait3A_83 = arith.constant 76 : i32
    %dma_wait3A_84 = arith.constant 0 : i32
    %dma_wait3A_85 = tpu.memref_slice %arg4[%dma_wait3A_83, %dma_wait3A_84] : memref<80x128xi32, #tpu.memory_space<vmem>> -> memref<1x128xi32, #tpu.memory_space<vmem>>
    %dma_wait3A_86 = tpu.memref_squeeze %dma_wait3A_85 : memref<1x128xi32, #tpu.memory_space<vmem>> -> memref<128xi32, #tpu.memory_space<vmem>>
    %dma_wait3A_87 = arith.constant 0 : i32
    %dma_wait3A_88 = tpu.memref_slice %arg7[%dma_wait3A_87] : memref<10240xf32, #tpu.memory_space<vmem_shared>> -> memref<10240xf32, #tpu.memory_space<vmem_shared>>
    tpu.wait_indirect_dma semaphore(%arg12 : memref<!tpu.dma_semaphore, #tpu.memory_space<semaphore_mem>>) src(%arg5 : memref<128xf32, #tpu.memory_space<vmem>>) dst(%dma_wait3A_88 : memref<10240xf32, #tpu.memory_space<vmem_shared>>)
    %dma_wait3A_89 = arith.constant 77 : i32
    %dma_wait3A_90 = arith.constant 0 : i32
    %dma_wait3A_91 = tpu.memref_slice %arg4[%dma_wait3A_89, %dma_wait3A_90] : memref<80x128xi32, #tpu.memory_space<vmem>> -> memref<1x128xi32, #tpu.memory_space<vmem>>
    %dma_wait3A_92 = tpu.memref_squeeze %dma_wait3A_91 : memref<1x128xi32, #tpu.memory_space<vmem>> -> memref<128xi32, #tpu.memory_space<vmem>>
    %dma_wait3A_93 = arith.constant 0 : i32
    %dma_wait3A_94 = tpu.memref_slice %arg7[%dma_wait3A_93] : memref<10240xf32, #tpu.memory_space<vmem_shared>> -> memref<10240xf32, #tpu.memory_space<vmem_shared>>
    tpu.wait_indirect_dma semaphore(%arg13 : memref<!tpu.dma_semaphore, #tpu.memory_space<semaphore_mem>>) src(%arg5 : memref<128xf32, #tpu.memory_space<vmem>>) dst(%dma_wait3A_94 : memref<10240xf32, #tpu.memory_space<vmem_shared>>)
    %dma_wait3A_95 = arith.constant 78 : i32
    %dma_wait3A_96 = arith.constant 0 : i32
    %dma_wait3A_97 = tpu.memref_slice %arg4[%dma_wait3A_95, %dma_wait3A_96] : memref<80x128xi32, #tpu.memory_space<vmem>> -> memref<1x128xi32, #tpu.memory_space<vmem>>
    %dma_wait3A_98 = tpu.memref_squeeze %dma_wait3A_97 : memref<1x128xi32, #tpu.memory_space<vmem>> -> memref<128xi32, #tpu.memory_space<vmem>>
    %dma_wait3A_99 = arith.constant 0 : i32
    %dma_wait3A_100 = tpu.memref_slice %arg7[%dma_wait3A_99] : memref<10240xf32, #tpu.memory_space<vmem_shared>> -> memref<10240xf32, #tpu.memory_space<vmem_shared>>
    tpu.wait_indirect_dma semaphore(%arg14 : memref<!tpu.dma_semaphore, #tpu.memory_space<semaphore_mem>>) src(%arg5 : memref<128xf32, #tpu.memory_space<vmem>>) dst(%dma_wait3A_100 : memref<10240xf32, #tpu.memory_space<vmem_shared>>)
    %dma_wait3A_101 = arith.constant 79 : i32
    %dma_wait3A_102 = arith.constant 0 : i32
    %dma_wait3A_103 = tpu.memref_slice %arg4[%dma_wait3A_101, %dma_wait3A_102] : memref<80x128xi32, #tpu.memory_space<vmem>> -> memref<1x128xi32, #tpu.memory_space<vmem>>
    %dma_wait3A_104 = tpu.memref_squeeze %dma_wait3A_103 : memref<1x128xi32, #tpu.memory_space<vmem>> -> memref<128xi32, #tpu.memory_space<vmem>>
    %dma_wait3A_105 = arith.constant 0 : i32
    %dma_wait3A_106 = tpu.memref_slice %arg7[%dma_wait3A_105] : memref<10240xf32, #tpu.memory_space<vmem_shared>> -> memref<10240xf32, #tpu.memory_space<vmem_shared>>
    tpu.wait_indirect_dma semaphore(%arg15 : memref<!tpu.dma_semaphore, #tpu.memory_space<semaphore_mem>>) src(%arg5 : memref<128xf32, #tpu.memory_space<vmem>>) dst(%dma_wait3A_106 : memref<10240xf32, #tpu.memory_space<vmem_shared>>)
    %barrier3A_107 = arith.constant 0 : index
    tpu.barrier barrier_id(%barrier3A_107)
    %mul3A_108 = arith.constant 640 : i32
    %mul3A_109 = arith.muli %arg1, %mul3A_108 : i32
    %mul3A_110 = arith.constant 640 : i32
    %mul3A_111 = arith.muli %arg1, %mul3A_110 : i32
    "tpu.region"() ({
      %run_scoped3A_112 = tpu.sem_alloc : memref<!tpu.dma_semaphore, #tpu.memory_space<semaphore_mem>>
      %dma_start3A = tpu.memref_slice %arg3[%arg0, %mul3A_111] : memref<2x10240xf32, #tpu.memory_space<hbm>> -> memref<1x640xf32, #tpu.memory_space<hbm>>
      %dma_start3A_113 = tpu.memref_squeeze %dma_start3A : memref<1x640xf32, #tpu.memory_space<hbm>> -> memref<640xf32, #tpu.memory_space<hbm>>
      %dma_start3A_114 = tpu.memref_slice %arg7[%mul3A_109] : memref<10240xf32, #tpu.memory_space<vmem_shared>> -> memref<640xf32, #tpu.memory_space<vmem_shared>>
      tpu.enqueue_dma source(%dma_start3A_114 : memref<640xf32, #tpu.memory_space<vmem_shared>>) target(%dma_start3A_113 : memref<640xf32, #tpu.memory_space<hbm>>) target_semaphore(%run_scoped3A_112 : memref<!tpu.dma_semaphore, #tpu.memory_space<semaphore_mem>>)
      %dma_wait3A_115 = tpu.memref_slice %arg3[%arg0, %mul3A_111] : memref<2x10240xf32, #tpu.memory_space<hbm>> -> memref<1x640xf32, #tpu.memory_space<hbm>>
      %dma_wait3A_116 = tpu.memref_squeeze %dma_wait3A_115 : memref<1x640xf32, #tpu.memory_space<hbm>> -> memref<640xf32, #tpu.memory_space<hbm>>
      %dma_wait3A_117 = tpu.memref_slice %arg7[%mul3A_109] : memref<10240xf32, #tpu.memory_space<vmem_shared>> -> memref<640xf32, #tpu.memory_space<vmem_shared>>
      tpu.wait_dma2 semaphore(%run_scoped3A_112 : memref<!tpu.dma_semaphore, #tpu.memory_space<semaphore_mem>>) src(%dma_wait3A_117 : memref<640xf32, #tpu.memory_space<vmem_shared>>) dst(%dma_wait3A_116 : memref<640xf32, #tpu.memory_space<hbm>>)
      tpu.yield
    }) : () -> ()
    return
  }
}

#map = affine_map<(d0, d1) -> (0, 0)>
#map1 = affine_map<(d0, d1) -> (0, 0, 0, 0)>
#map2 = affine_map<(d0, d1) -> (0, 0, 0)>
module attributes {stable_mosaic.version = 14 : i64} {
  func.func @_seg_body(%arg0: i32, %arg1: i32, %arg2: memref<10240x64xf32, #tpu.memory_space<hbm>>, %arg3: memref<2x32x80x128xi32, #tpu.memory_space<hbm>>, %arg4: memref<2x10240x64xf32, #tpu.memory_space<hbm>>, %arg5: memref<80x128xi32, #tpu.memory_space<vmem>>, %arg6: memref<80x128xi32, #tpu.memory_space<vmem>>, %arg7: memref<128x64xf32, #tpu.memory_space<vmem>>, %arg8: memref<128x64xf32, #tpu.memory_space<vmem>>, %arg9: memref<128x64xf32, #tpu.memory_space<vmem>>, %arg10: memref<128x64xf32, #tpu.memory_space<vmem>>, %arg11: memref<128x64xf32, #tpu.memory_space<vmem>>, %arg12: memref<128x64xf32, #tpu.memory_space<vmem>>, %arg13: memref<128x64xf32, #tpu.memory_space<vmem>>, %arg14: memref<128x64xf32, #tpu.memory_space<vmem>>, %arg15: memref<10240x64xf32, #tpu.memory_space<vmem_shared>>, %arg16: memref<!tpu.dma_semaphore, #tpu.memory_space<semaphore_mem>>, %arg17: memref<!tpu.dma_semaphore, #tpu.memory_space<semaphore_mem>>, %arg18: memref<!tpu.dma_semaphore, #tpu.memory_space<semaphore_mem>>, %arg19: memref<!tpu.dma_semaphore, #tpu.memory_space<semaphore_mem>>, %arg20: memref<!tpu.dma_semaphore, #tpu.memory_space<semaphore_mem>>, %arg21: memref<!tpu.dma_semaphore, #tpu.memory_space<semaphore_mem>>, %arg22: memref<!tpu.dma_semaphore, #tpu.memory_space<semaphore_mem>>, %arg23: memref<!tpu.dma_semaphore, #tpu.memory_space<semaphore_mem>>, %arg24: memref<!tpu.dma_semaphore, #tpu.memory_space<semaphore_mem>>, %arg25: memref<!tpu.dma_semaphore, #tpu.memory_space<semaphore_mem>>, %arg26: memref<!tpu.dma_semaphore, #tpu.memory_space<semaphore_mem>>, %arg27: memref<!tpu.dma_semaphore, #tpu.memory_space<semaphore_mem>>, %arg28: memref<!tpu.dma_semaphore, #tpu.memory_space<semaphore_mem>>, %arg29: memref<!tpu.dma_semaphore, #tpu.memory_space<semaphore_mem>>, %arg30: memref<!tpu.dma_semaphore, #tpu.memory_space<semaphore_mem>>, %arg31: memref<!tpu.dma_semaphore, #tpu.memory_space<semaphore_mem>>) attributes {dimension_semantics = [#tpu.dimension_semantics<core_parallel>, #tpu.dimension_semantics<subcore_parallel>], iteration_bounds = array<i64: 2, 16>, scalar_prefetch = 0 : i64, scratch_operands = 27 : i64, tpu.core_type = #tpu.core_type<sc_vector_subcore>, window_params = [{transform_indices = #map}, {transform_indices = #map1}, {transform_indices = #map2}]} {
    %mul3A = arith.constant 2 : i32
    %mul3A_0 = arith.muli %arg1, %mul3A : i32
    %add3A = arith.addi %mul3A_0, %arg0 : i32
    %dma_start3A = arith.constant 0 : i32
    %dma_start3A_1 = arith.constant 0 : i32
    %dma_start3A_2 = arith.constant 0 : i32
    %dma_start3A_3 = tpu.memref_slice %arg3[%dma_start3A, %add3A, %dma_start3A_1, %dma_start3A_2] : memref<2x32x80x128xi32, #tpu.memory_space<hbm>> -> memref<1x1x80x128xi32, #tpu.memory_space<hbm>>
    %dma_start3A_4 = tpu.memref_squeeze %dma_start3A_3 : memref<1x1x80x128xi32, #tpu.memory_space<hbm>> -> memref<80x128xi32, #tpu.memory_space<hbm>>
    %dma_start3A_5 = arith.constant 0 : i32
    %dma_start3A_6 = arith.constant 0 : i32
    %dma_start3A_7 = tpu.memref_slice %arg3[%dma_start3A, %add3A, %dma_start3A_5, %dma_start3A_6] : memref<2x32x80x128xi32, #tpu.memory_space<hbm>> -> memref<1x1x80x128xi32, #tpu.memory_space<hbm>>
    %dma_start3A_8 = tpu.memref_squeeze %dma_start3A_7 : memref<1x1x80x128xi32, #tpu.memory_space<hbm>> -> memref<80x128xi32, #tpu.memory_space<hbm>>
    tpu.enqueue_dma source(%dma_start3A_8 : memref<80x128xi32, #tpu.memory_space<hbm>>) target(%arg5 : memref<80x128xi32, #tpu.memory_space<vmem>>) target_semaphore(%arg16 : memref<!tpu.dma_semaphore, #tpu.memory_space<semaphore_mem>>)
    %dma_start3A_9 = arith.constant 1 : i32
    %dma_start3A_10 = arith.constant 0 : i32
    %dma_start3A_11 = arith.constant 0 : i32
    %dma_start3A_12 = tpu.memref_slice %arg3[%dma_start3A_9, %add3A, %dma_start3A_10, %dma_start3A_11] : memref<2x32x80x128xi32, #tpu.memory_space<hbm>> -> memref<1x1x80x128xi32, #tpu.memory_space<hbm>>
    %dma_start3A_13 = tpu.memref_squeeze %dma_start3A_12 : memref<1x1x80x128xi32, #tpu.memory_space<hbm>> -> memref<80x128xi32, #tpu.memory_space<hbm>>
    %dma_start3A_14 = arith.constant 0 : i32
    %dma_start3A_15 = arith.constant 0 : i32
    %dma_start3A_16 = tpu.memref_slice %arg3[%dma_start3A_9, %add3A, %dma_start3A_14, %dma_start3A_15] : memref<2x32x80x128xi32, #tpu.memory_space<hbm>> -> memref<1x1x80x128xi32, #tpu.memory_space<hbm>>
    %dma_start3A_17 = tpu.memref_squeeze %dma_start3A_16 : memref<1x1x80x128xi32, #tpu.memory_space<hbm>> -> memref<80x128xi32, #tpu.memory_space<hbm>>
    tpu.enqueue_dma source(%dma_start3A_17 : memref<80x128xi32, #tpu.memory_space<hbm>>) target(%arg6 : memref<80x128xi32, #tpu.memory_space<vmem>>) target_semaphore(%arg17 : memref<!tpu.dma_semaphore, #tpu.memory_space<semaphore_mem>>)
    %scan3A = arith.constant 0 : i32
    %scan3A_18 = arith.constant 0 : i32
    %scan3A_19 = arith.constant 128 : i32
    %scan3A_20 = arith.addi %scan3A_18, %scan3A_19 : i32
    %scan3A_21 = arith.constant 1 : i32
    scf.for %scan3A_127 = %scan3A_18 to %scan3A_20 step %scan3A_21  : i32 {
      %broadcast_in_dim3A = arith.constant 0.000000e+00 : f32
      %broadcast_in_dim3A_128 = vector.broadcast %broadcast_in_dim3A : f32 to vector<16xf32>
      %swap3A = arith.index_cast %scan3A_127 : i32 to index
      %swap3A_129 = arith.constant 0 : index
      %swap3A_130 = tpu.vector_load %arg7[%swap3A, %swap3A_129] {strides = array<i32>} : memref<128x64xf32, #tpu.memory_space<vmem>>, vector<1x16xf32>,
      %swap3A_131 = vector.shape_cast %swap3A_130 : vector<1x16xf32> to vector<16xf32>
      %swap3A_132 = vector.shape_cast %broadcast_in_dim3A_128 : vector<16xf32> to vector<1x16xf32>
      tpu.vector_store %arg7[%swap3A, %swap3A_129], %swap3A_132 {strides = array<i32>} : memref<128x64xf32, #tpu.memory_space<vmem>>, vector<1x16xf32>,
      %broadcast_in_dim3A_133 = arith.constant 0.000000e+00 : f32
      %broadcast_in_dim3A_134 = vector.broadcast %broadcast_in_dim3A_133 : f32 to vector<16xf32>
      %swap3A_135 = arith.index_cast %scan3A_127 : i32 to index
      %swap3A_136 = arith.constant 16 : index
      %swap3A_137 = tpu.vector_load %arg7[%swap3A_135, %swap3A_136] {strides = array<i32>} : memref<128x64xf32, #tpu.memory_space<vmem>>, vector<1x16xf32>,
      %swap3A_138 = vector.shape_cast %swap3A_137 : vector<1x16xf32> to vector<16xf32>
      %swap3A_139 = vector.shape_cast %broadcast_in_dim3A_134 : vector<16xf32> to vector<1x16xf32>
      tpu.vector_store %arg7[%swap3A_135, %swap3A_136], %swap3A_139 {strides = array<i32>} : memref<128x64xf32, #tpu.memory_space<vmem>>, vector<1x16xf32>,
      %broadcast_in_dim3A_140 = arith.constant 0.000000e+00 : f32
      %broadcast_in_dim3A_141 = vector.broadcast %broadcast_in_dim3A_140 : f32 to vector<16xf32>
      %swap3A_142 = arith.index_cast %scan3A_127 : i32 to index
      %swap3A_143 = arith.constant 32 : index
      %swap3A_144 = tpu.vector_load %arg7[%swap3A_142, %swap3A_143] {strides = array<i32>} : memref<128x64xf32, #tpu.memory_space<vmem>>, vector<1x16xf32>,
      %swap3A_145 = vector.shape_cast %swap3A_144 : vector<1x16xf32> to vector<16xf32>
      %swap3A_146 = vector.shape_cast %broadcast_in_dim3A_141 : vector<16xf32> to vector<1x16xf32>
      tpu.vector_store %arg7[%swap3A_142, %swap3A_143], %swap3A_146 {strides = array<i32>} : memref<128x64xf32, #tpu.memory_space<vmem>>, vector<1x16xf32>,
      %broadcast_in_dim3A_147 = arith.constant 0.000000e+00 : f32
      %broadcast_in_dim3A_148 = vector.broadcast %broadcast_in_dim3A_147 : f32 to vector<16xf32>
      %swap3A_149 = arith.index_cast %scan3A_127 : i32 to index
      %swap3A_150 = arith.constant 48 : index
      %swap3A_151 = tpu.vector_load %arg7[%swap3A_149, %swap3A_150] {strides = array<i32>} : memref<128x64xf32, #tpu.memory_space<vmem>>, vector<1x16xf32>,
      %swap3A_152 = vector.shape_cast %swap3A_151 : vector<1x16xf32> to vector<16xf32>
      %swap3A_153 = vector.shape_cast %broadcast_in_dim3A_148 : vector<16xf32> to vector<1x16xf32>
      tpu.vector_store %arg7[%swap3A_149, %swap3A_150], %swap3A_153 {strides = array<i32>} : memref<128x64xf32, #tpu.memory_space<vmem>>, vector<1x16xf32>,
    }
    %scan3A_22 = arith.constant 128 : i32
    %mul3A_23 = arith.constant 640 : i32
    %mul3A_24 = arith.muli %arg1, %mul3A_23 : i32
    %add3A_25 = arith.constant 0 : i32
    %add3A_26 = arith.addi %mul3A_24, %add3A_25 : i32
    "tpu.region"() ({
      %run_scoped3A = tpu.sem_alloc : memref<!tpu.dma_semaphore, #tpu.memory_space<semaphore_mem>>
      %dma_start3A_127 = arith.constant 0 : i32
      %dma_start3A_128 = tpu.memref_slice %arg15[%add3A_26, %dma_start3A_127] : memref<10240x64xf32, #tpu.memory_space<vmem_shared>> -> memref<128x64xf32, #tpu.memory_space<vmem_shared>>
      %dma_start3A_129 = arith.constant 0 : i32
      %dma_start3A_130 = tpu.memref_slice %arg15[%add3A_26, %dma_start3A_129] : memref<10240x64xf32, #tpu.memory_space<vmem_shared>> -> memref<128x64xf32, #tpu.memory_space<vmem_shared>>
      tpu.enqueue_dma source(%arg7 : memref<128x64xf32, #tpu.memory_space<vmem>>) target(%dma_start3A_130 : memref<128x64xf32, #tpu.memory_space<vmem_shared>>) target_semaphore(%run_scoped3A : memref<!tpu.dma_semaphore, #tpu.memory_space<semaphore_mem>>)
      %dma_wait3A_131 = arith.constant 0 : i32
      %dma_wait3A_132 = tpu.memref_slice %arg15[%add3A_26, %dma_wait3A_131] : memref<10240x64xf32, #tpu.memory_space<vmem_shared>> -> memref<128x64xf32, #tpu.memory_space<vmem_shared>>
      %dma_wait3A_133 = arith.constant 0 : i32
      %dma_wait3A_134 = tpu.memref_slice %arg15[%add3A_26, %dma_wait3A_133] : memref<10240x64xf32, #tpu.memory_space<vmem_shared>> -> memref<128x64xf32, #tpu.memory_space<vmem_shared>>
      tpu.wait_dma2 semaphore(%run_scoped3A : memref<!tpu.dma_semaphore, #tpu.memory_space<semaphore_mem>>) src(%arg7 : memref<128x64xf32, #tpu.memory_space<vmem>>) dst(%dma_wait3A_134 : memref<128x64xf32, #tpu.memory_space<vmem_shared>>)
      tpu.yield
    }) : () -> ()
    %mul3A_27 = arith.constant 640 : i32
    %mul3A_28 = arith.muli %arg1, %mul3A_27 : i32
    %add3A_29 = arith.constant 128 : i32
    %add3A_30 = arith.addi %mul3A_28, %add3A_29 : i32
    "tpu.region"() ({
      %run_scoped3A = tpu.sem_alloc : memref<!tpu.dma_semaphore, #tpu.memory_space<semaphore_mem>>
      %dma_start3A_127 = arith.constant 0 : i32
      %dma_start3A_128 = tpu.memref_slice %arg15[%add3A_30, %dma_start3A_127] : memref<10240x64xf32, #tpu.memory_space<vmem_shared>> -> memref<128x64xf32, #tpu.memory_space<vmem_shared>>
      %dma_start3A_129 = arith.constant 0 : i32
      %dma_start3A_130 = tpu.memref_slice %arg15[%add3A_30, %dma_start3A_129] : memref<10240x64xf32, #tpu.memory_space<vmem_shared>> -> memref<128x64xf32, #tpu.memory_space<vmem_shared>>
      tpu.enqueue_dma source(%arg7 : memref<128x64xf32, #tpu.memory_space<vmem>>) target(%dma_start3A_130 : memref<128x64xf32, #tpu.memory_space<vmem_shared>>) target_semaphore(%run_scoped3A : memref<!tpu.dma_semaphore, #tpu.memory_space<semaphore_mem>>)
      %dma_wait3A_131 = arith.constant 0 : i32
      %dma_wait3A_132 = tpu.memref_slice %arg15[%add3A_30, %dma_wait3A_131] : memref<10240x64xf32, #tpu.memory_space<vmem_shared>> -> memref<128x64xf32, #tpu.memory_space<vmem_shared>>
      %dma_wait3A_133 = arith.constant 0 : i32
      %dma_wait3A_134 = tpu.memref_slice %arg15[%add3A_30, %dma_wait3A_133] : memref<10240x64xf32, #tpu.memory_space<vmem_shared>> -> memref<128x64xf32, #tpu.memory_space<vmem_shared>>
      tpu.wait_dma2 semaphore(%run_scoped3A : memref<!tpu.dma_semaphore, #tpu.memory_space<semaphore_mem>>) src(%arg7 : memref<128x64xf32, #tpu.memory_space<vmem>>) dst(%dma_wait3A_134 : memref<128x64xf32, #tpu.memory_space<vmem_shared>>)
      tpu.yield
    }) : () -> ()
    %mul3A_31 = arith.constant 640 : i32
    %mul3A_32 = arith.muli %arg1, %mul3A_31 : i32
    %add3A_33 = arith.constant 256 : i32
    %add3A_34 = arith.addi %mul3A_32, %add3A_33 : i32
    "tpu.region"() ({
      %run_scoped3A = tpu.sem_alloc : memref<!tpu.dma_semaphore, #tpu.memory_space<semaphore_mem>>
      %dma_start3A_127 = arith.constant 0 : i32
      %dma_start3A_128 = tpu.memref_slice %arg15[%add3A_34, %dma_start3A_127] : memref<10240x64xf32, #tpu.memory_space<vmem_shared>> -> memref<128x64xf32, #tpu.memory_space<vmem_shared>>
      %dma_start3A_129 = arith.constant 0 : i32
      %dma_start3A_130 = tpu.memref_slice %arg15[%add3A_34, %dma_start3A_129] : memref<10240x64xf32, #tpu.memory_space<vmem_shared>> -> memref<128x64xf32, #tpu.memory_space<vmem_shared>>
      tpu.enqueue_dma source(%arg7 : memref<128x64xf32, #tpu.memory_space<vmem>>) target(%dma_start3A_130 : memref<128x64xf32, #tpu.memory_space<vmem_shared>>) target_semaphore(%run_scoped3A : memref<!tpu.dma_semaphore, #tpu.memory_space<semaphore_mem>>)
      %dma_wait3A_131 = arith.constant 0 : i32
      %dma_wait3A_132 = tpu.memref_slice %arg15[%add3A_34, %dma_wait3A_131] : memref<10240x64xf32, #tpu.memory_space<vmem_shared>> -> memref<128x64xf32, #tpu.memory_space<vmem_shared>>
      %dma_wait3A_133 = arith.constant 0 : i32
      %dma_wait3A_134 = tpu.memref_slice %arg15[%add3A_34, %dma_wait3A_133] : memref<10240x64xf32, #tpu.memory_space<vmem_shared>> -> memref<128x64xf32, #tpu.memory_space<vmem_shared>>
      tpu.wait_dma2 semaphore(%run_scoped3A : memref<!tpu.dma_semaphore, #tpu.memory_space<semaphore_mem>>) src(%arg7 : memref<128x64xf32, #tpu.memory_space<vmem>>) dst(%dma_wait3A_134 : memref<128x64xf32, #tpu.memory_space<vmem_shared>>)
      tpu.yield
    }) : () -> ()
    %mul3A_35 = arith.constant 640 : i32
    %mul3A_36 = arith.muli %arg1, %mul3A_35 : i32
    %add3A_37 = arith.constant 384 : i32
    %add3A_38 = arith.addi %mul3A_36, %add3A_37 : i32
    "tpu.region"() ({
      %run_scoped3A = tpu.sem_alloc : memref<!tpu.dma_semaphore, #tpu.memory_space<semaphore_mem>>
      %dma_start3A_127 = arith.constant 0 : i32
      %dma_start3A_128 = tpu.memref_slice %arg15[%add3A_38, %dma_start3A_127] : memref<10240x64xf32, #tpu.memory_space<vmem_shared>> -> memref<128x64xf32, #tpu.memory_space<vmem_shared>>
      %dma_start3A_129 = arith.constant 0 : i32
      %dma_start3A_130 = tpu.memref_slice %arg15[%add3A_38, %dma_start3A_129] : memref<10240x64xf32, #tpu.memory_space<vmem_shared>> -> memref<128x64xf32, #tpu.memory_space<vmem_shared>>
      tpu.enqueue_dma source(%arg7 : memref<128x64xf32, #tpu.memory_space<vmem>>) target(%dma_start3A_130 : memref<128x64xf32, #tpu.memory_space<vmem_shared>>) target_semaphore(%run_scoped3A : memref<!tpu.dma_semaphore, #tpu.memory_space<semaphore_mem>>)
      %dma_wait3A_131 = arith.constant 0 : i32
      %dma_wait3A_132 = tpu.memref_slice %arg15[%add3A_38, %dma_wait3A_131] : memref<10240x64xf32, #tpu.memory_space<vmem_shared>> -> memref<128x64xf32, #tpu.memory_space<vmem_shared>>
      %dma_wait3A_133 = arith.constant 0 : i32
      %dma_wait3A_134 = tpu.memref_slice %arg15[%add3A_38, %dma_wait3A_133] : memref<10240x64xf32, #tpu.memory_space<vmem_shared>> -> memref<128x64xf32, #tpu.memory_space<vmem_shared>>
      tpu.wait_dma2 semaphore(%run_scoped3A : memref<!tpu.dma_semaphore, #tpu.memory_space<semaphore_mem>>) src(%arg7 : memref<128x64xf32, #tpu.memory_space<vmem>>) dst(%dma_wait3A_134 : memref<128x64xf32, #tpu.memory_space<vmem_shared>>)
      tpu.yield
    }) : () -> ()
    %mul3A_39 = arith.constant 640 : i32
    %mul3A_40 = arith.muli %arg1, %mul3A_39 : i32
    %add3A_41 = arith.constant 512 : i32
    %add3A_42 = arith.addi %mul3A_40, %add3A_41 : i32
    "tpu.region"() ({
      %run_scoped3A = tpu.sem_alloc : memref<!tpu.dma_semaphore, #tpu.memory_space<semaphore_mem>>
      %dma_start3A_127 = arith.constant 0 : i32
      %dma_start3A_128 = tpu.memref_slice %arg15[%add3A_42, %dma_start3A_127] : memref<10240x64xf32, #tpu.memory_space<vmem_shared>> -> memref<128x64xf32, #tpu.memory_space<vmem_shared>>
      %dma_start3A_129 = arith.constant 0 : i32
      %dma_start3A_130 = tpu.memref_slice %arg15[%add3A_42, %dma_start3A_129] : memref<10240x64xf32, #tpu.memory_space<vmem_shared>> -> memref<128x64xf32, #tpu.memory_space<vmem_shared>>
      tpu.enqueue_dma source(%arg7 : memref<128x64xf32, #tpu.memory_space<vmem>>) target(%dma_start3A_130 : memref<128x64xf32, #tpu.memory_space<vmem_shared>>) target_semaphore(%run_scoped3A : memref<!tpu.dma_semaphore, #tpu.memory_space<semaphore_mem>>)
      %dma_wait3A_131 = arith.constant 0 : i32
      %dma_wait3A_132 = tpu.memref_slice %arg15[%add3A_42, %dma_wait3A_131] : memref<10240x64xf32, #tpu.memory_space<vmem_shared>> -> memref<128x64xf32, #tpu.memory_space<vmem_shared>>
      %dma_wait3A_133 = arith.constant 0 : i32
      %dma_wait3A_134 = tpu.memref_slice %arg15[%add3A_42, %dma_wait3A_133] : memref<10240x64xf32, #tpu.memory_space<vmem_shared>> -> memref<128x64xf32, #tpu.memory_space<vmem_shared>>
      tpu.wait_dma2 semaphore(%run_scoped3A : memref<!tpu.dma_semaphore, #tpu.memory_space<semaphore_mem>>) src(%arg7 : memref<128x64xf32, #tpu.memory_space<vmem>>) dst(%dma_wait3A_134 : memref<128x64xf32, #tpu.memory_space<vmem_shared>>)
      tpu.yield
    }) : () -> ()
    %barrier3A = arith.constant 0 : index
    tpu.barrier barrier_id(%barrier3A)
    %dma_wait3A = arith.constant 0 : i32
    %dma_wait3A_43 = arith.constant 0 : i32
    %dma_wait3A_44 = arith.constant 0 : i32
    %dma_wait3A_45 = tpu.memref_slice %arg3[%dma_wait3A, %add3A, %dma_wait3A_43, %dma_wait3A_44] : memref<2x32x80x128xi32, #tpu.memory_space<hbm>> -> memref<1x1x80x128xi32, #tpu.memory_space<hbm>>
    %dma_wait3A_46 = tpu.memref_squeeze %dma_wait3A_45 : memref<1x1x80x128xi32, #tpu.memory_space<hbm>> -> memref<80x128xi32, #tpu.memory_space<hbm>>
    %dma_wait3A_47 = arith.constant 0 : i32
    %dma_wait3A_48 = arith.constant 0 : i32
    %dma_wait3A_49 = tpu.memref_slice %arg3[%dma_wait3A, %add3A, %dma_wait3A_47, %dma_wait3A_48] : memref<2x32x80x128xi32, #tpu.memory_space<hbm>> -> memref<1x1x80x128xi32, #tpu.memory_space<hbm>>
    %dma_wait3A_50 = tpu.memref_squeeze %dma_wait3A_49 : memref<1x1x80x128xi32, #tpu.memory_space<hbm>> -> memref<80x128xi32, #tpu.memory_space<hbm>>
    tpu.wait_dma2 semaphore(%arg16 : memref<!tpu.dma_semaphore, #tpu.memory_space<semaphore_mem>>) src(%dma_wait3A_50 : memref<80x128xi32, #tpu.memory_space<hbm>>) dst(%arg5 : memref<80x128xi32, #tpu.memory_space<vmem>>)
    %dma_wait3A_51 = arith.constant 1 : i32
    %dma_wait3A_52 = arith.constant 0 : i32
    %dma_wait3A_53 = arith.constant 0 : i32
    %dma_wait3A_54 = tpu.memref_slice %arg3[%dma_wait3A_51, %add3A, %dma_wait3A_52, %dma_wait3A_53] : memref<2x32x80x128xi32, #tpu.memory_space<hbm>> -> memref<1x1x80x128xi32, #tpu.memory_space<hbm>>
    %dma_wait3A_55 = tpu.memref_squeeze %dma_wait3A_54 : memref<1x1x80x128xi32, #tpu.memory_space<hbm>> -> memref<80x128xi32, #tpu.memory_space<hbm>>
    %dma_wait3A_56 = arith.constant 0 : i32
    %dma_wait3A_57 = arith.constant 0 : i32
    %dma_wait3A_58 = tpu.memref_slice %arg3[%dma_wait3A_51, %add3A, %dma_wait3A_56, %dma_wait3A_57] : memref<2x32x80x128xi32, #tpu.memory_space<hbm>> -> memref<1x1x80x128xi32, #tpu.memory_space<hbm>>
    %dma_wait3A_59 = tpu.memref_squeeze %dma_wait3A_58 : memref<1x1x80x128xi32, #tpu.memory_space<hbm>> -> memref<80x128xi32, #tpu.memory_space<hbm>>
    tpu.wait_dma2 semaphore(%arg17 : memref<!tpu.dma_semaphore, #tpu.memory_space<semaphore_mem>>) src(%dma_wait3A_59 : memref<80x128xi32, #tpu.memory_space<hbm>>) dst(%arg6 : memref<80x128xi32, #tpu.memory_space<vmem>>)
    %dma_start3A_60 = arith.constant 0 : i32
    %dma_start3A_61 = arith.constant 0 : i32
    %dma_start3A_62 = tpu.memref_slice %arg5[%dma_start3A_60, %dma_start3A_61] : memref<80x128xi32, #tpu.memory_space<vmem>> -> memref<1x128xi32, #tpu.memory_space<vmem>>
    %dma_start3A_63 = tpu.memref_squeeze %dma_start3A_62 : memref<1x128xi32, #tpu.memory_space<vmem>> -> memref<128xi32, #tpu.memory_space<vmem>>
    %dma_start3A_64 = arith.constant 0 : i32
    %dma_start3A_65 = arith.constant 0 : i32
    %dma_start3A_66 = tpu.memref_slice %arg2[%dma_start3A_64, %dma_start3A_65] : memref<10240x64xf32, #tpu.memory_space<hbm>> -> memref<10240x64xf32, #tpu.memory_space<hbm>>
    tpu.enqueue_indirect_dma source(%dma_start3A_66 : memref<10240x64xf32, #tpu.memory_space<hbm>>) target(%arg7 : memref<128x64xf32, #tpu.memory_space<vmem>>) offsets(%dma_start3A_63 : memref<128xi32, #tpu.memory_space<vmem>>) semaphore(%arg16 : memref<!tpu.dma_semaphore, #tpu.memory_space<semaphore_mem>>)
    %dma_start3A_67 = arith.constant 1 : i32
    %dma_start3A_68 = arith.constant 0 : i32
    %dma_start3A_69 = tpu.memref_slice %arg5[%dma_start3A_67, %dma_start3A_68] : memref<80x128xi32, #tpu.memory_space<vmem>> -> memref<1x128xi32, #tpu.memory_space<vmem>>
    %dma_start3A_70 = tpu.memref_squeeze %dma_start3A_69 : memref<1x128xi32, #tpu.memory_space<vmem>> -> memref<128xi32, #tpu.memory_space<vmem>>
    %dma_start3A_71 = arith.constant 0 : i32
    %dma_start3A_72 = arith.constant 0 : i32
    %dma_start3A_73 = tpu.memref_slice %arg2[%dma_start3A_71, %dma_start3A_72] : memref<10240x64xf32, #tpu.memory_space<hbm>> -> memref<10240x64xf32, #tpu.memory_space<hbm>>
    tpu.enqueue_indirect_dma source(%dma_start3A_73 : memref<10240x64xf32, #tpu.memory_space<hbm>>) target(%arg8 : memref<128x64xf32, #tpu.memory_space<vmem>>) offsets(%dma_start3A_70 : memref<128xi32, #tpu.memory_space<vmem>>) semaphore(%arg17 : memref<!tpu.dma_semaphore, #tpu.memory_space<semaphore_mem>>)
    %dma_start3A_74 = arith.constant 2 : i32
    %dma_start3A_75 = arith.constant 0 : i32
    %dma_start3A_76 = tpu.memref_slice %arg5[%dma_start3A_74, %dma_start3A_75] : memref<80x128xi32, #tpu.memory_space<vmem>> -> memref<1x128xi32, #tpu.memory_space<vmem>>
    %dma_start3A_77 = tpu.memref_squeeze %dma_start3A_76 : memref<1x128xi32, #tpu.memory_space<vmem>> -> memref<128xi32, #tpu.memory_space<vmem>>
    %dma_start3A_78 = arith.constant 0 : i32
    %dma_start3A_79 = arith.constant 0 : i32
    %dma_start3A_80 = tpu.memref_slice %arg2[%dma_start3A_78, %dma_start3A_79] : memref<10240x64xf32, #tpu.memory_space<hbm>> -> memref<10240x64xf32, #tpu.memory_space<hbm>>
    tpu.enqueue_indirect_dma source(%dma_start3A_80 : memref<10240x64xf32, #tpu.memory_space<hbm>>) target(%arg9 : memref<128x64xf32, #tpu.memory_space<vmem>>) offsets(%dma_start3A_77 : memref<128xi32, #tpu.memory_space<vmem>>) semaphore(%arg18 : memref<!tpu.dma_semaphore, #tpu.memory_space<semaphore_mem>>)
    %dma_start3A_81 = arith.constant 3 : i32
    %dma_start3A_82 = arith.constant 0 : i32
    %dma_start3A_83 = tpu.memref_slice %arg5[%dma_start3A_81, %dma_start3A_82] : memref<80x128xi32, #tpu.memory_space<vmem>> -> memref<1x128xi32, #tpu.memory_space<vmem>>
    %dma_start3A_84 = tpu.memref_squeeze %dma_start3A_83 : memref<1x128xi32, #tpu.memory_space<vmem>> -> memref<128xi32, #tpu.memory_space<vmem>>
    %dma_start3A_85 = arith.constant 0 : i32
    %dma_start3A_86 = arith.constant 0 : i32
    %dma_start3A_87 = tpu.memref_slice %arg2[%dma_start3A_85, %dma_start3A_86] : memref<10240x64xf32, #tpu.memory_space<hbm>> -> memref<10240x64xf32, #tpu.memory_space<hbm>>
    tpu.enqueue_indirect_dma source(%dma_start3A_87 : memref<10240x64xf32, #tpu.memory_space<hbm>>) target(%arg10 : memref<128x64xf32, #tpu.memory_space<vmem>>) offsets(%dma_start3A_84 : memref<128xi32, #tpu.memory_space<vmem>>) semaphore(%arg19 : memref<!tpu.dma_semaphore, #tpu.memory_space<semaphore_mem>>)
    %dma_start3A_88 = arith.constant 4 : i32
    %dma_start3A_89 = arith.constant 0 : i32
    %dma_start3A_90 = tpu.memref_slice %arg5[%dma_start3A_88, %dma_start3A_89] : memref<80x128xi32, #tpu.memory_space<vmem>> -> memref<1x128xi32, #tpu.memory_space<vmem>>
    %dma_start3A_91 = tpu.memref_squeeze %dma_start3A_90 : memref<1x128xi32, #tpu.memory_space<vmem>> -> memref<128xi32, #tpu.memory_space<vmem>>
    %dma_start3A_92 = arith.constant 0 : i32
    %dma_start3A_93 = arith.constant 0 : i32
    %dma_start3A_94 = tpu.memref_slice %arg2[%dma_start3A_92, %dma_start3A_93] : memref<10240x64xf32, #tpu.memory_space<hbm>> -> memref<10240x64xf32, #tpu.memory_space<hbm>>
    tpu.enqueue_indirect_dma source(%dma_start3A_94 : memref<10240x64xf32, #tpu.memory_space<hbm>>) target(%arg11 : memref<128x64xf32, #tpu.memory_space<vmem>>) offsets(%dma_start3A_91 : memref<128xi32, #tpu.memory_space<vmem>>) semaphore(%arg20 : memref<!tpu.dma_semaphore, #tpu.memory_space<semaphore_mem>>)
    %dma_start3A_95 = arith.constant 5 : i32
    %dma_start3A_96 = arith.constant 0 : i32
    %dma_start3A_97 = tpu.memref_slice %arg5[%dma_start3A_95, %dma_start3A_96] : memref<80x128xi32, #tpu.memory_space<vmem>> -> memref<1x128xi32, #tpu.memory_space<vmem>>
    %dma_start3A_98 = tpu.memref_squeeze %dma_start3A_97 : memref<1x128xi32, #tpu.memory_space<vmem>> -> memref<128xi32, #tpu.memory_space<vmem>>
    %dma_start3A_99 = arith.constant 0 : i32
    %dma_start3A_100 = arith.constant 0 : i32
    %dma_start3A_101 = tpu.memref_slice %arg2[%dma_start3A_99, %dma_start3A_100] : memref<10240x64xf32, #tpu.memory_space<hbm>> -> memref<10240x64xf32, #tpu.memory_space<hbm>>
    tpu.enqueue_indirect_dma source(%dma_start3A_101 : memref<10240x64xf32, #tpu.memory_space<hbm>>) target(%arg12 : memref<128x64xf32, #tpu.memory_space<vmem>>) offsets(%dma_start3A_98 : memref<128xi32, #tpu.memory_space<vmem>>) semaphore(%arg21 : memref<!tpu.dma_semaphore, #tpu.memory_space<semaphore_mem>>)
    %dma_start3A_102 = arith.constant 6 : i32
    %dma_start3A_103 = arith.constant 0 : i32
    %dma_start3A_104 = tpu.memref_slice %arg5[%dma_start3A_102, %dma_start3A_103] : memref<80x128xi32, #tpu.memory_space<vmem>> -> memref<1x128xi32, #tpu.memory_space<vmem>>
    %dma_start3A_105 = tpu.memref_squeeze %dma_start3A_104 : memref<1x128xi32, #tpu.memory_space<vmem>> -> memref<128xi32, #tpu.memory_space<vmem>>
    %dma_start3A_106 = arith.constant 0 : i32
    %dma_start3A_107 = arith.constant 0 : i32
    %dma_start3A_108 = tpu.memref_slice %arg2[%dma_start3A_106, %dma_start3A_107] : memref<10240x64xf32, #tpu.memory_space<hbm>> -> memref<10240x64xf32, #tpu.memory_space<hbm>>
    tpu.enqueue_indirect_dma source(%dma_start3A_108 : memref<10240x64xf32, #tpu.memory_space<hbm>>) target(%arg13 : memref<128x64xf32, #tpu.memory_space<vmem>>) offsets(%dma_start3A_105 : memref<128xi32, #tpu.memory_space<vmem>>) semaphore(%arg22 : memref<!tpu.dma_semaphore, #tpu.memory_space<semaphore_mem>>)
    %dma_start3A_109 = arith.constant 7 : i32
    %dma_start3A_110 = arith.constant 0 : i32
    %dma_start3A_111 = tpu.memref_slice %arg5[%dma_start3A_109, %dma_start3A_110] : memref<80x128xi32, #tpu.memory_space<vmem>> -> memref<1x128xi32, #tpu.memory_space<vmem>>
    %dma_start3A_112 = tpu.memref_squeeze %dma_start3A_111 : memref<1x128xi32, #tpu.memory_space<vmem>> -> memref<128xi32, #tpu.memory_space<vmem>>
    %dma_start3A_113 = arith.constant 0 : i32
    %dma_start3A_114 = arith.constant 0 : i32
    %dma_start3A_115 = tpu.memref_slice %arg2[%dma_start3A_113, %dma_start3A_114] : memref<10240x64xf32, #tpu.memory_space<hbm>> -> memref<10240x64xf32, #tpu.memory_space<hbm>>
    tpu.enqueue_indirect_dma source(%dma_start3A_115 : memref<10240x64xf32, #tpu.memory_space<hbm>>) target(%arg14 : memref<128x64xf32, #tpu.memory_space<vmem>>) offsets(%dma_start3A_112 : memref<128xi32, #tpu.memory_space<vmem>>) semaphore(%arg23 : memref<!tpu.dma_semaphore, #tpu.memory_space<semaphore_mem>>)
    %scan3A_116 = arith.constant 0 : i32
    %scan3A_117 = arith.constant 0 : i32
    %scan3A_118 = arith.constant 10 : i32
    %scan3A_119 = arith.addi %scan3A_117, %scan3A_118 : i32
    %scan3A_120 = arith.constant 1 : i32
    scf.for %scan3A_127 = %scan3A_117 to %scan3A_119 step %scan3A_120  : i32 {
      %mul3A_128 = arith.constant 8 : i32
      %mul3A_129 = arith.muli %scan3A_127, %mul3A_128 : i32
      %add3A_130 = arith.constant 0 : i32
      %add3A_131 = arith.addi %mul3A_129, %add3A_130 : i32
      %dma_wait3A_132 = arith.constant 0 : i32
      %dma_wait3A_133 = tpu.memref_slice %arg5[%add3A_131, %dma_wait3A_132] : memref<80x128xi32, #tpu.memory_space<vmem>> -> memref<1x128xi32, #tpu.memory_space<vmem>>
      %dma_wait3A_134 = tpu.memref_squeeze %dma_wait3A_133 : memref<1x128xi32, #tpu.memory_space<vmem>> -> memref<128xi32, #tpu.memory_space<vmem>>
      %dma_wait3A_135 = arith.constant 0 : i32
      %dma_wait3A_136 = arith.constant 0 : i32
      %dma_wait3A_137 = tpu.memref_slice %arg2[%dma_wait3A_135, %dma_wait3A_136] : memref<10240x64xf32, #tpu.memory_space<hbm>> -> memref<10240x64xf32, #tpu.memory_space<hbm>>
      tpu.wait_indirect_dma semaphore(%arg16 : memref<!tpu.dma_semaphore, #tpu.memory_space<semaphore_mem>>) src(%dma_wait3A_137 : memref<10240x64xf32, #tpu.memory_space<hbm>>) dst(%arg7 : memref<128x64xf32, #tpu.memory_space<vmem>>)
      %add3A_138 = arith.constant 0 : i32
      %add3A_139 = arith.addi %mul3A_129, %add3A_138 : i32
      %dma_start3A_140 = arith.constant 0 : i32
      %dma_start3A_141 = tpu.memref_slice %arg6[%add3A_139, %dma_start3A_140] : memref<80x128xi32, #tpu.memory_space<vmem>> -> memref<1x128xi32, #tpu.memory_space<vmem>>
      %dma_start3A_142 = tpu.memref_squeeze %dma_start3A_141 : memref<1x128xi32, #tpu.memory_space<vmem>> -> memref<128xi32, #tpu.memory_space<vmem>>
      %dma_start3A_143 = arith.constant 0 : i32
      %dma_start3A_144 = arith.constant 0 : i32
      %dma_start3A_145 = tpu.memref_slice %arg15[%dma_start3A_143, %dma_start3A_144] : memref<10240x64xf32, #tpu.memory_space<vmem_shared>> -> memref<10240x64xf32, #tpu.memory_space<vmem_shared>>
      tpu.enqueue_indirect_dma source(%arg7 : memref<128x64xf32, #tpu.memory_space<vmem>>) target(%dma_start3A_145 : memref<10240x64xf32, #tpu.memory_space<vmem_shared>>) offsets(%dma_start3A_142 : memref<128xi32, #tpu.memory_space<vmem>>) semaphore(%arg24 : memref<!tpu.dma_semaphore, #tpu.memory_space<semaphore_mem>>) {add = true}
      %add3A_146 = arith.constant 1 : i32
      %add3A_147 = arith.addi %mul3A_129, %add3A_146 : i32
      %dma_wait3A_148 = arith.constant 0 : i32
      %dma_wait3A_149 = tpu.memref_slice %arg5[%add3A_147, %dma_wait3A_148] : memref<80x128xi32, #tpu.memory_space<vmem>> -> memref<1x128xi32, #tpu.memory_space<vmem>>
      %dma_wait3A_150 = tpu.memref_squeeze %dma_wait3A_149 : memref<1x128xi32, #tpu.memory_space<vmem>> -> memref<128xi32, #tpu.memory_space<vmem>>
      %dma_wait3A_151 = arith.constant 0 : i32
      %dma_wait3A_152 = arith.constant 0 : i32
      %dma_wait3A_153 = tpu.memref_slice %arg2[%dma_wait3A_151, %dma_wait3A_152] : memref<10240x64xf32, #tpu.memory_space<hbm>> -> memref<10240x64xf32, #tpu.memory_space<hbm>>
      tpu.wait_indirect_dma semaphore(%arg17 : memref<!tpu.dma_semaphore, #tpu.memory_space<semaphore_mem>>) src(%dma_wait3A_153 : memref<10240x64xf32, #tpu.memory_space<hbm>>) dst(%arg8 : memref<128x64xf32, #tpu.memory_space<vmem>>)
      %add3A_154 = arith.constant 1 : i32
      %add3A_155 = arith.addi %mul3A_129, %add3A_154 : i32
      %dma_start3A_156 = arith.constant 0 : i32
      %dma_start3A_157 = tpu.memref_slice %arg6[%add3A_155, %dma_start3A_156] : memref<80x128xi32, #tpu.memory_space<vmem>> -> memref<1x128xi32, #tpu.memory_space<vmem>>
      %dma_start3A_158 = tpu.memref_squeeze %dma_start3A_157 : memref<1x128xi32, #tpu.memory_space<vmem>> -> memref<128xi32, #tpu.memory_space<vmem>>
      %dma_start3A_159 = arith.constant 0 : i32
      %dma_start3A_160 = arith.constant 0 : i32
      %dma_start3A_161 = tpu.memref_slice %arg15[%dma_start3A_159, %dma_start3A_160] : memref<10240x64xf32, #tpu.memory_space<vmem_shared>> -> memref<10240x64xf32, #tpu.memory_space<vmem_shared>>
      tpu.enqueue_indirect_dma source(%arg8 : memref<128x64xf32, #tpu.memory_space<vmem>>) target(%dma_start3A_161 : memref<10240x64xf32, #tpu.memory_space<vmem_shared>>) offsets(%dma_start3A_158 : memref<128xi32, #tpu.memory_space<vmem>>) semaphore(%arg25 : memref<!tpu.dma_semaphore, #tpu.memory_space<semaphore_mem>>) {add = true}
      %add3A_162 = arith.constant 2 : i32
      %add3A_163 = arith.addi %mul3A_129, %add3A_162 : i32
      %dma_wait3A_164 = arith.constant 0 : i32
      %dma_wait3A_165 = tpu.memref_slice %arg5[%add3A_163, %dma_wait3A_164] : memref<80x128xi32, #tpu.memory_space<vmem>> -> memref<1x128xi32, #tpu.memory_space<vmem>>
      %dma_wait3A_166 = tpu.memref_squeeze %dma_wait3A_165 : memref<1x128xi32, #tpu.memory_space<vmem>> -> memref<128xi32, #tpu.memory_space<vmem>>
      %dma_wait3A_167 = arith.constant 0 : i32
      %dma_wait3A_168 = arith.constant 0 : i32
      %dma_wait3A_169 = tpu.memref_slice %arg2[%dma_wait3A_167, %dma_wait3A_168] : memref<10240x64xf32, #tpu.memory_space<hbm>> -> memref<10240x64xf32, #tpu.memory_space<hbm>>
      tpu.wait_indirect_dma semaphore(%arg18 : memref<!tpu.dma_semaphore, #tpu.memory_space<semaphore_mem>>) src(%dma_wait3A_169 : memref<10240x64xf32, #tpu.memory_space<hbm>>) dst(%arg9 : memref<128x64xf32, #tpu.memory_space<vmem>>)
      %add3A_170 = arith.constant 2 : i32
      %add3A_171 = arith.addi %mul3A_129, %add3A_170 : i32
      %dma_start3A_172 = arith.constant 0 : i32
      %dma_start3A_173 = tpu.memref_slice %arg6[%add3A_171, %dma_start3A_172] : memref<80x128xi32, #tpu.memory_space<vmem>> -> memref<1x128xi32, #tpu.memory_space<vmem>>
      %dma_start3A_174 = tpu.memref_squeeze %dma_start3A_173 : memref<1x128xi32, #tpu.memory_space<vmem>> -> memref<128xi32, #tpu.memory_space<vmem>>
      %dma_start3A_175 = arith.constant 0 : i32
      %dma_start3A_176 = arith.constant 0 : i32
      %dma_start3A_177 = tpu.memref_slice %arg15[%dma_start3A_175, %dma_start3A_176] : memref<10240x64xf32, #tpu.memory_space<vmem_shared>> -> memref<10240x64xf32, #tpu.memory_space<vmem_shared>>
      tpu.enqueue_indirect_dma source(%arg9 : memref<128x64xf32, #tpu.memory_space<vmem>>) target(%dma_start3A_177 : memref<10240x64xf32, #tpu.memory_space<vmem_shared>>) offsets(%dma_start3A_174 : memref<128xi32, #tpu.memory_space<vmem>>) semaphore(%arg26 : memref<!tpu.dma_semaphore, #tpu.memory_space<semaphore_mem>>) {add = true}
      %add3A_178 = arith.constant 3 : i32
      %add3A_179 = arith.addi %mul3A_129, %add3A_178 : i32
      %dma_wait3A_180 = arith.constant 0 : i32
      %dma_wait3A_181 = tpu.memref_slice %arg5[%add3A_179, %dma_wait3A_180] : memref<80x128xi32, #tpu.memory_space<vmem>> -> memref<1x128xi32, #tpu.memory_space<vmem>>
      %dma_wait3A_182 = tpu.memref_squeeze %dma_wait3A_181 : memref<1x128xi32, #tpu.memory_space<vmem>> -> memref<128xi32, #tpu.memory_space<vmem>>
      %dma_wait3A_183 = arith.constant 0 : i32
      %dma_wait3A_184 = arith.constant 0 : i32
      %dma_wait3A_185 = tpu.memref_slice %arg2[%dma_wait3A_183, %dma_wait3A_184] : memref<10240x64xf32, #tpu.memory_space<hbm>> -> memref<10240x64xf32, #tpu.memory_space<hbm>>
      tpu.wait_indirect_dma semaphore(%arg19 : memref<!tpu.dma_semaphore, #tpu.memory_space<semaphore_mem>>) src(%dma_wait3A_185 : memref<10240x64xf32, #tpu.memory_space<hbm>>) dst(%arg10 : memref<128x64xf32, #tpu.memory_space<vmem>>)
      %add3A_186 = arith.constant 3 : i32
      %add3A_187 = arith.addi %mul3A_129, %add3A_186 : i32
      %dma_start3A_188 = arith.constant 0 : i32
      %dma_start3A_189 = tpu.memref_slice %arg6[%add3A_187, %dma_start3A_188] : memref<80x128xi32, #tpu.memory_space<vmem>> -> memref<1x128xi32, #tpu.memory_space<vmem>>
      %dma_start3A_190 = tpu.memref_squeeze %dma_start3A_189 : memref<1x128xi32, #tpu.memory_space<vmem>> -> memref<128xi32, #tpu.memory_space<vmem>>
      %dma_start3A_191 = arith.constant 0 : i32
      %dma_start3A_192 = arith.constant 0 : i32
      %dma_start3A_193 = tpu.memref_slice %arg15[%dma_start3A_191, %dma_start3A_192] : memref<10240x64xf32, #tpu.memory_space<vmem_shared>> -> memref<10240x64xf32, #tpu.memory_space<vmem_shared>>
      tpu.enqueue_indirect_dma source(%arg10 : memref<128x64xf32, #tpu.memory_space<vmem>>) target(%dma_start3A_193 : memref<10240x64xf32, #tpu.memory_space<vmem_shared>>) offsets(%dma_start3A_190 : memref<128xi32, #tpu.memory_space<vmem>>) semaphore(%arg27 : memref<!tpu.dma_semaphore, #tpu.memory_space<semaphore_mem>>) {add = true}
      %add3A_194 = arith.constant 4 : i32
      %add3A_195 = arith.addi %mul3A_129, %add3A_194 : i32
      %dma_wait3A_196 = arith.constant 0 : i32
      %dma_wait3A_197 = tpu.memref_slice %arg5[%add3A_195, %dma_wait3A_196] : memref<80x128xi32, #tpu.memory_space<vmem>> -> memref<1x128xi32, #tpu.memory_space<vmem>>
      %dma_wait3A_198 = tpu.memref_squeeze %dma_wait3A_197 : memref<1x128xi32, #tpu.memory_space<vmem>> -> memref<128xi32, #tpu.memory_space<vmem>>
      %dma_wait3A_199 = arith.constant 0 : i32
      %dma_wait3A_200 = arith.constant 0 : i32
      %dma_wait3A_201 = tpu.memref_slice %arg2[%dma_wait3A_199, %dma_wait3A_200] : memref<10240x64xf32, #tpu.memory_space<hbm>> -> memref<10240x64xf32, #tpu.memory_space<hbm>>
      tpu.wait_indirect_dma semaphore(%arg20 : memref<!tpu.dma_semaphore, #tpu.memory_space<semaphore_mem>>) src(%dma_wait3A_201 : memref<10240x64xf32, #tpu.memory_space<hbm>>) dst(%arg11 : memref<128x64xf32, #tpu.memory_space<vmem>>)
      %add3A_202 = arith.constant 4 : i32
      %add3A_203 = arith.addi %mul3A_129, %add3A_202 : i32
      %dma_start3A_204 = arith.constant 0 : i32
      %dma_start3A_205 = tpu.memref_slice %arg6[%add3A_203, %dma_start3A_204] : memref<80x128xi32, #tpu.memory_space<vmem>> -> memref<1x128xi32, #tpu.memory_space<vmem>>
      %dma_start3A_206 = tpu.memref_squeeze %dma_start3A_205 : memref<1x128xi32, #tpu.memory_space<vmem>> -> memref<128xi32, #tpu.memory_space<vmem>>
      %dma_start3A_207 = arith.constant 0 : i32
      %dma_start3A_208 = arith.constant 0 : i32
      %dma_start3A_209 = tpu.memref_slice %arg15[%dma_start3A_207, %dma_start3A_208] : memref<10240x64xf32, #tpu.memory_space<vmem_shared>> -> memref<10240x64xf32, #tpu.memory_space<vmem_shared>>
      tpu.enqueue_indirect_dma source(%arg11 : memref<128x64xf32, #tpu.memory_space<vmem>>) target(%dma_start3A_209 : memref<10240x64xf32, #tpu.memory_space<vmem_shared>>) offsets(%dma_start3A_206 : memref<128xi32, #tpu.memory_space<vmem>>) semaphore(%arg28 : memref<!tpu.dma_semaphore, #tpu.memory_space<semaphore_mem>>) {add = true}
      %add3A_210 = arith.constant 5 : i32
      %add3A_211 = arith.addi %mul3A_129, %add3A_210 : i32
      %dma_wait3A_212 = arith.constant 0 : i32
      %dma_wait3A_213 = tpu.memref_slice %arg5[%add3A_211, %dma_wait3A_212] : memref<80x128xi32, #tpu.memory_space<vmem>> -> memref<1x128xi32, #tpu.memory_space<vmem>>
      %dma_wait3A_214 = tpu.memref_squeeze %dma_wait3A_213 : memref<1x128xi32, #tpu.memory_space<vmem>> -> memref<128xi32, #tpu.memory_space<vmem>>
      %dma_wait3A_215 = arith.constant 0 : i32
      %dma_wait3A_216 = arith.constant 0 : i32
      %dma_wait3A_217 = tpu.memref_slice %arg2[%dma_wait3A_215, %dma_wait3A_216] : memref<10240x64xf32, #tpu.memory_space<hbm>> -> memref<10240x64xf32, #tpu.memory_space<hbm>>
      tpu.wait_indirect_dma semaphore(%arg21 : memref<!tpu.dma_semaphore, #tpu.memory_space<semaphore_mem>>) src(%dma_wait3A_217 : memref<10240x64xf32, #tpu.memory_space<hbm>>) dst(%arg12 : memref<128x64xf32, #tpu.memory_space<vmem>>)
      %add3A_218 = arith.constant 5 : i32
      %add3A_219 = arith.addi %mul3A_129, %add3A_218 : i32
      %dma_start3A_220 = arith.constant 0 : i32
      %dma_start3A_221 = tpu.memref_slice %arg6[%add3A_219, %dma_start3A_220] : memref<80x128xi32, #tpu.memory_space<vmem>> -> memref<1x128xi32, #tpu.memory_space<vmem>>
      %dma_start3A_222 = tpu.memref_squeeze %dma_start3A_221 : memref<1x128xi32, #tpu.memory_space<vmem>> -> memref<128xi32, #tpu.memory_space<vmem>>
      %dma_start3A_223 = arith.constant 0 : i32
      %dma_start3A_224 = arith.constant 0 : i32
      %dma_start3A_225 = tpu.memref_slice %arg15[%dma_start3A_223, %dma_start3A_224] : memref<10240x64xf32, #tpu.memory_space<vmem_shared>> -> memref<10240x64xf32, #tpu.memory_space<vmem_shared>>
      tpu.enqueue_indirect_dma source(%arg12 : memref<128x64xf32, #tpu.memory_space<vmem>>) target(%dma_start3A_225 : memref<10240x64xf32, #tpu.memory_space<vmem_shared>>) offsets(%dma_start3A_222 : memref<128xi32, #tpu.memory_space<vmem>>) semaphore(%arg29 : memref<!tpu.dma_semaphore, #tpu.memory_space<semaphore_mem>>) {add = true}
      %add3A_226 = arith.constant 6 : i32
      %add3A_227 = arith.addi %mul3A_129, %add3A_226 : i32
      %dma_wait3A_228 = arith.constant 0 : i32
      %dma_wait3A_229 = tpu.memref_slice %arg5[%add3A_227, %dma_wait3A_228] : memref<80x128xi32, #tpu.memory_space<vmem>> -> memref<1x128xi32, #tpu.memory_space<vmem>>
      %dma_wait3A_230 = tpu.memref_squeeze %dma_wait3A_229 : memref<1x128xi32, #tpu.memory_space<vmem>> -> memref<128xi32, #tpu.memory_space<vmem>>
      %dma_wait3A_231 = arith.constant 0 : i32
      %dma_wait3A_232 = arith.constant 0 : i32
      %dma_wait3A_233 = tpu.memref_slice %arg2[%dma_wait3A_231, %dma_wait3A_232] : memref<10240x64xf32, #tpu.memory_space<hbm>> -> memref<10240x64xf32, #tpu.memory_space<hbm>>
      tpu.wait_indirect_dma semaphore(%arg22 : memref<!tpu.dma_semaphore, #tpu.memory_space<semaphore_mem>>) src(%dma_wait3A_233 : memref<10240x64xf32, #tpu.memory_space<hbm>>) dst(%arg13 : memref<128x64xf32, #tpu.memory_space<vmem>>)
      %add3A_234 = arith.constant 6 : i32
      %add3A_235 = arith.addi %mul3A_129, %add3A_234 : i32
      %dma_start3A_236 = arith.constant 0 : i32
      %dma_start3A_237 = tpu.memref_slice %arg6[%add3A_235, %dma_start3A_236] : memref<80x128xi32, #tpu.memory_space<vmem>> -> memref<1x128xi32, #tpu.memory_space<vmem>>
      %dma_start3A_238 = tpu.memref_squeeze %dma_start3A_237 : memref<1x128xi32, #tpu.memory_space<vmem>> -> memref<128xi32, #tpu.memory_space<vmem>>
      %dma_start3A_239 = arith.constant 0 : i32
      %dma_start3A_240 = arith.constant 0 : i32
      %dma_start3A_241 = tpu.memref_slice %arg15[%dma_start3A_239, %dma_start3A_240] : memref<10240x64xf32, #tpu.memory_space<vmem_shared>> -> memref<10240x64xf32, #tpu.memory_space<vmem_shared>>
      tpu.enqueue_indirect_dma source(%arg13 : memref<128x64xf32, #tpu.memory_space<vmem>>) target(%dma_start3A_241 : memref<10240x64xf32, #tpu.memory_space<vmem_shared>>) offsets(%dma_start3A_238 : memref<128xi32, #tpu.memory_space<vmem>>) semaphore(%arg30 : memref<!tpu.dma_semaphore, #tpu.memory_space<semaphore_mem>>) {add = true}
      %add3A_242 = arith.constant 7 : i32
      %add3A_243 = arith.addi %mul3A_129, %add3A_242 : i32
      %dma_wait3A_244 = arith.constant 0 : i32
      %dma_wait3A_245 = tpu.memref_slice %arg5[%add3A_243, %dma_wait3A_244] : memref<80x128xi32, #tpu.memory_space<vmem>> -> memref<1x128xi32, #tpu.memory_space<vmem>>
      %dma_wait3A_246 = tpu.memref_squeeze %dma_wait3A_245 : memref<1x128xi32, #tpu.memory_space<vmem>> -> memref<128xi32, #tpu.memory_space<vmem>>
      %dma_wait3A_247 = arith.constant 0 : i32
      %dma_wait3A_248 = arith.constant 0 : i32
      %dma_wait3A_249 = tpu.memref_slice %arg2[%dma_wait3A_247, %dma_wait3A_248] : memref<10240x64xf32, #tpu.memory_space<hbm>> -> memref<10240x64xf32, #tpu.memory_space<hbm>>
      tpu.wait_indirect_dma semaphore(%arg23 : memref<!tpu.dma_semaphore, #tpu.memory_space<semaphore_mem>>) src(%dma_wait3A_249 : memref<10240x64xf32, #tpu.memory_space<hbm>>) dst(%arg14 : memref<128x64xf32, #tpu.memory_space<vmem>>)
      %add3A_250 = arith.constant 7 : i32
      %add3A_251 = arith.addi %mul3A_129, %add3A_250 : i32
      %dma_start3A_252 = arith.constant 0 : i32
      %dma_start3A_253 = tpu.memref_slice %arg6[%add3A_251, %dma_start3A_252] : memref<80x128xi32, #tpu.memory_space<vmem>> -> memref<1x128xi32, #tpu.memory_space<vmem>>
      %dma_start3A_254 = tpu.memref_squeeze %dma_start3A_253 : memref<1x128xi32, #tpu.memory_space<vmem>> -> memref<128xi32, #tpu.memory_space<vmem>>
      %dma_start3A_255 = arith.constant 0 : i32
      %dma_start3A_256 = arith.constant 0 : i32
      %dma_start3A_257 = tpu.memref_slice %arg15[%dma_start3A_255, %dma_start3A_256] : memref<10240x64xf32, #tpu.memory_space<vmem_shared>> -> memref<10240x64xf32, #tpu.memory_space<vmem_shared>>
      tpu.enqueue_indirect_dma source(%arg14 : memref<128x64xf32, #tpu.memory_space<vmem>>) target(%dma_start3A_257 : memref<10240x64xf32, #tpu.memory_space<vmem_shared>>) offsets(%dma_start3A_254 : memref<128xi32, #tpu.memory_space<vmem>>) semaphore(%arg31 : memref<!tpu.dma_semaphore, #tpu.memory_space<semaphore_mem>>) {add = true}
      %add3A_258 = arith.constant 0 : i32
      %add3A_259 = arith.addi %mul3A_129, %add3A_258 : i32
      %dma_wait3A_260 = arith.constant 0 : i32
      %dma_wait3A_261 = tpu.memref_slice %arg6[%add3A_259, %dma_wait3A_260] : memref<80x128xi32, #tpu.memory_space<vmem>> -> memref<1x128xi32, #tpu.memory_space<vmem>>
      %dma_wait3A_262 = tpu.memref_squeeze %dma_wait3A_261 : memref<1x128xi32, #tpu.memory_space<vmem>> -> memref<128xi32, #tpu.memory_space<vmem>>
      %dma_wait3A_263 = arith.constant 0 : i32
      %dma_wait3A_264 = arith.constant 0 : i32
      %dma_wait3A_265 = tpu.memref_slice %arg15[%dma_wait3A_263, %dma_wait3A_264] : memref<10240x64xf32, #tpu.memory_space<vmem_shared>> -> memref<10240x64xf32, #tpu.memory_space<vmem_shared>>
      tpu.wait_indirect_dma semaphore(%arg24 : memref<!tpu.dma_semaphore, #tpu.memory_space<semaphore_mem>>) src(%arg7 : memref<128x64xf32, #tpu.memory_space<vmem>>) dst(%dma_wait3A_265 : memref<10240x64xf32, #tpu.memory_space<vmem_shared>>)
      %add3A_266 = arith.constant 1 : i32
      %add3A_267 = arith.addi %scan3A_127, %add3A_266 : i32
      %lt3A = arith.constant 10 : i32
      %lt3A_268 = arith.cmpi slt, %add3A_267, %lt3A : i32
      %convert_element_type3A = arith.extui %lt3A_268 : i1 to i32
      %cond3A = arith.constant 0 : i32
      %cond3A_269 = arith.cmpi ne, %convert_element_type3A, %cond3A : i32
      scf.if %cond3A_269 {
        %add3A_375 = arith.constant 8 : i32
        %add3A_376 = arith.addi %mul3A_129, %add3A_375 : i32
        %add3A_377 = arith.constant 0 : i32
        %add3A_378 = arith.addi %add3A_376, %add3A_377 : i32
        %dma_start3A_379 = arith.constant 0 : i32
        %dma_start3A_380 = tpu.memref_slice %arg5[%add3A_378, %dma_start3A_379] : memref<80x128xi32, #tpu.memory_space<vmem>> -> memref<1x128xi32, #tpu.memory_space<vmem>>
        %dma_start3A_381 = tpu.memref_squeeze %dma_start3A_380 : memref<1x128xi32, #tpu.memory_space<vmem>> -> memref<128xi32, #tpu.memory_space<vmem>>
        %dma_start3A_382 = arith.constant 0 : i32
        %dma_start3A_383 = arith.constant 0 : i32
        %dma_start3A_384 = tpu.memref_slice %arg2[%dma_start3A_382, %dma_start3A_383] : memref<10240x64xf32, #tpu.memory_space<hbm>> -> memref<10240x64xf32, #tpu.memory_space<hbm>>
        tpu.enqueue_indirect_dma source(%dma_start3A_384 : memref<10240x64xf32, #tpu.memory_space<hbm>>) target(%arg7 : memref<128x64xf32, #tpu.memory_space<vmem>>) offsets(%dma_start3A_381 : memref<128xi32, #tpu.memory_space<vmem>>) semaphore(%arg16 : memref<!tpu.dma_semaphore, #tpu.memory_space<semaphore_mem>>)
      } else {
      }
      %add3A_270 = arith.constant 1 : i32
      %add3A_271 = arith.addi %mul3A_129, %add3A_270 : i32
      %dma_wait3A_272 = arith.constant 0 : i32
      %dma_wait3A_273 = tpu.memref_slice %arg6[%add3A_271, %dma_wait3A_272] : memref<80x128xi32, #tpu.memory_space<vmem>> -> memref<1x128xi32, #tpu.memory_space<vmem>>
      %dma_wait3A_274 = tpu.memref_squeeze %dma_wait3A_273 : memref<1x128xi32, #tpu.memory_space<vmem>> -> memref<128xi32, #tpu.memory_space<vmem>>
      %dma_wait3A_275 = arith.constant 0 : i32
      %dma_wait3A_276 = arith.constant 0 : i32
      %dma_wait3A_277 = tpu.memref_slice %arg15[%dma_wait3A_275, %dma_wait3A_276] : memref<10240x64xf32, #tpu.memory_space<vmem_shared>> -> memref<10240x64xf32, #tpu.memory_space<vmem_shared>>
      tpu.wait_indirect_dma semaphore(%arg25 : memref<!tpu.dma_semaphore, #tpu.memory_space<semaphore_mem>>) src(%arg8 : memref<128x64xf32, #tpu.memory_space<vmem>>) dst(%dma_wait3A_277 : memref<10240x64xf32, #tpu.memory_space<vmem_shared>>)
      %add3A_278 = arith.constant 1 : i32
      %add3A_279 = arith.addi %scan3A_127, %add3A_278 : i32
      %lt3A_280 = arith.constant 10 : i32
      %lt3A_281 = arith.cmpi slt, %add3A_279, %lt3A_280 : i32
      %convert_element_type3A_282 = arith.extui %lt3A_281 : i1 to i32
      %cond3A_283 = arith.constant 0 : i32
      %cond3A_284 = arith.cmpi ne, %convert_element_type3A_282, %cond3A_283 : i32
      scf.if %cond3A_284 {
        %add3A_375 = arith.constant 8 : i32
        %add3A_376 = arith.addi %mul3A_129, %add3A_375 : i32
        %add3A_377 = arith.constant 1 : i32
        %add3A_378 = arith.addi %add3A_376, %add3A_377 : i32
        %dma_start3A_379 = arith.constant 0 : i32
        %dma_start3A_380 = tpu.memref_slice %arg5[%add3A_378, %dma_start3A_379] : memref<80x128xi32, #tpu.memory_space<vmem>> -> memref<1x128xi32, #tpu.memory_space<vmem>>
        %dma_start3A_381 = tpu.memref_squeeze %dma_start3A_380 : memref<1x128xi32, #tpu.memory_space<vmem>> -> memref<128xi32, #tpu.memory_space<vmem>>
        %dma_start3A_382 = arith.constant 0 : i32
        %dma_start3A_383 = arith.constant 0 : i32
        %dma_start3A_384 = tpu.memref_slice %arg2[%dma_start3A_382, %dma_start3A_383] : memref<10240x64xf32, #tpu.memory_space<hbm>> -> memref<10240x64xf32, #tpu.memory_space<hbm>>
        tpu.enqueue_indirect_dma source(%dma_start3A_384 : memref<10240x64xf32, #tpu.memory_space<hbm>>) target(%arg8 : memref<128x64xf32, #tpu.memory_space<vmem>>) offsets(%dma_start3A_381 : memref<128xi32, #tpu.memory_space<vmem>>) semaphore(%arg17 : memref<!tpu.dma_semaphore, #tpu.memory_space<semaphore_mem>>)
      } else {
      }
      %add3A_285 = arith.constant 2 : i32
      %add3A_286 = arith.addi %mul3A_129, %add3A_285 : i32
      %dma_wait3A_287 = arith.constant 0 : i32
      %dma_wait3A_288 = tpu.memref_slice %arg6[%add3A_286, %dma_wait3A_287] : memref<80x128xi32, #tpu.memory_space<vmem>> -> memref<1x128xi32, #tpu.memory_space<vmem>>
      %dma_wait3A_289 = tpu.memref_squeeze %dma_wait3A_288 : memref<1x128xi32, #tpu.memory_space<vmem>> -> memref<128xi32, #tpu.memory_space<vmem>>
      %dma_wait3A_290 = arith.constant 0 : i32
      %dma_wait3A_291 = arith.constant 0 : i32
      %dma_wait3A_292 = tpu.memref_slice %arg15[%dma_wait3A_290, %dma_wait3A_291] : memref<10240x64xf32, #tpu.memory_space<vmem_shared>> -> memref<10240x64xf32, #tpu.memory_space<vmem_shared>>
      tpu.wait_indirect_dma semaphore(%arg26 : memref<!tpu.dma_semaphore, #tpu.memory_space<semaphore_mem>>) src(%arg9 : memref<128x64xf32, #tpu.memory_space<vmem>>) dst(%dma_wait3A_292 : memref<10240x64xf32, #tpu.memory_space<vmem_shared>>)
      %add3A_293 = arith.constant 1 : i32
      %add3A_294 = arith.addi %scan3A_127, %add3A_293 : i32
      %lt3A_295 = arith.constant 10 : i32
      %lt3A_296 = arith.cmpi slt, %add3A_294, %lt3A_295 : i32
      %convert_element_type3A_297 = arith.extui %lt3A_296 : i1 to i32
      %cond3A_298 = arith.constant 0 : i32
      %cond3A_299 = arith.cmpi ne, %convert_element_type3A_297, %cond3A_298 : i32
      scf.if %cond3A_299 {
        %add3A_375 = arith.constant 8 : i32
        %add3A_376 = arith.addi %mul3A_129, %add3A_375 : i32
        %add3A_377 = arith.constant 2 : i32
        %add3A_378 = arith.addi %add3A_376, %add3A_377 : i32
        %dma_start3A_379 = arith.constant 0 : i32
        %dma_start3A_380 = tpu.memref_slice %arg5[%add3A_378, %dma_start3A_379] : memref<80x128xi32, #tpu.memory_space<vmem>> -> memref<1x128xi32, #tpu.memory_space<vmem>>
        %dma_start3A_381 = tpu.memref_squeeze %dma_start3A_380 : memref<1x128xi32, #tpu.memory_space<vmem>> -> memref<128xi32, #tpu.memory_space<vmem>>
        %dma_start3A_382 = arith.constant 0 : i32
        %dma_start3A_383 = arith.constant 0 : i32
        %dma_start3A_384 = tpu.memref_slice %arg2[%dma_start3A_382, %dma_start3A_383] : memref<10240x64xf32, #tpu.memory_space<hbm>> -> memref<10240x64xf32, #tpu.memory_space<hbm>>
        tpu.enqueue_indirect_dma source(%dma_start3A_384 : memref<10240x64xf32, #tpu.memory_space<hbm>>) target(%arg9 : memref<128x64xf32, #tpu.memory_space<vmem>>) offsets(%dma_start3A_381 : memref<128xi32, #tpu.memory_space<vmem>>) semaphore(%arg18 : memref<!tpu.dma_semaphore, #tpu.memory_space<semaphore_mem>>)
      } else {
      }
      %add3A_300 = arith.constant 3 : i32
      %add3A_301 = arith.addi %mul3A_129, %add3A_300 : i32
      %dma_wait3A_302 = arith.constant 0 : i32
      %dma_wait3A_303 = tpu.memref_slice %arg6[%add3A_301, %dma_wait3A_302] : memref<80x128xi32, #tpu.memory_space<vmem>> -> memref<1x128xi32, #tpu.memory_space<vmem>>
      %dma_wait3A_304 = tpu.memref_squeeze %dma_wait3A_303 : memref<1x128xi32, #tpu.memory_space<vmem>> -> memref<128xi32, #tpu.memory_space<vmem>>
      %dma_wait3A_305 = arith.constant 0 : i32
      %dma_wait3A_306 = arith.constant 0 : i32
      %dma_wait3A_307 = tpu.memref_slice %arg15[%dma_wait3A_305, %dma_wait3A_306] : memref<10240x64xf32, #tpu.memory_space<vmem_shared>> -> memref<10240x64xf32, #tpu.memory_space<vmem_shared>>
      tpu.wait_indirect_dma semaphore(%arg27 : memref<!tpu.dma_semaphore, #tpu.memory_space<semaphore_mem>>) src(%arg10 : memref<128x64xf32, #tpu.memory_space<vmem>>) dst(%dma_wait3A_307 : memref<10240x64xf32, #tpu.memory_space<vmem_shared>>)
      %add3A_308 = arith.constant 1 : i32
      %add3A_309 = arith.addi %scan3A_127, %add3A_308 : i32
      %lt3A_310 = arith.constant 10 : i32
      %lt3A_311 = arith.cmpi slt, %add3A_309, %lt3A_310 : i32
      %convert_element_type3A_312 = arith.extui %lt3A_311 : i1 to i32
      %cond3A_313 = arith.constant 0 : i32
      %cond3A_314 = arith.cmpi ne, %convert_element_type3A_312, %cond3A_313 : i32
      scf.if %cond3A_314 {
        %add3A_375 = arith.constant 8 : i32
        %add3A_376 = arith.addi %mul3A_129, %add3A_375 : i32
        %add3A_377 = arith.constant 3 : i32
        %add3A_378 = arith.addi %add3A_376, %add3A_377 : i32
        %dma_start3A_379 = arith.constant 0 : i32
        %dma_start3A_380 = tpu.memref_slice %arg5[%add3A_378, %dma_start3A_379] : memref<80x128xi32, #tpu.memory_space<vmem>> -> memref<1x128xi32, #tpu.memory_space<vmem>>
        %dma_start3A_381 = tpu.memref_squeeze %dma_start3A_380 : memref<1x128xi32, #tpu.memory_space<vmem>> -> memref<128xi32, #tpu.memory_space<vmem>>
        %dma_start3A_382 = arith.constant 0 : i32
        %dma_start3A_383 = arith.constant 0 : i32
        %dma_start3A_384 = tpu.memref_slice %arg2[%dma_start3A_382, %dma_start3A_383] : memref<10240x64xf32, #tpu.memory_space<hbm>> -> memref<10240x64xf32, #tpu.memory_space<hbm>>
        tpu.enqueue_indirect_dma source(%dma_start3A_384 : memref<10240x64xf32, #tpu.memory_space<hbm>>) target(%arg10 : memref<128x64xf32, #tpu.memory_space<vmem>>) offsets(%dma_start3A_381 : memref<128xi32, #tpu.memory_space<vmem>>) semaphore(%arg19 : memref<!tpu.dma_semaphore, #tpu.memory_space<semaphore_mem>>)
      } else {
      }
      %add3A_315 = arith.constant 4 : i32
      %add3A_316 = arith.addi %mul3A_129, %add3A_315 : i32
      %dma_wait3A_317 = arith.constant 0 : i32
      %dma_wait3A_318 = tpu.memref_slice %arg6[%add3A_316, %dma_wait3A_317] : memref<80x128xi32, #tpu.memory_space<vmem>> -> memref<1x128xi32, #tpu.memory_space<vmem>>
      %dma_wait3A_319 = tpu.memref_squeeze %dma_wait3A_318 : memref<1x128xi32, #tpu.memory_space<vmem>> -> memref<128xi32, #tpu.memory_space<vmem>>
      %dma_wait3A_320 = arith.constant 0 : i32
      %dma_wait3A_321 = arith.constant 0 : i32
      %dma_wait3A_322 = tpu.memref_slice %arg15[%dma_wait3A_320, %dma_wait3A_321] : memref<10240x64xf32, #tpu.memory_space<vmem_shared>> -> memref<10240x64xf32, #tpu.memory_space<vmem_shared>>
      tpu.wait_indirect_dma semaphore(%arg28 : memref<!tpu.dma_semaphore, #tpu.memory_space<semaphore_mem>>) src(%arg11 : memref<128x64xf32, #tpu.memory_space<vmem>>) dst(%dma_wait3A_322 : memref<10240x64xf32, #tpu.memory_space<vmem_shared>>)
      %add3A_323 = arith.constant 1 : i32
      %add3A_324 = arith.addi %scan3A_127, %add3A_323 : i32
      %lt3A_325 = arith.constant 10 : i32
      %lt3A_326 = arith.cmpi slt, %add3A_324, %lt3A_325 : i32
      %convert_element_type3A_327 = arith.extui %lt3A_326 : i1 to i32
      %cond3A_328 = arith.constant 0 : i32
      %cond3A_329 = arith.cmpi ne, %convert_element_type3A_327, %cond3A_328 : i32
      scf.if %cond3A_329 {
        %add3A_375 = arith.constant 8 : i32
        %add3A_376 = arith.addi %mul3A_129, %add3A_375 : i32
        %add3A_377 = arith.constant 4 : i32
        %add3A_378 = arith.addi %add3A_376, %add3A_377 : i32
        %dma_start3A_379 = arith.constant 0 : i32
        %dma_start3A_380 = tpu.memref_slice %arg5[%add3A_378, %dma_start3A_379] : memref<80x128xi32, #tpu.memory_space<vmem>> -> memref<1x128xi32, #tpu.memory_space<vmem>>
        %dma_start3A_381 = tpu.memref_squeeze %dma_start3A_380 : memref<1x128xi32, #tpu.memory_space<vmem>> -> memref<128xi32, #tpu.memory_space<vmem>>
        %dma_start3A_382 = arith.constant 0 : i32
        %dma_start3A_383 = arith.constant 0 : i32
        %dma_start3A_384 = tpu.memref_slice %arg2[%dma_start3A_382, %dma_start3A_383] : memref<10240x64xf32, #tpu.memory_space<hbm>> -> memref<10240x64xf32, #tpu.memory_space<hbm>>
        tpu.enqueue_indirect_dma source(%dma_start3A_384 : memref<10240x64xf32, #tpu.memory_space<hbm>>) target(%arg11 : memref<128x64xf32, #tpu.memory_space<vmem>>) offsets(%dma_start3A_381 : memref<128xi32, #tpu.memory_space<vmem>>) semaphore(%arg20 : memref<!tpu.dma_semaphore, #tpu.memory_space<semaphore_mem>>)
      } else {
      }
      %add3A_330 = arith.constant 5 : i32
      %add3A_331 = arith.addi %mul3A_129, %add3A_330 : i32
      %dma_wait3A_332 = arith.constant 0 : i32
      %dma_wait3A_333 = tpu.memref_slice %arg6[%add3A_331, %dma_wait3A_332] : memref<80x128xi32, #tpu.memory_space<vmem>> -> memref<1x128xi32, #tpu.memory_space<vmem>>
      %dma_wait3A_334 = tpu.memref_squeeze %dma_wait3A_333 : memref<1x128xi32, #tpu.memory_space<vmem>> -> memref<128xi32, #tpu.memory_space<vmem>>
      %dma_wait3A_335 = arith.constant 0 : i32
      %dma_wait3A_336 = arith.constant 0 : i32
      %dma_wait3A_337 = tpu.memref_slice %arg15[%dma_wait3A_335, %dma_wait3A_336] : memref<10240x64xf32, #tpu.memory_space<vmem_shared>> -> memref<10240x64xf32, #tpu.memory_space<vmem_shared>>
      tpu.wait_indirect_dma semaphore(%arg29 : memref<!tpu.dma_semaphore, #tpu.memory_space<semaphore_mem>>) src(%arg12 : memref<128x64xf32, #tpu.memory_space<vmem>>) dst(%dma_wait3A_337 : memref<10240x64xf32, #tpu.memory_space<vmem_shared>>)
      %add3A_338 = arith.constant 1 : i32
      %add3A_339 = arith.addi %scan3A_127, %add3A_338 : i32
      %lt3A_340 = arith.constant 10 : i32
      %lt3A_341 = arith.cmpi slt, %add3A_339, %lt3A_340 : i32
      %convert_element_type3A_342 = arith.extui %lt3A_341 : i1 to i32
      %cond3A_343 = arith.constant 0 : i32
      %cond3A_344 = arith.cmpi ne, %convert_element_type3A_342, %cond3A_343 : i32
      scf.if %cond3A_344 {
        %add3A_375 = arith.constant 8 : i32
        %add3A_376 = arith.addi %mul3A_129, %add3A_375 : i32
        %add3A_377 = arith.constant 5 : i32
        %add3A_378 = arith.addi %add3A_376, %add3A_377 : i32
        %dma_start3A_379 = arith.constant 0 : i32
        %dma_start3A_380 = tpu.memref_slice %arg5[%add3A_378, %dma_start3A_379] : memref<80x128xi32, #tpu.memory_space<vmem>> -> memref<1x128xi32, #tpu.memory_space<vmem>>
        %dma_start3A_381 = tpu.memref_squeeze %dma_start3A_380 : memref<1x128xi32, #tpu.memory_space<vmem>> -> memref<128xi32, #tpu.memory_space<vmem>>
        %dma_start3A_382 = arith.constant 0 : i32
        %dma_start3A_383 = arith.constant 0 : i32
        %dma_start3A_384 = tpu.memref_slice %arg2[%dma_start3A_382, %dma_start3A_383] : memref<10240x64xf32, #tpu.memory_space<hbm>> -> memref<10240x64xf32, #tpu.memory_space<hbm>>
        tpu.enqueue_indirect_dma source(%dma_start3A_384 : memref<10240x64xf32, #tpu.memory_space<hbm>>) target(%arg12 : memref<128x64xf32, #tpu.memory_space<vmem>>) offsets(%dma_start3A_381 : memref<128xi32, #tpu.memory_space<vmem>>) semaphore(%arg21 : memref<!tpu.dma_semaphore, #tpu.memory_space<semaphore_mem>>)
      } else {
      }
      %add3A_345 = arith.constant 6 : i32
      %add3A_346 = arith.addi %mul3A_129, %add3A_345 : i32
      %dma_wait3A_347 = arith.constant 0 : i32
      %dma_wait3A_348 = tpu.memref_slice %arg6[%add3A_346, %dma_wait3A_347] : memref<80x128xi32, #tpu.memory_space<vmem>> -> memref<1x128xi32, #tpu.memory_space<vmem>>
      %dma_wait3A_349 = tpu.memref_squeeze %dma_wait3A_348 : memref<1x128xi32, #tpu.memory_space<vmem>> -> memref<128xi32, #tpu.memory_space<vmem>>
      %dma_wait3A_350 = arith.constant 0 : i32
      %dma_wait3A_351 = arith.constant 0 : i32
      %dma_wait3A_352 = tpu.memref_slice %arg15[%dma_wait3A_350, %dma_wait3A_351] : memref<10240x64xf32, #tpu.memory_space<vmem_shared>> -> memref<10240x64xf32, #tpu.memory_space<vmem_shared>>
      tpu.wait_indirect_dma semaphore(%arg30 : memref<!tpu.dma_semaphore, #tpu.memory_space<semaphore_mem>>) src(%arg13 : memref<128x64xf32, #tpu.memory_space<vmem>>) dst(%dma_wait3A_352 : memref<10240x64xf32, #tpu.memory_space<vmem_shared>>)
      %add3A_353 = arith.constant 1 : i32
      %add3A_354 = arith.addi %scan3A_127, %add3A_353 : i32
      %lt3A_355 = arith.constant 10 : i32
      %lt3A_356 = arith.cmpi slt, %add3A_354, %lt3A_355 : i32
      %convert_element_type3A_357 = arith.extui %lt3A_356 : i1 to i32
      %cond3A_358 = arith.constant 0 : i32
      %cond3A_359 = arith.cmpi ne, %convert_element_type3A_357, %cond3A_358 : i32
      scf.if %cond3A_359 {
        %add3A_375 = arith.constant 8 : i32
        %add3A_376 = arith.addi %mul3A_129, %add3A_375 : i32
        %add3A_377 = arith.constant 6 : i32
        %add3A_378 = arith.addi %add3A_376, %add3A_377 : i32
        %dma_start3A_379 = arith.constant 0 : i32
        %dma_start3A_380 = tpu.memref_slice %arg5[%add3A_378, %dma_start3A_379] : memref<80x128xi32, #tpu.memory_space<vmem>> -> memref<1x128xi32, #tpu.memory_space<vmem>>
        %dma_start3A_381 = tpu.memref_squeeze %dma_start3A_380 : memref<1x128xi32, #tpu.memory_space<vmem>> -> memref<128xi32, #tpu.memory_space<vmem>>
        %dma_start3A_382 = arith.constant 0 : i32
        %dma_start3A_383 = arith.constant 0 : i32
        %dma_start3A_384 = tpu.memref_slice %arg2[%dma_start3A_382, %dma_start3A_383] : memref<10240x64xf32, #tpu.memory_space<hbm>> -> memref<10240x64xf32, #tpu.memory_space<hbm>>
        tpu.enqueue_indirect_dma source(%dma_start3A_384 : memref<10240x64xf32, #tpu.memory_space<hbm>>) target(%arg13 : memref<128x64xf32, #tpu.memory_space<vmem>>) offsets(%dma_start3A_381 : memref<128xi32, #tpu.memory_space<vmem>>) semaphore(%arg22 : memref<!tpu.dma_semaphore, #tpu.memory_space<semaphore_mem>>)
      } else {
      }
      %add3A_360 = arith.constant 7 : i32
      %add3A_361 = arith.addi %mul3A_129, %add3A_360 : i32
      %dma_wait3A_362 = arith.constant 0 : i32
      %dma_wait3A_363 = tpu.memref_slice %arg6[%add3A_361, %dma_wait3A_362] : memref<80x128xi32, #tpu.memory_space<vmem>> -> memref<1x128xi32, #tpu.memory_space<vmem>>
      %dma_wait3A_364 = tpu.memref_squeeze %dma_wait3A_363 : memref<1x128xi32, #tpu.memory_space<vmem>> -> memref<128xi32, #tpu.memory_space<vmem>>
      %dma_wait3A_365 = arith.constant 0 : i32
      %dma_wait3A_366 = arith.constant 0 : i32
      %dma_wait3A_367 = tpu.memref_slice %arg15[%dma_wait3A_365, %dma_wait3A_366] : memref<10240x64xf32, #tpu.memory_space<vmem_shared>> -> memref<10240x64xf32, #tpu.memory_space<vmem_shared>>
      tpu.wait_indirect_dma semaphore(%arg31 : memref<!tpu.dma_semaphore, #tpu.memory_space<semaphore_mem>>) src(%arg14 : memref<128x64xf32, #tpu.memory_space<vmem>>) dst(%dma_wait3A_367 : memref<10240x64xf32, #tpu.memory_space<vmem_shared>>)
      %add3A_368 = arith.constant 1 : i32
      %add3A_369 = arith.addi %scan3A_127, %add3A_368 : i32
      %lt3A_370 = arith.constant 10 : i32
      %lt3A_371 = arith.cmpi slt, %add3A_369, %lt3A_370 : i32
      %convert_element_type3A_372 = arith.extui %lt3A_371 : i1 to i32
      %cond3A_373 = arith.constant 0 : i32
      %cond3A_374 = arith.cmpi ne, %convert_element_type3A_372, %cond3A_373 : i32
      scf.if %cond3A_374 {
        %add3A_375 = arith.constant 8 : i32
        %add3A_376 = arith.addi %mul3A_129, %add3A_375 : i32
        %add3A_377 = arith.constant 7 : i32
        %add3A_378 = arith.addi %add3A_376, %add3A_377 : i32
        %dma_start3A_379 = arith.constant 0 : i32
        %dma_start3A_380 = tpu.memref_slice %arg5[%add3A_378, %dma_start3A_379] : memref<80x128xi32, #tpu.memory_space<vmem>> -> memref<1x128xi32, #tpu.memory_space<vmem>>
        %dma_start3A_381 = tpu.memref_squeeze %dma_start3A_380 : memref<1x128xi32, #tpu.memory_space<vmem>> -> memref<128xi32, #tpu.memory_space<vmem>>
        %dma_start3A_382 = arith.constant 0 : i32
        %dma_start3A_383 = arith.constant 0 : i32
        %dma_start3A_384 = tpu.memref_slice %arg2[%dma_start3A_382, %dma_start3A_383] : memref<10240x64xf32, #tpu.memory_space<hbm>> -> memref<10240x64xf32, #tpu.memory_space<hbm>>
        tpu.enqueue_indirect_dma source(%dma_start3A_384 : memref<10240x64xf32, #tpu.memory_space<hbm>>) target(%arg14 : memref<128x64xf32, #tpu.memory_space<vmem>>) offsets(%dma_start3A_381 : memref<128xi32, #tpu.memory_space<vmem>>) semaphore(%arg23 : memref<!tpu.dma_semaphore, #tpu.memory_space<semaphore_mem>>)
      } else {
      }
    }
    %scan3A_121 = arith.constant 10 : i32
    %barrier3A_122 = arith.constant 0 : index
    tpu.barrier barrier_id(%barrier3A_122)
    %mul3A_123 = arith.constant 640 : i32
    %mul3A_124 = arith.muli %arg1, %mul3A_123 : i32
    %mul3A_125 = arith.constant 640 : i32
    %mul3A_126 = arith.muli %arg1, %mul3A_125 : i32
    "tpu.region"() ({
      %run_scoped3A = tpu.sem_alloc : memref<!tpu.dma_semaphore, #tpu.memory_space<semaphore_mem>>
      %dma_start3A_127 = arith.constant 0 : i32
      %dma_start3A_128 = tpu.memref_slice %arg4[%arg0, %mul3A_126, %dma_start3A_127] : memref<2x10240x64xf32, #tpu.memory_space<hbm>> -> memref<1x640x64xf32, #tpu.memory_space<hbm>>
      %dma_start3A_129 = tpu.memref_squeeze %dma_start3A_128 : memref<1x640x64xf32, #tpu.memory_space<hbm>> -> memref<640x64xf32, #tpu.memory_space<hbm>>
      %dma_start3A_130 = arith.constant 0 : i32
      %dma_start3A_131 = tpu.memref_slice %arg15[%mul3A_124, %dma_start3A_130] : memref<10240x64xf32, #tpu.memory_space<vmem_shared>> -> memref<640x64xf32, #tpu.memory_space<vmem_shared>>
      tpu.enqueue_dma source(%dma_start3A_131 : memref<640x64xf32, #tpu.memory_space<vmem_shared>>) target(%dma_start3A_129 : memref<640x64xf32, #tpu.memory_space<hbm>>) target_semaphore(%run_scoped3A : memref<!tpu.dma_semaphore, #tpu.memory_space<semaphore_mem>>)
      %dma_wait3A_132 = arith.constant 0 : i32
      %dma_wait3A_133 = tpu.memref_slice %arg4[%arg0, %mul3A_126, %dma_wait3A_132] : memref<2x10240x64xf32, #tpu.memory_space<hbm>> -> memref<1x640x64xf32, #tpu.memory_space<hbm>>
      %dma_wait3A_134 = tpu.memref_squeeze %dma_wait3A_133 : memref<1x640x64xf32, #tpu.memory_space<hbm>> -> memref<640x64xf32, #tpu.memory_space<hbm>>
      %dma_wait3A_135 = arith.constant 0 : i32
      %dma_wait3A_136 = tpu.memref_slice %arg15[%mul3A_124, %dma_wait3A_135] : memref<10240x64xf32, #tpu.memory_space<vmem_shared>> -> memref<640x64xf32, #tpu.memory_space<vmem_shared>>
      tpu.wait_dma2 semaphore(%run_scoped3A : memref<!tpu.dma_semaphore, #tpu.memory_space<semaphore_mem>>) src(%dma_wait3A_136 : memref<640x64xf32, #tpu.memory_space<vmem_shared>>) dst(%dma_wait3A_134 : memref<640x64xf32, #tpu.memory_space<hbm>>)
      tpu.yield
    }) : () -> ()
    return
  }
}

module attributes {stable_mosaic.version = 14 : i64} {
  func.func @_scale_body(%arg0: i32, %arg1: memref<2x512x1xf32, #tpu.memory_space<vmem>>, %arg2: memref<512x128xf32, #tpu.memory_space<vmem>>, %arg3: memref<128x64xf32, #tpu.memory_space<vmem>>, %arg4: memref<512x64xf32, #tpu.memory_space<vmem>>, %arg5: memref<512x1xf32, #tpu.memory_space<vmem>>) attributes {dimension_semantics = [#tpu.dimension_semantics<arbitrary>], iteration_bounds = array<i64: 20>, scalar_prefetch = 0 : i64, scratch_operands = 0 : i64, tpu.core_type = #tpu.core_type<tc>, window_params = [{transform_indices = @transform_0, window_bounds = array<i64: 2, 512, 1>}, {transform_indices = @transform_1, window_bounds = array<i64: 512, 128>}, {pipeline_mode = #tpu.pipeline_mode<synchronous>, transform_indices = @transform_2, window_bounds = array<i64: 128, 64>}, {transform_indices = @transform_3, window_bounds = array<i64: 512, 64>}, {transform_indices = @transform_4, window_bounds = array<i64: 512, 1>}]} {
    %get3A = arith.constant 0 : index
    %get3A_0 = arith.constant 0 : index
    %get3A_1 = arith.constant 0 : index
    %get3A_2 = vector.load %arg1[%get3A, %get3A_0, %get3A_1] : memref<2x512x1xf32, #tpu.memory_space<vmem>>, vector<1x512x1xf32>
    %get3A_3 = vector.shape_cast %get3A_2 : vector<1x512x1xf32> to vector<512x1xf32>
    %get3A_4 = arith.constant 1 : index
    %get3A_5 = arith.constant 0 : index
    %get3A_6 = arith.constant 0 : index
    %get3A_7 = vector.load %arg1[%get3A_4, %get3A_5, %get3A_6] : memref<2x512x1xf32, #tpu.memory_space<vmem>>, vector<1x512x1xf32>
    %get3A_8 = vector.shape_cast %get3A_7 : vector<1x512x1xf32> to vector<512x1xf32>
    %add3A = arith.addf %get3A_3, %get3A_8 : vector<512x1xf32>
    %add3A_9 = arith.constant 1.000000e+00 : f32
    %add3A_10 = vector.broadcast %add3A_9 : f32 to vector<512x1xf32>
    %add3A_11 = arith.addf %add3A, %add3A_10 : vector<512x1xf32>
    %rsqrt3A = math.rsqrt %add3A_11 : vector<512x1xf32>
    %get3A_12 = arith.constant 0 : index
    %get3A_13 = arith.constant 0 : index
    %get3A_14 = vector.load %arg2[%get3A_12, %get3A_13] : memref<512x128xf32, #tpu.memory_space<vmem>>, vector<512x128xf32>
    %get3A_15 = arith.constant 0 : index
    %get3A_16 = arith.constant 0 : index
    %get3A_17 = vector.load %arg3[%get3A_15, %get3A_16] : memref<128x64xf32, #tpu.memory_space<vmem>>, vector<128x64xf32>
    %dot_general3A = arith.constant dense<0.000000e+00> : vector<512x64xf32>
    %dot_general3A_18 = tpu.matmul %get3A_14, %get3A_17, %dot_general3A {dimension_numbers = #tpu.dot_dimension_numbers<[1], [0], [0], [1], [0, 0, 1, 1], [], []>, precision = #tpu.contract_precision<fp32>, transpose_lhs_hint = false} : vector<512x128xf32>, vector<128x64xf32>, vector<512x64xf32> -> vector<512x64xf32>
    %swap3A = arith.constant 0 : index
    %swap3A_19 = arith.constant 0 : index
    %swap3A_20 = vector.load %arg5[%swap3A, %swap3A_19] : memref<512x1xf32, #tpu.memory_space<vmem>>, vector<512x1xf32>
    tpu.vector_store %arg5[%swap3A, %swap3A_19], %rsqrt3A {strides = array<i32>} : memref<512x1xf32, #tpu.memory_space<vmem>>, vector<512x1xf32>,
    %mul3A = vector.broadcast %rsqrt3A : vector<512x1xf32> to vector<512x64xf32>
    %mul3A_21 = arith.mulf %dot_general3A_18, %mul3A : vector<512x64xf32>
    %swap3A_22 = arith.constant 0 : index
    %swap3A_23 = arith.constant 0 : index
    %swap3A_24 = vector.load %arg4[%swap3A_22, %swap3A_23] : memref<512x64xf32, #tpu.memory_space<vmem>>, vector<512x64xf32>
    tpu.vector_store %arg4[%swap3A_22, %swap3A_23], %mul3A_21 {strides = array<i32>} : memref<512x64xf32, #tpu.memory_space<vmem>>, vector<512x64xf32>,
    return
  }
  func.func @transform_0(%arg0: i32) -> (i32, i32, i32) {
    %c0_i32 = arith.constant 0 : i32
    %c0_i32_0 = arith.constant 0 : i32
    %c0_i32_1 = arith.constant 0 : i32
    return %c0_i32, %arg0, %c0_i32_0 : i32, i32, i32
  }
  func.func @transform_1(%arg0: i32) -> (i32, i32) {
    %c0_i32 = arith.constant 0 : i32
    %c0_i32_0 = arith.constant 0 : i32
    return %arg0, %c0_i32 : i32, i32
  }
  func.func @transform_2(%arg0: i32) -> (i32, i32) {
    %c0_i32 = arith.constant 0 : i32
    %c0_i32_0 = arith.constant 0 : i32
    %c0_i32_1 = arith.constant 0 : i32
    return %c0_i32, %c0_i32_0 : i32, i32
  }
  func.func @transform_3(%arg0: i32) -> (i32, i32) {
    %c0_i32 = arith.constant 0 : i32
    %c0_i32_0 = arith.constant 0 : i32
    return %arg0, %c0_i32 : i32, i32
  }
  func.func @transform_4(%arg0: i32) -> (i32, i32) {
    %c0_i32 = arith.constant 0 : i32
    %c0_i32_0 = arith.constant 0 : i32
    return %arg0, %c0_i32 : i32, i32
  }
}

module attributes {stable_mosaic.version = 14 : i64} {
  func.func @_layer_body(%arg0: i32, %arg1: memref<512x64xf32, #tpu.memory_space<vmem>>, %arg2: memref<2x512x64xf32, #tpu.memory_space<vmem>>, %arg3: memref<512x1xf32, #tpu.memory_space<vmem>>, %arg4: memref<64xf32, #tpu.memory_space<vmem>>, %arg5: memref<64x64xf32, #tpu.memory_space<vmem>>, %arg6: memref<512x64xf32, #tpu.memory_space<vmem>>) attributes {dimension_semantics = [#tpu.dimension_semantics<arbitrary>], iteration_bounds = array<i64: 20>, scalar_prefetch = 0 : i64, scratch_operands = 0 : i64, tpu.core_type = #tpu.core_type<tc>, window_params = [{transform_indices = @transform_0, window_bounds = array<i64: 512, 64>}, {transform_indices = @transform_1, window_bounds = array<i64: 2, 512, 64>}, {transform_indices = @transform_2, window_bounds = array<i64: 512, 1>}, {pipeline_mode = #tpu.pipeline_mode<synchronous>, transform_indices = @transform_3, window_bounds = array<i64: 64>}, {pipeline_mode = #tpu.pipeline_mode<synchronous>, transform_indices = @transform_4, window_bounds = array<i64: 64, 64>}, {transform_indices = @transform_5, window_bounds = array<i64: 512, 64>}]} {
    %get3A = arith.constant 0 : index
    %get3A_0 = arith.constant 0 : index
    %get3A_1 = vector.load %arg3[%get3A, %get3A_0] : memref<512x1xf32, #tpu.memory_space<vmem>>, vector<512x1xf32>
    %get3A_2 = arith.constant 0 : index
    %get3A_3 = arith.constant 0 : index
    %get3A_4 = arith.constant 0 : index
    %get3A_5 = vector.load %arg2[%get3A_2, %get3A_3, %get3A_4] : memref<2x512x64xf32, #tpu.memory_space<vmem>>, vector<1x512x64xf32>
    %get3A_6 = vector.shape_cast %get3A_5 : vector<1x512x64xf32> to vector<512x64xf32>
    %get3A_7 = arith.constant 1 : index
    %get3A_8 = arith.constant 0 : index
    %get3A_9 = arith.constant 0 : index
    %get3A_10 = vector.load %arg2[%get3A_7, %get3A_8, %get3A_9] : memref<2x512x64xf32, #tpu.memory_space<vmem>>, vector<1x512x64xf32>
    %get3A_11 = vector.shape_cast %get3A_10 : vector<1x512x64xf32> to vector<512x64xf32>
    %add3A = arith.addf %get3A_6, %get3A_11 : vector<512x64xf32>
    %get3A_12 = arith.constant 0 : index
    %get3A_13 = arith.constant 0 : index
    %get3A_14 = vector.load %arg1[%get3A_12, %get3A_13] : memref<512x64xf32, #tpu.memory_space<vmem>>, vector<512x64xf32>
    %add3A_15 = arith.addf %add3A, %get3A_14 : vector<512x64xf32>
    %mul3A = vector.broadcast %get3A_1 : vector<512x1xf32> to vector<512x64xf32>
    %mul3A_16 = arith.mulf %add3A_15, %mul3A : vector<512x64xf32>
    %get3A_17 = arith.constant 0 : index
    %get3A_18 = vector.load %arg4[%get3A_17] : memref<64xf32, #tpu.memory_space<vmem>>, vector<64xf32>
    %broadcast_in_dim3A = vector.shape_cast %get3A_18 : vector<64xf32> to vector<1x64xf32>
    %add3A_19 = vector.broadcast %broadcast_in_dim3A : vector<1x64xf32> to vector<512x64xf32>
    %add3A_20 = arith.addf %mul3A_16, %add3A_19 : vector<512x64xf32>
    %max3A = arith.constant 0.000000e+00 : f32
    %max3A_21 = vector.broadcast %max3A : f32 to vector<512x64xf32>
    %max3A_22 = arith.maximumf %add3A_20, %max3A_21 : vector<512x64xf32>
    %get3A_23 = arith.constant 0 : index
    %get3A_24 = arith.constant 0 : index
    %get3A_25 = vector.load %arg5[%get3A_23, %get3A_24] : memref<64x64xf32, #tpu.memory_space<vmem>>, vector<64x64xf32>
    %dot_general3A = arith.constant dense<0.000000e+00> : vector<512x64xf32>
    %dot_general3A_26 = tpu.matmul %max3A_22, %get3A_25, %dot_general3A {dimension_numbers = #tpu.dot_dimension_numbers<[1], [0], [0], [1], [0, 0, 1, 1], [], []>, precision = #tpu.contract_precision<fp32>, transpose_lhs_hint = false} : vector<512x64xf32>, vector<64x64xf32>, vector<512x64xf32> -> vector<512x64xf32>
    %mul3A_27 = vector.broadcast %get3A_1 : vector<512x1xf32> to vector<512x64xf32>
    %mul3A_28 = arith.mulf %dot_general3A_26, %mul3A_27 : vector<512x64xf32>
    %swap3A = arith.constant 0 : index
    %swap3A_29 = arith.constant 0 : index
    %swap3A_30 = vector.load %arg6[%swap3A, %swap3A_29] : memref<512x64xf32, #tpu.memory_space<vmem>>, vector<512x64xf32>
    tpu.vector_store %arg6[%swap3A, %swap3A_29], %mul3A_28 {strides = array<i32>} : memref<512x64xf32, #tpu.memory_space<vmem>>, vector<512x64xf32>,
    return
  }
  func.func @transform_0(%arg0: i32) -> (i32, i32) {
    %c0_i32 = arith.constant 0 : i32
    %c0_i32_0 = arith.constant 0 : i32
    return %arg0, %c0_i32 : i32, i32
  }
  func.func @transform_1(%arg0: i32) -> (i32, i32, i32) {
    %c0_i32 = arith.constant 0 : i32
    %c0_i32_0 = arith.constant 0 : i32
    %c0_i32_1 = arith.constant 0 : i32
    return %c0_i32, %arg0, %c0_i32_0 : i32, i32, i32
  }
  func.func @transform_2(%arg0: i32) -> (i32, i32) {
    %c0_i32 = arith.constant 0 : i32
    %c0_i32_0 = arith.constant 0 : i32
    return %arg0, %c0_i32 : i32, i32
  }
  func.func @transform_3(%arg0: i32) -> i32 {
    %c0_i32 = arith.constant 0 : i32
    %c0_i32_0 = arith.constant 0 : i32
    return %c0_i32 : i32
  }
  func.func @transform_4(%arg0: i32) -> (i32, i32) {
    %c0_i32 = arith.constant 0 : i32
    %c0_i32_0 = arith.constant 0 : i32
    %c0_i32_1 = arith.constant 0 : i32
    return %c0_i32, %c0_i32_0 : i32, i32
  }
  func.func @transform_5(%arg0: i32) -> (i32, i32) {
    %c0_i32 = arith.constant 0 : i32
    %c0_i32_0 = arith.constant 0 : i32
    return %arg0, %c0_i32 : i32, i32
  }
}

module attributes {stable_mosaic.version = 14 : i64} {
  func.func @_final_body(%arg0: i32, %arg1: memref<512x64xf32, #tpu.memory_space<vmem>>, %arg2: memref<2x512x64xf32, #tpu.memory_space<vmem>>, %arg3: memref<512x1xf32, #tpu.memory_space<vmem>>, %arg4: memref<64xf32, #tpu.memory_space<vmem>>, %arg5: memref<64xf32, #tpu.memory_space<vmem>>) attributes {dimension_semantics = [#tpu.dimension_semantics<arbitrary>], iteration_bounds = array<i64: 20>, scalar_prefetch = 0 : i64, scratch_operands = 0 : i64, tpu.core_type = #tpu.core_type<tc>, window_params = [{transform_indices = @transform_0, window_bounds = array<i64: 512, 64>}, {transform_indices = @transform_1, window_bounds = array<i64: 2, 512, 64>}, {transform_indices = @transform_2, window_bounds = array<i64: 512, 1>}, {pipeline_mode = #tpu.pipeline_mode<synchronous>, transform_indices = @transform_3, window_bounds = array<i64: 64>}, {pipeline_mode = #tpu.pipeline_mode<synchronous>, transform_indices = @transform_4, window_bounds = array<i64: 64>}]} {
    %get3A = arith.constant 0 : index
    %get3A_0 = arith.constant 0 : index
    %get3A_1 = arith.constant 0 : index
    %get3A_2 = vector.load %arg2[%get3A, %get3A_0, %get3A_1] : memref<2x512x64xf32, #tpu.memory_space<vmem>>, vector<1x512x64xf32>
    %get3A_3 = vector.shape_cast %get3A_2 : vector<1x512x64xf32> to vector<512x64xf32>
    %get3A_4 = arith.constant 1 : index
    %get3A_5 = arith.constant 0 : index
    %get3A_6 = arith.constant 0 : index
    %get3A_7 = vector.load %arg2[%get3A_4, %get3A_5, %get3A_6] : memref<2x512x64xf32, #tpu.memory_space<vmem>>, vector<1x512x64xf32>
    %get3A_8 = vector.shape_cast %get3A_7 : vector<1x512x64xf32> to vector<512x64xf32>
    %add3A = arith.addf %get3A_3, %get3A_8 : vector<512x64xf32>
    %get3A_9 = arith.constant 0 : index
    %get3A_10 = arith.constant 0 : index
    %get3A_11 = vector.load %arg1[%get3A_9, %get3A_10] : memref<512x64xf32, #tpu.memory_space<vmem>>, vector<512x64xf32>
    %add3A_12 = arith.addf %add3A, %get3A_11 : vector<512x64xf32>
    %get3A_13 = arith.constant 0 : index
    %get3A_14 = arith.constant 0 : index
    %get3A_15 = vector.load %arg3[%get3A_13, %get3A_14] : memref<512x1xf32, #tpu.memory_space<vmem>>, vector<512x1xf32>
    %mul3A = vector.broadcast %get3A_15 : vector<512x1xf32> to vector<512x64xf32>
    %mul3A_16 = arith.mulf %add3A_12, %mul3A : vector<512x64xf32>
    %get3A_17 = arith.constant 0 : index
    %get3A_18 = vector.load %arg4[%get3A_17] : memref<64xf32, #tpu.memory_space<vmem>>, vector<64xf32>
    %broadcast_in_dim3A = vector.shape_cast %get3A_18 : vector<64xf32> to vector<1x64xf32>
    %add3A_19 = vector.broadcast %broadcast_in_dim3A : vector<1x64xf32> to vector<512x64xf32>
    %add3A_20 = arith.addf %mul3A_16, %add3A_19 : vector<512x64xf32>
    %max3A = arith.constant 0.000000e+00 : f32
    %max3A_21 = vector.broadcast %max3A : f32 to vector<512x64xf32>
    %max3A_22 = arith.maximumf %add3A_20, %max3A_21 : vector<512x64xf32>
    %iota3A = tpu.iota {dimensions = array<i32: 0>} : vector<512x1xi32>
    %mul3A_23 = arith.constant 512 : i32
    %mul3A_24 = arith.muli %arg0, %mul3A_23 : i32
    %add3A_25 = vector.broadcast %mul3A_24 : i32 to vector<512x1xi32>
    %add3A_26 = arith.addi %iota3A, %add3A_25 : vector<512x1xi32>
    %lt3A = arith.constant 10000 : i32
    %lt3A_27 = vector.broadcast %lt3A : i32 to vector<512x1xi32>
    %lt3A_28 = arith.cmpi slt, %add3A_26, %lt3A_27 : vector<512x1xi32>
    %jit3A = arith.constant 0.000000e+00 : f32
    %broadcast_in_dim3A_29 = vector.shape_cast %lt3A_28 : vector<512x1xi1> to vector<512x1xi1>
    %broadcast_in_dim3A_30 = vector.broadcast %broadcast_in_dim3A_29 : vector<512x1xi1> to vector<512x64xi1>
    %broadcast_in_dim3A_31 = vector.broadcast %jit3A : f32 to vector<512x64xf32>
    %select_n3A = arith.select %broadcast_in_dim3A_30, %max3A_22, %broadcast_in_dim3A_31 : vector<512x64xi1>, vector<512x64xf32>
    %reduce_sum3A = arith.constant dense<0.000000e+00> : vector<64xf32>
    %reduce_sum3A_32 = vector.multi_reduction <add>, %select_n3A, %reduce_sum3A [0] : vector<512x64xf32> to vector<64xf32>
    %mul3A_33 = arith.constant 9.99999974E-5 : f32
    %mul3A_34 = vector.broadcast %mul3A_33 : f32 to vector<64xf32>
    %mul3A_35 = arith.mulf %reduce_sum3A_32, %mul3A_34 : vector<64xf32>
    %eq3A = arith.constant 0 : i32
    %eq3A_36 = arith.cmpi eq, %arg0, %eq3A : i32
    %convert_element_type3A = arith.extui %eq3A_36 : i1 to i32
    %cond3A = arith.constant 0 : i32
    %cond3A_37 = arith.cmpi ne, %convert_element_type3A, %cond3A : i32
    scf.if %cond3A_37 {
      %swap3A = arith.constant 0 : index
      %swap3A_42 = vector.load %arg5[%swap3A] : memref<64xf32, #tpu.memory_space<vmem>>, vector<64xf32>
      tpu.vector_store %arg5[%swap3A], %mul3A_35 {strides = array<i32>} : memref<64xf32, #tpu.memory_space<vmem>>, vector<64xf32>,
    } else {
    }
    %gt3A = arith.constant 0 : i32
    %gt3A_38 = arith.cmpi sgt, %arg0, %gt3A : i32
    %convert_element_type3A_39 = arith.extui %gt3A_38 : i1 to i32
    %cond3A_40 = arith.constant 0 : i32
    %cond3A_41 = arith.cmpi ne, %convert_element_type3A_39, %cond3A_40 : i32
    scf.if %cond3A_41 {
      %get3A_42 = arith.constant 0 : index
      %get3A_43 = vector.load %arg5[%get3A_42] : memref<64xf32, #tpu.memory_space<vmem>>, vector<64xf32>
      %add3A_44 = arith.addf %get3A_43, %mul3A_35 : vector<64xf32>
      %swap3A = arith.constant 0 : index
      %swap3A_45 = vector.load %arg5[%swap3A] : memref<64xf32, #tpu.memory_space<vmem>>, vector<64xf32>
      tpu.vector_store %arg5[%swap3A], %add3A_44 {strides = array<i32>} : memref<64xf32, #tpu.memory_space<vmem>>, vector<64xf32>,
    } else {
    }
    return
  }
  func.func @transform_0(%arg0: i32) -> (i32, i32) {
    %c0_i32 = arith.constant 0 : i32
    %c0_i32_0 = arith.constant 0 : i32
    return %arg0, %c0_i32 : i32, i32
  }
  func.func @transform_1(%arg0: i32) -> (i32, i32, i32) {
    %c0_i32 = arith.constant 0 : i32
    %c0_i32_0 = arith.constant 0 : i32
    %c0_i32_1 = arith.constant 0 : i32
    return %c0_i32, %arg0, %c0_i32_0 : i32, i32, i32
  }
  func.func @transform_2(%arg0: i32) -> (i32, i32) {
    %c0_i32 = arith.constant 0 : i32
    %c0_i32_0 = arith.constant 0 : i32
    return %arg0, %c0_i32 : i32, i32
  }
  func.func @transform_3(%arg0: i32) -> i32 {
    %c0_i32 = arith.constant 0 : i32
    %c0_i32_0 = arith.constant 0 : i32
    return %c0_i32 : i32
  }
  func.func @transform_4(%arg0: i32) -> i32 {
    %c0_i32 = arith.constant 0 : i32
    %c0_i32_0 = arith.constant 0 : i32
    return %c0_i32 : i32
  }
}

</mosaic_0001>

<sc_bundles>
// kernel: kernel.11.cloned.1.call-start
scs
__scs_entry_jumppad:
0x0: {  	(pc) =	sbr.rel $0x88, $3  }
0x1: {  	(tag) =	ssettag $0x0;
	lr =	simm.s32 $0x1  }
0x2: {  	[smem:$0x3F9B] =	sst lr;
	_ =	strace $0xD0000000  }
0x3: {  	_ = 	snop  }
0x4: {  	_ = 	snop  }
0x5: {  	_ = 	snop  }
0x6: {  	_ = 	snop  }
0x7: {  	_ = 	snop  }
__scs_overlays_trampoline_lowered:
0x8: {  	[smem:$0x3FAA] =	sst s0  }
0x9: {  	[smem:$0x3FAB] =	sst s1  }
0xa: {  	[smem:$0x3FAC] =	sst s2  }
0xb: {  	[smem:$0x3FAD] =	sst s3  }
0xc: {  	[smem:$0x3FAE] =	sst s4  }
0xd: {  	[smem:$0x3FAF] =	sst s5  }
0xe: {  	[smem:$0x3FB0] =	sst s6  }
0xf: {  	[smem:$0x3FB1] =	sst s7  }
0x10: {  	[smem:$0x3FB2] =	sst s8  }
0x11: {  	[smem:$0x3FB3] =	sst s9;
	s0 =	simm.s32 @!p0 $0x0  }
0x12: {  	s1 =	sld [smem:$0x3F99];
	s0 =	simm.s32 @p0 $0x1  }
0x13: {  	[smem:$0x3FB4] =	sst s0;
	s0 =	simm.s32 @!p1 $0x0  }
0x14: {  	s2 =	sld [smem:$0x3F98];
	s0 =	simm.s32 @p1 $0x1  }
0x15: {  	[smem:$0x3FB5] =	sst s0;
	s0 =	simm.s32 @!p2 $0x0  }
0x16: {  	s3 =	sld [smem:$0x3FDB];
	s0 =	simm.s32 @p2 $0x1  }
0x17: {  	s4 =	simm.s32 $0x1BF5;
	[smem:$0x3FB7] =	sst s0  }
0x18: {  	s0 =	sld [smem:$0x3F9A];
	_ =	swait.ge [sflag:s4], $0x0  }
0x19: {  	s7 =	sld [smem:$0x3F9B]  }
0x1a: {  	s8 =	sadd.s32 $0xFFFFE003, lr  }
0x1b: {  	s9 =	sadd.s32 $0xFFFFFEF7, lr;
	s5 =	simm.s32 $0xFFFFFFFF;
	p2 =	slt.u32 s8, $0xFFFFF086  }
0x1c: {  	p1 =	slt.u32 s9, $0xF7A;
	s5 =	simm.s32 @!p2 $0x0  }
0x1d: {  	s5 =	simm.s32 @p1 $0x1;
	p0 =	seq.s32 s7, s2  }
0x1e: {  	s7 =	smul.u32 @!p0 $0xF7A, s2;
	p2 =	seq.s32 @!p0 s5, $0x0  }
0x1f: {  	s9 =	smul.u32 $0xF7A, s1;
	s8 =	simm.s32 @!p0 $0x1BF5;
	p2 =	por !p2, p0  }
0x20: {  	[sflag:s8] =	ssyncset.s32 @!p0 $0xFFFFF086;
	s6 =	sadd.s32 @!p0 s3, s7;
	s7 =	simm.s32 @!p0 $0x108  }
0x21: {  	s3 =	sadd.s32 s3, s9;
	s6 =	sadd.s32 @!p0 $0x88, s6;
	s7 =	simm.s32 @p2 $0x1082  }
0x22: {  	[simem:s7], [sflag:s8] =	dma.local @!p0 [hbm:s6], $0xF7A  }
0x23: {  	s9 =	sor.u32 $0xD0000000, s2;
	s6 =	simm.s32 $0x108;
	_ =	swait.ge @!p0 [sflag:s8], $0x0  }
0x24: {  	s3 =	sadd.s32 $0x88, s3;
	s6 =	simm.s32 @!p1 $0x1082;
	[sflag:s4] =	ssyncset.s32 $0xFFFFF086  }
0x25: {  	[simem:s6], [sflag:s4] =	dma.local [hbm:s3], $0xF7A  }
0x26: {  	[smem:$0x3F9B] =	sst s1;
	(tag) =	ssettag s2;
	_ =	strace s9  }
0x27: {  	s1 =	sld [smem:$0x3FAB]  }
0x28: {  	s2 =	sld [smem:$0x3FAC]  }
0x29: {  	s4 =	sld [smem:$0x3FAE]  }
0x2a: {  	p0 =	seq.s32 s5, $0x0;
	s5 =	sld [smem:$0x3FAF]  }
0x2b: {  	s6 =	sld [smem:$0x3FB0]  }
0x2c: {  	s7 =	sld [smem:$0x3FB1]  }
0x2d: {  	s3 =	simm.s32 $0x108;
	s8 =	sld [smem:$0x3FB2]  }
0x2e: {  	s3 =	simm.s32 @!p0 $0x1082;
	s9 =	sld [smem:$0x3FB3]  }
0x2f: {  	lr =	sadd.s32 s0, s3;
	s0 =	sld [smem:$0x3FAA]  }
0x30: {  	s3 =	sld [smem:$0x3FAD]  }
0x31: {  	[smem:$0x3FB6] =	sst s10  }
0x32: {  	s10 =	sld [smem:$0x3FB4];
	_ =	sdelay $0x3  }
0x33: {  	p0 =	seq.s32 s10, $0x1;
	s10 =	sld [smem:$0x3FB6];
	_ =	sdelay $0x3  }
0x34: {  	[smem:$0x3FB6] =	sst s10  }
0x35: {  	s10 =	sld [smem:$0x3FB5];
	_ =	sdelay $0x3  }
0x36: {  	p1 =	seq.s32 s10, $0x1;
	s10 =	sld [smem:$0x3FB6];
	_ =	sdelay $0x3  }
0x37: {  	[smem:$0x3FB6] =	sst s10  }
0x38: {  	s10 =	sld [smem:$0x3FB7]  }
0x39: {  	_ = 	snop;
	(pc) =	sbr.ind lr, $3  }
0x3a: {  	_ = 	snop  }
0x3b: {  	_ = 	snop  }
0x3c: {  	p2 =	seq.s32 s10, $0x1;
	s10 =	sld [smem:$0x3FB6]  }
0x3d: {  	_ =	shalt  }
0x3e: {  	_ =	shalt  }
0x3f: {  	_ =	shalt  }
0x40: {  	_ =	shalt  }
0x41: {  	_ =	shalt  }
0x42: {  	_ =	shalt  }
0x43: {  	_ =	shalt  }
0x44: {  	_ =	shalt  }
0x45: {  	_ =	shalt  }
0x46: {  	_ =	shalt  }
0x47: {  	_ =	shalt  }
0x48: {  	_ =	shalt  }
0x49: {  	_ =	shalt  }
0x4a: {  	_ =	shalt  }
0x4b: {  	_ =	shalt  }
0x4c: {  	_ =	shalt  }
0x4d: {  	_ =	shalt  }
0x4e: {  	_ =	shalt  }
0x4f: {  	_ =	shalt  }
0x50: {  	_ =	shalt  }
0x51: {  	_ =	shalt  }
0x52: {  	_ =	shalt  }
0x53: {  	_ =	shalt  }
0x54: {  	_ =	shalt  }
0x55: {  	_ =	shalt  }
0x56: {  	_ =	shalt  }
0x57: {  	_ =	shalt  }
0x58: {  	_ =	shalt  }
0x59: {  	_ =	shalt  }
0x5a: {  	_ =	shalt  }
0x5b: {  	_ =	shalt  }
0x5c: {  	_ =	shalt  }
0x5d: {  	_ =	shalt  }
0x5e: {  	_ =	shalt  }
0x5f: {  	_ =	shalt  }
0x60: {  	_ =	shalt  }
0x61: {  	_ =	shalt  }
0x62: {  	_ =	shalt  }
0x63: {  	_ =	shalt  }
0x64: {  	_ =	shalt  }
0x65: {  	_ =	shalt  }
0x66: {  	_ =	shalt  }
0x67: {  	_ =	shalt  }
0x68: {  	_ =	shalt  }
0x69: {  	_ =	shalt  }
0x6a: {  	_ =	shalt  }
0x6b: {  	_ =	shalt  }
0x6c: {  	_ =	shalt  }
0x6d: {  	_ =	shalt  }
0x6e: {  	_ =	shalt  }
0x6f: {  	_ =	shalt  }
0x70: {  	_ =	shalt  }
0x71: {  	_ =	shalt  }
0x72: {  	_ =	shalt  }
0x73: {  	_ =	shalt  }
0x74: {  	_ =	shalt  }
0x75: {  	_ =	shalt  }
0x76: {  	_ =	shalt  }
0x77: {  	_ =	shalt  }
0x78: {  	_ =	shalt  }
0x79: {  	_ =	shalt  }
0x7a: {  	_ =	shalt  }
0x7b: {  	_ =	shalt  }
0x7c: {  	_ =	shalt  }
0x7d: {  	_ =	shalt  }
0x7e: {  	_ =	shalt  }
0x7f: {  	_ =	shalt  }
0x80: {  	_ =	shalt  }
0x81: {  	_ =	shalt  }
0x82: {  	_ =	shalt  }
0x83: {  	_ =	shalt  }
0x84: {  	_ =	shalt  }
0x85: {  	_ =	shalt  }
0x86: {  	_ =	shalt  }
0x87: {  	_ =	shalt  }
.Lfunc_end0:
.L_simem_size_0:
called_computation.1_lowered:
.L_overlay_start_0:
0x88: {  	s2 =	sld [smem:$0x3FD9]  }
0x89: {  	s3 =	sld [smem:$0x3FFE];
	_ =	sdelay $0x1  }
0x8a: {  	s1 =	srdreg.scid  }
0x8b: {  	s0 =	sand.u32 $0x1, s1  }
0x8c: {  	s16 =	sshll.u32 s0, $0xA;
	s2 =	sadd.s32 s3, s2  }
0x8d: {  	s2 =	sadd.s32 s2, s16  }
0x8e: {  	[smem:$0x3FC2] =	sst s2  }
0x8f: {  	_ = 	snop  }
0x90: {  	(tm) =	ssettm $0x1  }
0x91: {  	s17 =	sld [smem:$0x3FFB];
	_ =	sdelay $0x3  }
0x92: {  	_ =	strace s17  }
0x93: {  	s2 =	sld [smem:$0x3FFC];
	_ =	sdelay $0x3  }
0x94: {  	_ =	strace s2  }
0x95: {  	s2 =	sld [smem:$0x3FFD];
	_ =	sdelay $0x3  }
0x96: {  	_ =	strace s2  }
0x97: {  	_ =	strace $0x8FFFFFFF  }
0x98: {  	s18 =	sld [smem:$0x3FDB];
	_ =	sdelay $0x1  }
0x99: {  	s19 =	simm.s32 $_scs_section_size  }
0x9a: {  	s4 =	simm.s32 $_size__tile_overlayer_lowered;
	s5 =	simm.s32 $_tile_overlayer_lowered  }
0x9b: {  	s22 =	simm.s32 $0x1BFF;
	s21 =	sshll.u32 s5, $0x1;
	s2 =	sadd.s32 s19, s18  }
0x9c: {  	s6 =	simm.s32 $0x0;
	s20 =	sshll.u32 s4, $0x1;
	s4 =	sadd.s32 s21, s2  }
0x9d: {  	[timem:s6], [sflag:s22] =	dma.local [hbm:s4], s20  }
0x9e: {  	_ =	swait.ge [sflag:s22], s20  }
0x9f: {  	s3 =	ssub.s32 $0x0, s20;
	[sflag:s22] =	ssyncset.done $0x0  }
0xa0: {  	[sflag:s22] =	ssyncadd.s32 s3;
	_ =	sdelay $0x1  }
0xa1: {  	s23 =	simm.s32 $0x1B8B  }
0xa2: {  	_ =	swait.ge [sflag:s23], $0x1  }
0xa3: {  	[sflag:s23] =	ssyncset.done $0x0  }
0xa4: {  	s25 =	simm.s32 $0x1B8E;
	s24 =	sld [smem:$0x3FFE];
	[sflag:s23] =	ssyncadd.s32 $0xFFFFFFFF  }
0xa5: {  	s26 =	simm.s32 $execute0_lowered;
	[smem:$0x3FD2] =	sst s25  }
0xa6: {  	s4 =	sshll.u32 s26, $0x1;
	_ =	strace $0x80000049;
	[dreg:$0x1] =	wrdreg $0xFFFFFFFF  }
0xa7: {  	s28 =	simm.s32 $_size_execute0_lowered;
	s2 =	sadd.s32 s2, s4;
	[dreg:$0x0] =	wrdreg $0x0  }
0xa8: {  	s4 =	sshll.u32 s28, $0x1;
	[dreg:$0x2] =	wrdreg s2  }
0xa9: {  	[dreg:$0x3] =	wrdreg s4  }
0xaa: {  	[dreg:$0x4] =	wrdreg $0xC0  }
0xab: {  	_ =	task [dreg:s6], $0x5FFFF  }
0xac: {  	[dreg:$0x1] =	wrdreg $0xFFFFFFFF  }
0xad: {  	[dreg:$0x0] =	wrdreg $0x60  }
0xae: {  	[dreg:$0x2] =	wrdreg s24  }
0xaf: {  	[dreg:$0x3] =	wrdreg $0x150000  }
0xb0: {  	[dreg:$0x4] =	wrdreg $0x9  }
0xb1: {  	_ =	task.clear_ibuf [dreg:s6], $0x5FFFF;
	_ =	strace $0x90000049  }
0xb2: {  	s29 =	simm.s32 $0x9;
	_ =	strace $0x8000004B  }
0xb3: {  	_ =	swait.ge [sflag:s29], $0x1  }
0xb4: {  	[sflag:s29] =	ssyncadd.s32 $0xFFFFFFFF  }
0xb5: {  	_ =	strace $0x9000004B  }
0xb6: {  	_ =	sfence  }
0xb7: {  	s30 =	sld [smem:$0x0];
	_ =	sdelay $0x2  }
0xb8: {  	s31 =	sshll.u32 s1, $0xD;
	s1 =	sshrl.u32 s1, $0x2  }
0xb9: {  	s3 =	sand.u32 $0x4000, s31;
	s1 =	sadd.s32 s1, s30  }
0xba: {  	s0 =	sor.u32 s3, s0;
	s1 =	sshll.u32 s1, $0x11  }
0xbb: {  	s0 =	sor.u32 s1, s0  }
0xbc: {  	s0 =	sadd.s32 $0x8F2B, s0  }
0xbd: {  	[sflag:s0] =	ssyncadd.remote.s32 $0x1  }
0xbe: {  	_ =	sfence.sel $0xFFFF  }
0xbf: {  	[dreg:$0x0] =	wrdreg $0xFFFFFFFF;
	(pc) =	sbr.abs _section_cstart, $3  }
0xc0: {  	[dreg:$0x1] =	wrdreg $0xFFFFFFFF  }
0xc1: {  	_ =	task.clear_ibuf [dreg:s6], $0x2FFFF;
	_ =	strace $0x9FFFFFFF  }
0xc2: {  	(tm) =	ssettm $0x7FFFFFFF  }
0xc3: {  	_ =	shalt  }
tec
execute0_lowered:
.L_overlay_start_1:
0x0: {  	(tag) =	ssettag $0x1  }
0x1: {  	s0 =	srdreg.scid;
	s3 =	rddreg [dreg:$0x0]  }
0x2: {  	s7 =	stileid.u32;
	s2 =	rddreg [dreg:$0x1];
	s4 =	simm.s32 $0x0  }
0x3: {  	s15 =	simm.s32 $0x5000;
	s16 =	simm.s32 $0x11;
	s17 =	simm.s32 $0x1  }
0x4: {  	s29 =	simm.s32 $0xF000;
	s31 =	simm.s32 $0x11000;
	s14 =	simm.s32 $0x3  }
0x5: {  	s28 =	simm.s32 $0x7;
	s30 =	simm.s32 $0x8;
	s8 =	simm.s32 $0xD  }
0x6: {  	s9 =	simm.s32 $0xE;
	s10 =	simm.s32 $0xF;
	s11 =	simm.s32 $0x10  }
0x7: {  	s12 =	simm.s32 $0x0;
	s0 =	sand.u32 $0x1, s0;
	s5 =	smul.u32 $0xA000, s7  }
0x8: {  	s1 =	sshll.u32 s7, $0x1;
	[smem:$0x7FF] =	sst s4;
	s7 =	smul.u32 $0x28000, s7  }
0x9: {  	s4 =	sadd.s32 $0x15E00, s3;
	s1 =	sor.u32 s0, s1;
	s6 =	smul.u32 $0xA0000, s0  }
0xa: {  	_ =	strace $0x8000004A;
	s0 =	ssub.s32 $0x2, s0;
	s1 =	smul.u32 $0x2800, s1  }
0xb: {  	s18 =	sshrl.u32 s0, $0x1;
	s7 =	sshrl.u32 s7, $0x2;
	s21 =	sadd.s32 s5, s2  }
0xc: {  	s6 =	sadd.s32 s5, s6;
	s0 =	ssub.s32 s0, s18;
	s20 =	sadd.s32 s7, s2  }
0xd: {  	[dreg:$0x5] =	wrdreg s21;
	s18 =	simm.s32 $0x2;
	s21 =	simm.s32 $0x4  }
0xe: {  	s5 =	simm.s32 $0xB;
	s1 =	sshrl.u32 s1, $0x3;
	s22 =	sadd.s32 $0x2000, s20  }
0xf: {  	s6 =	sshrl.u32 s6, $0x3;
	s23 =	sadd.s32 $0x4000, s20;
	[dreg:$0x6] =	wrdreg s22  }
0x10: {  	s24 =	sadd.s32 $0x6000, s20;
	s25 =	sadd.s32 $0x8000, s20;
	[dreg:$0x7] =	wrdreg s23  }
0x11: {  	s0 =	smax.u32 s0, $0x1;
	s20 =	simm.s32 $0x7000;
	[dreg:$0x8] =	wrdreg s24  }
0x12: {  	s1 =	sadd.s32 s1, s3;
	s3 =	sadd.s32 s6, s3;
	[dreg:$0x9] =	wrdreg s25  }
0x13: {  	[dreg:$0xb] =	wrdreg s0;
	s22 =	simm.s32 $0x9000;
	s24 =	simm.s32 $0xB000  }
.Ltmp0:
0x14: {  	s0 =	simm.s32 $0x13000;
	s19 =	sadd.s32 $0x1E00, s1;
	(pc) =	sbr.rel .LBB2_1-.Ltmp0, $4  }
0x15: {  	s23 =	simm.s32 $0x5;
	s1 =	sadd.s32 $0xBE00, s1;
	[dreg:$0x3] =	wrdreg s19  }
0x16: {  	s25 =	simm.s32 $0x6;
	s26 =	sadd.s32 $0x29E00, s3;
	[dreg:$0x4] =	wrdreg s1  }
0x17: {  	s6 =	simm.s32 $0xC;
	s3 =	simm.s32 $0xA;
	[dreg:$0xa] =	wrdreg s26  }
0x18: {  	v0 =	vimm.f32 $0.0e+00;
	s19 =	simm.s32 $0x80;
	s26 =	simm.s32 $0xD000;
	s1 =	simm.s32 $0x9  }
.LBB2_5:
0x19: {  	_ =	swait.ge [sflag:s3], $0x2000  }
0x1a: {  	[sflag:s3] =	ssyncset.done $0x0  }
0x1b: {  	[sflag:s3] =	ssyncadd.s32 $0xFFFFE000  }
0x1c: {  	_ =	swait.ge [sflag:s5], $0x2000  }
0x1d: {  	[sflag:s5] =	ssyncset.done $0x0  }
0x1e: {  	[sflag:s5] =	ssyncadd.s32 $0xFFFFE000  }
0x1f: {  	_ =	swait.ge [sflag:s6], $0x2000  }
0x20: {  	[sflag:s6] =	ssyncset.done $0x0  }
0x21: {  	[sflag:s6] =	ssyncadd.s32 $0xFFFFE000  }
0x22: {  	_ =	swait.ge [sflag:s8], $0x2000  }
0x23: {  	[sflag:s8] =	ssyncset.done $0x0  }
0x24: {  	[sflag:s8] =	ssyncadd.s32 $0xFFFFE000  }
0x25: {  	_ =	swait.ge [sflag:s9], $0x2000  }
0x26: {  	[sflag:s9] =	ssyncset.done $0x0  }
0x27: {  	[sflag:s9] =	ssyncadd.s32 $0xFFFFE000  }
0x28: {  	_ =	swait.ge [sflag:s10], $0x2000  }
0x29: {  	[sflag:s10] =	ssyncset.done $0x0  }
0x2a: {  	[sflag:s10] =	ssyncadd.s32 $0xFFFFE000  }
0x2b: {  	_ =	swait.ge [sflag:s11], $0x2000  }
0x2c: {  	[sflag:s11] =	ssyncset.done $0x0  }
0x2d: {  	[sflag:s11] =	ssyncadd.s32 $0xFFFFE000  }
.LBB2_7:
0x2e: {  	s7 =	stileid.u32;
	[bflag:$0x0] =	sbarrier.arrive $0xFFFF  }
0x2f: {  	s7 =	sshll.u32 s7, $0x6;
	s12 =	rddreg [dreg:$0x5]  }
0x30: {  	s13 =	rddreg [dreg:$0xa];
	s7 =	sor.u32 $0x1C11, s7;
	s12 =	sshrl.u32 s12, $0x3  }
0x31: {  	[hbm:s13], [sflag:s7] =	dma.local [spmem:s12], $0x1400  }
0x32: {  	_ =	swait.ge [sflag:s16], $0x1400  }
0x33: {  	s7 =	rddreg [dreg:$0xc]  }
0x34: {  	s13 =	rddreg [dreg:$0xb];
	s12 =	sadd.s32 $0x1, s7  }
0x35: {  	p0 =	sne.s32 s12, s13  }
.Ltmp1:
0x36: {  	_ = 	snop;
	(pc) =	sbr.rel @!p0 .LBB2_8-.Ltmp1, $3  }
0x37: {  	_ =	sdelay $0x1  }
0x38: {  	[sflag:s16] =	ssyncset.done $0x0  }
0x39: {  	[sflag:s16] =	ssyncadd.s32 $0xFFFFEC00  }
.LBB2_1:
0x3a: {  	[dreg:$0xc] =	wrdreg s12  }
0x3b: {  	s7 =	simm.s32 $0x0;
	s13 =	rddreg [dreg:$0x3]  }
0x3c: {  	[tilespmem:s7], [sflag:$0x1] =	stream.linear.gather [hbm4b:s13+s7], $0x2800, $0x38;
	[tilespmem:$0x1F000] =	vst v63  }
0x3d: {  	s12 =	rddreg [dreg:$0x4];
	s13 =	simm.s32 $0x2800  }
0x3e: {  	[tilespmem:s13], [sflag:$0x2] =	stream.linear.gather [hbm4b:s12+s7], $0x2800, $0x38;
	[tilespmem:$0x1F000] =	vst v63  }
0x3f: {  	s13 =	simm.s32 $0x100;
	s7 =	simm.s32 $0x0  }
.LBB2_2:
0x40: {  	p0 =	sne.s32 s13, $0x7F00;
	[tilespmem:s7+$0x5030] =	vst v0;
	s12 =	smov.u32 s13;
	s13 =	sadd.s32 $0x100, s13  }
.Ltmp2:
0x41: {  	[tilespmem:s7+$0x5020] =	vst v0;
	(pc) =	sbr.rel @p0 .LBB2_2-.Ltmp2, $3  }
0x42: {  	[tilespmem:s7+$0x5000] =	vst v0  }
0x43: {  	[tilespmem:s7+$0x5010] =	vst v0;
	_ =	sdelay $0x1  }
0x44: {  	s7 =	sshra.s32 s12, $0x2  }
0x45: {  	[tilespmem:s7+$0x5030] =	vst v0  }
0x46: {  	[tilespmem:s7+$0x5020] =	vst v0  }
0x47: {  	[tilespmem:s7+$0x5000] =	vst v0  }
0x48: {  	[tilespmem:s7+$0x5010] =	vst v0;
	s13 =	rddreg [dreg:$0x5]  }
0x49: {  	[spmem:s13] =	stream.linear.scatter [tilespmem:s15], [sflag:$0x11], $0x2000, $0x38;
	[tilespmem:$0x1F000] =	vst v63  }
0x4a: {  	_ =	swait.ge [sflag:s16], $0x2000  }
0x4b: {  	[sflag:s16] =	ssyncset.done $0x0  }
0x4c: {  	s12 =	rddreg [dreg:$0x6];
	[sflag:s16] =	ssyncadd.s32 $0xFFFFE000  }
0x4d: {  	[spmem:s12] =	stream.linear.scatter [tilespmem:s15], [sflag:$0x11], $0x2000, $0x38;
	[tilespmem:$0x1F000] =	vst v63  }
0x4e: {  	_ =	swait.ge [sflag:s16], $0x2000  }
0x4f: {  	[sflag:s16] =	ssyncset.done $0x0  }
0x50: {  	s13 =	rddreg [dreg:$0x7];
	[sflag:s16] =	ssyncadd.s32 $0xFFFFE000  }
0x51: {  	[spmem:s13] =	stream.linear.scatter [tilespmem:s15], [sflag:$0x11], $0x2000, $0x38;
	[tilespmem:$0x1F000] =	vst v63  }
0x52: {  	_ =	swait.ge [sflag:s16], $0x2000  }
0x53: {  	[sflag:s16] =	ssyncset.done $0x0  }
0x54: {  	s12 =	rddreg [dreg:$0x8];
	[sflag:s16] =	ssyncadd.s32 $0xFFFFE000  }
0x55: {  	[spmem:s12] =	stream.linear.scatter [tilespmem:s15], [sflag:$0x11], $0x2000, $0x38;
	[tilespmem:$0x1F000] =	vst v63  }
0x56: {  	_ =	swait.ge [sflag:s16], $0x2000  }
0x57: {  	[sflag:s16] =	ssyncset.done $0x0  }
0x58: {  	s13 =	rddreg [dreg:$0x9];
	[sflag:s16] =	ssyncadd.s32 $0xFFFFE000  }
0x59: {  	[spmem:s13] =	stream.linear.scatter [tilespmem:s15], [sflag:$0x11], $0x2000, $0x38;
	[tilespmem:$0x1F000] =	vst v63  }
0x5a: {  	_ =	swait.ge [sflag:s16], $0x2000  }
0x5b: {  	[sflag:s16] =	ssyncset.done $0x0  }
0x5c: {  	[sflag:s16] =	ssyncadd.s32 $0xFFFFE000  }
0x5d: {  	[bflag:$0x0] =	sbarrier.arrive $0xFFFF  }
0x5e: {  	_ =	swait.ge [sflag:s17], $0x2800  }
0x5f: {  	[sflag:s17] =	ssyncset.done $0x0  }
0x60: {  	[sflag:s17] =	ssyncadd.s32 $0xFFFFD800  }
0x61: {  	_ =	swait.ge [sflag:s18], $0x2800  }
0x62: {  	[sflag:s18] =	ssyncset.done $0x0  }
0x63: {  	s13 =	simm.s32 $0x0;
	[sflag:s18] =	ssyncadd.s32 $0xFFFFD800  }
0x64: {  	[tilespmem:s15], [sflag:$0x1] =	stream.indirect.gather [hbm4b:s4+s19], $0x40, s13, s19, $0xb8;
	[tilespmem:$0x1F000] =	vst v63  }
0x65: {  	_ = 	snop  }
0x66: {  	[tilespmem:s20], [sflag:$0x2] =	stream.indirect.gather [hbm4b:s4+s19], $0x40, s19, s19, $0xb8;
	[tilespmem:$0x1F000] =	vst v63  }
0x67: {  	s12 =	simm.s32 $0x100  }
0x68: {  	[tilespmem:s22], [sflag:$0x3] =	stream.indirect.gather [hbm4b:s4+s19], $0x40, s12, s19, $0xb8;
	[tilespmem:$0x1F000] =	vst v63  }
0x69: {  	s12 =	simm.s32 $0x180  }
0x6a: {  	[tilespmem:s24], [sflag:$0x4] =	stream.indirect.gather [hbm4b:s4+s19], $0x40, s12, s19, $0xb8;
	[tilespmem:$0x1F000] =	vst v63  }
0x6b: {  	s12 =	simm.s32 $0x200  }
0x6c: {  	[tilespmem:s26], [sflag:$0x5] =	stream.indirect.gather [hbm4b:s4+s19], $0x40, s12, s19, $0xb8;
	[tilespmem:$0x1F000] =	vst v63  }
0x6d: {  	s12 =	simm.s32 $0x280  }
0x6e: {  	[tilespmem:s29], [sflag:$0x6] =	stream.indirect.gather [hbm4b:s4+s19], $0x40, s12, s19, $0xb8;
	[tilespmem:$0x1F000] =	vst v63  }
0x6f: {  	s12 =	simm.s32 $0x300  }
0x70: {  	[tilespmem:s31], [sflag:$0x7] =	stream.indirect.gather [hbm4b:s4+s19], $0x40, s12, s19, $0xb8;
	[tilespmem:$0x1F000] =	vst v63  }
0x71: {  	s12 =	simm.s32 $0x380  }
0x72: {  	[tilespmem:s0], [sflag:$0x8] =	stream.indirect.gather [hbm4b:s4+s19], $0x40, s12, s19, $0xb8;
	[tilespmem:$0x1F000] =	vst v63  }
.LBB2_4:
0x73: {  	_ =	swait.ge [sflag:s17], $0x2000  }
0x74: {  	s7 =	sshra.s32 s13, $0x2;
	[sflag:s17] =	ssyncset.done $0x0  }
0x75: {  	s12 =	sadd.s32 $0x2800, s7;
	[sflag:s17] =	ssyncadd.s32 $0xFFFFE000  }
0x76: {  	[spmem:s2] =	stream.indirect.scatter.add.f32 [tilespmem:s15], [sflag:$0x9], $0x40, s12, s19, $0xb8;
	[tilespmem:$0x1F000] =	vst v63  }
0x77: {  	_ =	swait.ge [sflag:s18], $0x2000  }
0x78: {  	[sflag:s18] =	ssyncset.done $0x0  }
0x79: {  	s12 =	sadd.s32 $0x2880, s7;
	[sflag:s18] =	ssyncadd.s32 $0xFFFFE000  }
0x7a: {  	[spmem:s2] =	stream.indirect.scatter.add.f32 [tilespmem:s20], [sflag:$0xA], $0x40, s12, s19, $0xb8;
	[tilespmem:$0x1F000] =	vst v63  }
0x7b: {  	_ =	swait.ge [sflag:s14], $0x2000  }
0x7c: {  	[sflag:s14] =	ssyncset.done $0x0  }
0x7d: {  	s12 =	sadd.s32 $0x2900, s7;
	[sflag:s14] =	ssyncadd.s32 $0xFFFFE000  }
0x7e: {  	[spmem:s2] =	stream.indirect.scatter.add.f32 [tilespmem:s22], [sflag:$0xB], $0x40, s12, s19, $0xb8;
	[tilespmem:$0x1F000] =	vst v63  }
0x7f: {  	_ =	swait.ge [sflag:s21], $0x2000  }
0x80: {  	[sflag:s21] =	ssyncset.done $0x0  }
0x81: {  	s12 =	sadd.s32 $0x2980, s7;
	[sflag:s21] =	ssyncadd.s32 $0xFFFFE000  }
0x82: {  	[spmem:s2] =	stream.indirect.scatter.add.f32 [tilespmem:s24], [sflag:$0xC], $0x40, s12, s19, $0xb8;
	[tilespmem:$0x1F000] =	vst v63  }
0x83: {  	_ =	swait.ge [sflag:s23], $0x2000  }
0x84: {  	[sflag:s23] =	ssyncset.done $0x0  }
0x85: {  	s12 =	sadd.s32 $0x2A00, s7;
	[sflag:s23] =	ssyncadd.s32 $0xFFFFE000  }
0x86: {  	[spmem:s2] =	stream.indirect.scatter.add.f32 [tilespmem:s26], [sflag:$0xD], $0x40, s12, s19, $0xb8;
	[tilespmem:$0x1F000] =	vst v63  }
0x87: {  	_ =	swait.ge [sflag:s25], $0x2000  }
0x88: {  	[sflag:s25] =	ssyncset.done $0x0  }
0x89: {  	s12 =	sadd.s32 $0x2A80, s7;
	[sflag:s25] =	ssyncadd.s32 $0xFFFFE000  }
0x8a: {  	[spmem:s2] =	stream.indirect.scatter.add.f32 [tilespmem:s29], [sflag:$0xE], $0x40, s12, s19, $0xb8;
	[tilespmem:$0x1F000] =	vst v63  }
0x8b: {  	_ =	swait.ge [sflag:s28], $0x2000  }
0x8c: {  	[sflag:s28] =	ssyncset.done $0x0  }
0x8d: {  	s12 =	sadd.s32 $0x2B00, s7;
	[sflag:s28] =	ssyncadd.s32 $0xFFFFE000  }
0x8e: {  	[spmem:s2] =	stream.indirect.scatter.add.f32 [tilespmem:s31], [sflag:$0xF], $0x40, s12, s19, $0xb8;
	[tilespmem:$0x1F000] =	vst v63  }
0x8f: {  	_ =	swait.ge [sflag:s30], $0x2000  }
0x90: {  	p0 =	sne.s32 s13, $0x9000;
	[sflag:s30] =	ssyncset.done $0x0  }
.Ltmp3:
0x91: {  	s12 =	sadd.s32 $0x2B80, s7;
	[sflag:s30] =	ssyncadd.s32 $0xFFFFE000;
	(pc) =	sbr.rel @!p0 .LBB2_5-.Ltmp3, $4  }
0x92: {  	[spmem:s2] =	stream.indirect.scatter.add.f32 [tilespmem:s0], [sflag:$0x10], $0x40, s12, s19, $0xb8;
	[tilespmem:$0x1F000] =	vst v63  }
0x93: {  	_ =	swait.ge [sflag:s1], $0x2000  }
0x94: {  	[sflag:s1] =	ssyncset.done $0x0  }
0x95: {  	[sflag:s1] =	ssyncadd.s32 $0xFFFFE000  }
0x96: {  	s12 =	sadd.s32 $0x400, s7  }
0x97: {  	[tilespmem:s15], [sflag:$0x1] =	stream.indirect.gather [hbm4b:s4+s19], $0x40, s12, s19, $0xb8;
	[tilespmem:$0x1F000] =	vst v63  }
0x98: {  	_ =	swait.ge [sflag:s3], $0x2000  }
0x99: {  	[sflag:s3] =	ssyncset.done $0x0  }
0x9a: {  	s12 =	sadd.s32 $0x480, s7;
	[sflag:s3] =	ssyncadd.s32 $0xFFFFE000  }
0x9b: {  	[tilespmem:s20], [sflag:$0x2] =	stream.indirect.gather [hbm4b:s4+s19], $0x40, s12, s19, $0xb8;
	[tilespmem:$0x1F000] =	vst v63  }
0x9c: {  	_ =	swait.ge [sflag:s5], $0x2000  }
0x9d: {  	[sflag:s5] =	ssyncset.done $0x0  }
0x9e: {  	s12 =	sadd.s32 $0x500, s7;
	[sflag:s5] =	ssyncadd.s32 $0xFFFFE000  }
0x9f: {  	[tilespmem:s22], [sflag:$0x3] =	stream.indirect.gather [hbm4b:s4+s19], $0x40, s12, s19, $0xb8;
	[tilespmem:$0x1F000] =	vst v63  }
0xa0: {  	_ =	swait.ge [sflag:s6], $0x2000  }
0xa1: {  	[sflag:s6] =	ssyncset.done $0x0  }
0xa2: {  	s12 =	sadd.s32 $0x580, s7;
	[sflag:s6] =	ssyncadd.s32 $0xFFFFE000  }
0xa3: {  	[tilespmem:s24], [sflag:$0x4] =	stream.indirect.gather [hbm4b:s4+s19], $0x40, s12, s19, $0xb8;
	[tilespmem:$0x1F000] =	vst v63  }
0xa4: {  	_ =	swait.ge [sflag:s8], $0x2000  }
0xa5: {  	[sflag:s8] =	ssyncset.done $0x0  }
0xa6: {  	s12 =	sadd.s32 $0x600, s7;
	[sflag:s8] =	ssyncadd.s32 $0xFFFFE000  }
0xa7: {  	[tilespmem:s26], [sflag:$0x5] =	stream.indirect.gather [hbm4b:s4+s19], $0x40, s12, s19, $0xb8;
	[tilespmem:$0x1F000] =	vst v63  }
0xa8: {  	_ =	swait.ge [sflag:s9], $0x2000  }
0xa9: {  	[sflag:s9] =	ssyncset.done $0x0  }
0xaa: {  	s12 =	sadd.s32 $0x680, s7;
	[sflag:s9] =	ssyncadd.s32 $0xFFFFE000  }
0xab: {  	[tilespmem:s29], [sflag:$0x6] =	stream.indirect.gather [hbm4b:s4+s19], $0x40, s12, s19, $0xb8;
	[tilespmem:$0x1F000] =	vst v63  }
0xac: {  	_ =	swait.ge [sflag:s10], $0x2000  }
0xad: {  	s13 =	sadd.s32 $0x1000, s13;
	[sflag:s10] =	ssyncset.done $0x0  }
0xae: {  	p0 =	sne.s32 s13, $0xA000;
	s12 =	sadd.s32 $0x700, s7;
	[sflag:s10] =	ssyncadd.s32 $0xFFFFE000  }
0xaf: {  	[tilespmem:s31], [sflag:$0x7] =	stream.indirect.gather [hbm4b:s4+s19], $0x40, s12, s19, $0xb8;
	[tilespmem:$0x1F000] =	vst v63  }
.Ltmp4:
0xb0: {  	_ = 	snop;
	(pc) =	sbr.rel @p0 .LBB2_4-.Ltmp4, $4  }
.Ltmp5:
0xb1: {  	_ =	swait.ge [sflag:s11], $0x2000;
	(pc) =	sbr.rel @!p0 .LBB2_7-.Ltmp5, $4  }
0xb2: {  	[sflag:s11] =	ssyncset.done $0x0  }
0xb3: {  	s12 =	sadd.s32 $0x780, s7;
	[sflag:s11] =	ssyncadd.s32 $0xFFFFE000  }
0xb4: {  	[tilespmem:s0], [sflag:$0x8] =	stream.indirect.gather [hbm4b:s4+s19], $0x40, s12, s19, $0xb8;
	[tilespmem:$0x1F000] =	vst v63  }
0xb5: {  	_ = 	snop  }
.LBB2_8:
0xb6: {  	_ =	sfence.sel $0x180000  }
0xb7: {  	[bflag:$0x0] =	sbarrier.arrive $0xFFFF  }
0xb8: {  	_ =	strace $0x9000004A  }
0xb9: {  	s0 =	stileid.u32;
	[bflag:$0x2] =	sbarrier.arrive $0xFFFF  }
0xba: {  	p0 =	sne.s32 s0, $0x0;
	s0 =	rddreg [dreg:$0x2]  }
0xbb: {  	s0 =	sadd.s32 @!p0 $0x100000, s0  }
0xbc: {  	[sflag:s0] =	ssyncadd.tile.s32 @!p0 $0x1;
	_ =	shalt  }
.Lfunc_end2:
_tile_overlayer_lowered:
.L_overlay_start_2:
0xbd: {  	(tag) =	ssettag $0x2  }
0xbe: {  	s0 =	rddreg [dreg:$0x0];
	s2 =	stileid.u32  }
0xbf: {  	s1 =	rddreg [dreg:$0x1];
	p0 =	sne.s32 s2, $0x0  }
0xc0: {  	s3 =	rddreg [dreg:$0x2];
	[bflag:$0x3] =	sbarrier.arrive $0xFFFF;
	s2 =	simm.s32 @!p0 $0x1C11  }
0xc1: {  	[timem:s3], [sflag:s2] =	dma.local @!p0 [hbm:s0], s1  }
0xc2: {  	s0 =	simm.s32 @!p0 $0x11  }
0xc3: {  	_ =	swait.ge @!p0 [sflag:s0], s1  }
0xc4: {  	s1 =	ssub.s32 @!p0 $0x0, s1;
	[sflag:s0] =	ssyncset.done @!p0 $0x0  }
0xc5: {  	[sflag:s0] =	ssyncadd.s32 @!p0 s1  }
0xc6: {  	[bflag:$0x3] =	sbarrier.arrive $0xFFFF  }
0xc7: {  	_ =	shalt  }

// kernel: kernel.14.cloned.1.call-start
scs
__scs_entry_jumppad:
0x0: {  	(pc) =	sbr.rel $0x88, $3  }
0x1: {  	(tag) =	ssettag $0x0;
	lr =	simm.s32 $0x1  }
0x2: {  	[smem:$0x3F9B] =	sst lr;
	_ =	strace $0xD0000000  }
0x3: {  	_ = 	snop  }
0x4: {  	_ = 	snop  }
0x5: {  	_ = 	snop  }
0x6: {  	_ = 	snop  }
0x7: {  	_ = 	snop  }
__scs_overlays_trampoline_lowered:
0x8: {  	[smem:$0x3FAA] =	sst s0  }
0x9: {  	[smem:$0x3FAB] =	sst s1  }
0xa: {  	[smem:$0x3FAC] =	sst s2  }
0xb: {  	[smem:$0x3FAD] =	sst s3  }
0xc: {  	[smem:$0x3FAE] =	sst s4  }
0xd: {  	[smem:$0x3FAF] =	sst s5  }
0xe: {  	[smem:$0x3FB0] =	sst s6  }
0xf: {  	[smem:$0x3FB1] =	sst s7  }
0x10: {  	[smem:$0x3FB2] =	sst s8  }
0x11: {  	[smem:$0x3FB3] =	sst s9;
	s0 =	simm.s32 @!p0 $0x0  }
0x12: {  	s1 =	sld [smem:$0x3F99];
	s0 =	simm.s32 @p0 $0x1  }
0x13: {  	[smem:$0x3FB4] =	sst s0;
	s0 =	simm.s32 @!p1 $0x0  }
0x14: {  	s2 =	sld [smem:$0x3F98];
	s0 =	simm.s32 @p1 $0x1  }
0x15: {  	[smem:$0x3FB5] =	sst s0;
	s0 =	simm.s32 @!p2 $0x0  }
0x16: {  	s3 =	sld [smem:$0x3FDB];
	s0 =	simm.s32 @p2 $0x1  }
0x17: {  	s4 =	simm.s32 $0x1BF5;
	[smem:$0x3FB7] =	sst s0  }
0x18: {  	s0 =	sld [smem:$0x3F9A];
	_ =	swait.ge [sflag:s4], $0x0  }
0x19: {  	s7 =	sld [smem:$0x3F9B]  }
0x1a: {  	s8 =	sadd.s32 $0xFFFFE003, lr  }
0x1b: {  	s9 =	sadd.s32 $0xFFFFFEF7, lr;
	s5 =	simm.s32 $0xFFFFFFFF;
	p2 =	slt.u32 s8, $0xFFFFF086  }
0x1c: {  	p1 =	slt.u32 s9, $0xF7A;
	s5 =	simm.s32 @!p2 $0x0  }
0x1d: {  	s5 =	simm.s32 @p1 $0x1;
	p0 =	seq.s32 s7, s2  }
0x1e: {  	s7 =	smul.u32 @!p0 $0xF7A, s2;
	p2 =	seq.s32 @!p0 s5, $0x0  }
0x1f: {  	s9 =	smul.u32 $0xF7A, s1;
	s8 =	simm.s32 @!p0 $0x1BF5;
	p2 =	por !p2, p0  }
0x20: {  	[sflag:s8] =	ssyncset.s32 @!p0 $0xFFFFF086;
	s6 =	sadd.s32 @!p0 s3, s7;
	s7 =	simm.s32 @!p0 $0x108  }
0x21: {  	s3 =	sadd.s32 s3, s9;
	s6 =	sadd.s32 @!p0 $0x88, s6;
	s7 =	simm.s32 @p2 $0x1082  }
0x22: {  	[simem:s7], [sflag:s8] =	dma.local @!p0 [hbm:s6], $0xF7A  }
0x23: {  	s9 =	sor.u32 $0xD0000000, s2;
	s6 =	simm.s32 $0x108;
	_ =	swait.ge @!p0 [sflag:s8], $0x0  }
0x24: {  	s3 =	sadd.s32 $0x88, s3;
	s6 =	simm.s32 @!p1 $0x1082;
	[sflag:s4] =	ssyncset.s32 $0xFFFFF086  }
0x25: {  	[simem:s6], [sflag:s4] =	dma.local [hbm:s3], $0xF7A  }
0x26: {  	[smem:$0x3F9B] =	sst s1;
	(tag) =	ssettag s2;
	_ =	strace s9  }
0x27: {  	s1 =	sld [smem:$0x3FAB]  }
0x28: {  	s2 =	sld [smem:$0x3FAC]  }
0x29: {  	s4 =	sld [smem:$0x3FAE]  }
0x2a: {  	p0 =	seq.s32 s5, $0x0;
	s5 =	sld [smem:$0x3FAF]  }
0x2b: {  	s6 =	sld [smem:$0x3FB0]  }
0x2c: {  	s7 =	sld [smem:$0x3FB1]  }
0x2d: {  	s3 =	simm.s32 $0x108;
	s8 =	sld [smem:$0x3FB2]  }
0x2e: {  	s3 =	simm.s32 @!p0 $0x1082;
	s9 =	sld [smem:$0x3FB3]  }
0x2f: {  	lr =	sadd.s32 s0, s3;
	s0 =	sld [smem:$0x3FAA]  }
0x30: {  	s3 =	sld [smem:$0x3FAD]  }
0x31: {  	[smem:$0x3FB6] =	sst s10  }
0x32: {  	s10 =	sld [smem:$0x3FB4];
	_ =	sdelay $0x3  }
0x33: {  	p0 =	seq.s32 s10, $0x1;
	s10 =	sld [smem:$0x3FB6];
	_ =	sdelay $0x3  }
0x34: {  	[smem:$0x3FB6] =	sst s10  }
0x35: {  	s10 =	sld [smem:$0x3FB5];
	_ =	sdelay $0x3  }
0x36: {  	p1 =	seq.s32 s10, $0x1;
	s10 =	sld [smem:$0x3FB6];
	_ =	sdelay $0x3  }
0x37: {  	[smem:$0x3FB6] =	sst s10  }
0x38: {  	s10 =	sld [smem:$0x3FB7]  }
0x39: {  	_ = 	snop;
	(pc) =	sbr.ind lr, $3  }
0x3a: {  	_ = 	snop  }
0x3b: {  	_ = 	snop  }
0x3c: {  	p2 =	seq.s32 s10, $0x1;
	s10 =	sld [smem:$0x3FB6]  }
0x3d: {  	_ =	shalt  }
0x3e: {  	_ =	shalt  }
0x3f: {  	_ =	shalt  }
0x40: {  	_ =	shalt  }
0x41: {  	_ =	shalt  }
0x42: {  	_ =	shalt  }
0x43: {  	_ =	shalt  }
0x44: {  	_ =	shalt  }
0x45: {  	_ =	shalt  }
0x46: {  	_ =	shalt  }
0x47: {  	_ =	shalt  }
0x48: {  	_ =	shalt  }
0x49: {  	_ =	shalt  }
0x4a: {  	_ =	shalt  }
0x4b: {  	_ =	shalt  }
0x4c: {  	_ =	shalt  }
0x4d: {  	_ =	shalt  }
0x4e: {  	_ =	shalt  }
0x4f: {  	_ =	shalt  }
0x50: {  	_ =	shalt  }
0x51: {  	_ =	shalt  }
0x52: {  	_ =	shalt  }
0x53: {  	_ =	shalt  }
0x54: {  	_ =	shalt  }
0x55: {  	_ =	shalt  }
0x56: {  	_ =	shalt  }
0x57: {  	_ =	shalt  }
0x58: {  	_ =	shalt  }
0x59: {  	_ =	shalt  }
0x5a: {  	_ =	shalt  }
0x5b: {  	_ =	shalt  }
0x5c: {  	_ =	shalt  }
0x5d: {  	_ =	shalt  }
0x5e: {  	_ =	shalt  }
0x5f: {  	_ =	shalt  }
0x60: {  	_ =	shalt  }
0x61: {  	_ =	shalt  }
0x62: {  	_ =	shalt  }
0x63: {  	_ =	shalt  }
0x64: {  	_ =	shalt  }
0x65: {  	_ =	shalt  }
0x66: {  	_ =	shalt  }
0x67: {  	_ =	shalt  }
0x68: {  	_ =	shalt  }
0x69: {  	_ =	shalt  }
0x6a: {  	_ =	shalt  }
0x6b: {  	_ =	shalt  }
0x6c: {  	_ =	shalt  }
0x6d: {  	_ =	shalt  }
0x6e: {  	_ =	shalt  }
0x6f: {  	_ =	shalt  }
0x70: {  	_ =	shalt  }
0x71: {  	_ =	shalt  }
0x72: {  	_ =	shalt  }
0x73: {  	_ =	shalt  }
0x74: {  	_ =	shalt  }
0x75: {  	_ =	shalt  }
0x76: {  	_ =	shalt  }
0x77: {  	_ =	shalt  }
0x78: {  	_ =	shalt  }
0x79: {  	_ =	shalt  }
0x7a: {  	_ =	shalt  }
0x7b: {  	_ =	shalt  }
0x7c: {  	_ =	shalt  }
0x7d: {  	_ =	shalt  }
0x7e: {  	_ =	shalt  }
0x7f: {  	_ =	shalt  }
0x80: {  	_ =	shalt  }
0x81: {  	_ =	shalt  }
0x82: {  	_ =	shalt  }
0x83: {  	_ =	shalt  }
0x84: {  	_ =	shalt  }
0x85: {  	_ =	shalt  }
0x86: {  	_ =	shalt  }
0x87: {  	_ =	shalt  }
.Lfunc_end0:
.L_simem_size_0:
called_computation.2_lowered:
.L_overlay_start_0:
0x88: {  	s2 =	sld [smem:$0x3FD9]  }
0x89: {  	s3 =	sld [smem:$0x3FFE];
	_ =	sdelay $0x1  }
0x8a: {  	s1 =	srdreg.scid  }
0x8b: {  	s0 =	sand.u32 $0x1, s1  }
0x8c: {  	s16 =	sshll.u32 s0, $0xA;
	s2 =	sadd.s32 s3, s2  }
0x8d: {  	s2 =	sadd.s32 s2, s16  }
0x8e: {  	[smem:$0x3FC2] =	sst s2  }
0x8f: {  	_ = 	snop  }
0x90: {  	(tm) =	ssettm $0x1  }
0x91: {  	s17 =	sld [smem:$0x3FFB];
	_ =	sdelay $0x3  }
0x92: {  	_ =	strace s17  }
0x93: {  	s2 =	sld [smem:$0x3FFC];
	_ =	sdelay $0x3  }
0x94: {  	_ =	strace s2  }
0x95: {  	s2 =	sld [smem:$0x3FFD];
	_ =	sdelay $0x3  }
0x96: {  	_ =	strace s2  }
0x97: {  	_ =	strace $0x8FFFFFFF  }
0x98: {  	s18 =	sld [smem:$0x3FDB];
	_ =	sdelay $0x1  }
0x99: {  	s19 =	simm.s32 $_scs_section_size  }
0x9a: {  	s4 =	simm.s32 $_size__tile_overlayer_lowered;
	s5 =	simm.s32 $_tile_overlayer_lowered  }
0x9b: {  	s22 =	simm.s32 $0x1BFF;
	s21 =	sshll.u32 s5, $0x1;
	s2 =	sadd.s32 s19, s18  }
0x9c: {  	s6 =	simm.s32 $0x0;
	s20 =	sshll.u32 s4, $0x1;
	s4 =	sadd.s32 s21, s2  }
0x9d: {  	[timem:s6], [sflag:s22] =	dma.local [hbm:s4], s20  }
0x9e: {  	_ =	swait.ge [sflag:s22], s20  }
0x9f: {  	s3 =	ssub.s32 $0x0, s20;
	[sflag:s22] =	ssyncset.done $0x0  }
0xa0: {  	[sflag:s22] =	ssyncadd.s32 s3;
	_ =	sdelay $0x1  }
0xa1: {  	s23 =	simm.s32 $0x1B8B  }
0xa2: {  	_ =	swait.ge [sflag:s23], $0x1  }
0xa3: {  	[sflag:s23] =	ssyncset.done $0x0  }
0xa4: {  	s25 =	simm.s32 $0x1B8E;
	s24 =	sld [smem:$0x3FFE];
	[sflag:s23] =	ssyncadd.s32 $0xFFFFFFFF  }
0xa5: {  	s26 =	simm.s32 $execute0_lowered;
	[smem:$0x3FD2] =	sst s25  }
0xa6: {  	s4 =	sshll.u32 s26, $0x1;
	_ =	strace $0x8000004C;
	[dreg:$0x1] =	wrdreg $0xFFFFFFFF  }
0xa7: {  	s28 =	simm.s32 $_size_execute0_lowered;
	s2 =	sadd.s32 s2, s4;
	[dreg:$0x0] =	wrdreg $0x0  }
0xa8: {  	s4 =	sshll.u32 s28, $0x1;
	[dreg:$0x2] =	wrdreg s2  }
0xa9: {  	[dreg:$0x3] =	wrdreg s4  }
0xaa: {  	[dreg:$0x4] =	wrdreg $0xC0  }
0xab: {  	_ =	task [dreg:s6], $0x5FFFF  }
0xac: {  	[dreg:$0x1] =	wrdreg $0xFFFFFFFF  }
0xad: {  	[dreg:$0x0] =	wrdreg $0x60  }
0xae: {  	[dreg:$0x2] =	wrdreg s24  }
0xaf: {  	[dreg:$0x3] =	wrdreg $0x150000  }
0xb0: {  	[dreg:$0x4] =	wrdreg $0x9  }
0xb1: {  	_ =	task.clear_ibuf [dreg:s6], $0x5FFFF;
	_ =	strace $0x9000004C  }
0xb2: {  	s29 =	simm.s32 $0x9;
	_ =	strace $0x8000004E  }
0xb3: {  	_ =	swait.ge [sflag:s29], $0x1  }
0xb4: {  	[sflag:s29] =	ssyncadd.s32 $0xFFFFFFFF  }
0xb5: {  	_ =	strace $0x9000004E  }
0xb6: {  	_ =	sfence  }
0xb7: {  	s30 =	sld [smem:$0x0];
	_ =	sdelay $0x2  }
0xb8: {  	s31 =	sshll.u32 s1, $0xD;
	s1 =	sshrl.u32 s1, $0x2  }
0xb9: {  	s3 =	sand.u32 $0x4000, s31;
	s1 =	sadd.s32 s1, s30  }
0xba: {  	s0 =	sor.u32 s3, s0;
	s1 =	sshll.u32 s1, $0x11  }
0xbb: {  	s0 =	sor.u32 s1, s0  }
0xbc: {  	s0 =	sadd.s32 $0x8F2B, s0  }
0xbd: {  	[sflag:s0] =	ssyncadd.remote.s32 $0x1  }
0xbe: {  	_ =	sfence.sel $0xFFFF  }
0xbf: {  	[dreg:$0x0] =	wrdreg $0xFFFFFFFF;
	(pc) =	sbr.abs _section_cstart, $3  }
0xc0: {  	[dreg:$0x1] =	wrdreg $0xFFFFFFFF  }
0xc1: {  	_ =	task.clear_ibuf [dreg:s6], $0x2FFFF;
	_ =	strace $0x9FFFFFFF  }
0xc2: {  	(tm) =	ssettm $0x7FFFFFFF  }
0xc3: {  	_ =	shalt  }
tec
execute0_lowered:
.L_overlay_start_1:
0x0: {  	(tag) =	ssettag $0x1  }
0x1: {  	s0 =	srdreg.scid;
	s3 =	rddreg [dreg:$0x0]  }
0x2: {  	s7 =	stileid.u32;
	s2 =	rddreg [dreg:$0x1];
	s4 =	simm.s32 $0x0  }
0x3: {  	s15 =	simm.s32 $0x5000;
	s16 =	simm.s32 $0x11;
	s17 =	simm.s32 $0x1  }
0x4: {  	s29 =	simm.s32 $0xF000;
	s31 =	simm.s32 $0x11000;
	s14 =	simm.s32 $0x3  }
0x5: {  	s28 =	simm.s32 $0x7;
	s30 =	simm.s32 $0x8;
	s8 =	simm.s32 $0xD  }
0x6: {  	s9 =	simm.s32 $0xE;
	s10 =	simm.s32 $0xF;
	s11 =	simm.s32 $0x10  }
0x7: {  	s12 =	simm.s32 $0x0;
	s0 =	sand.u32 $0x1, s0;
	s5 =	smul.u32 $0xA000, s7  }
0x8: {  	s1 =	sshll.u32 s7, $0x1;
	[smem:$0x7FF] =	sst s4;
	s7 =	smul.u32 $0x28000, s7  }
0x9: {  	s4 =	sadd.s32 $0x15E00, s3;
	s1 =	sor.u32 s0, s1;
	s6 =	smul.u32 $0xA0000, s0  }
0xa: {  	_ =	strace $0x8000004D;
	s0 =	ssub.s32 $0x2, s0;
	s1 =	smul.u32 $0x2800, s1  }
0xb: {  	s18 =	sshrl.u32 s0, $0x1;
	s7 =	sshrl.u32 s7, $0x2;
	s21 =	sadd.s32 s5, s2  }
0xc: {  	s6 =	sadd.s32 s5, s6;
	s0 =	ssub.s32 s0, s18;
	s20 =	sadd.s32 s7, s2  }
0xd: {  	[dreg:$0x5] =	wrdreg s21;
	s18 =	simm.s32 $0x2;
	s21 =	simm.s32 $0x4  }
0xe: {  	s5 =	simm.s32 $0xB;
	s1 =	sshrl.u32 s1, $0x3;
	s22 =	sadd.s32 $0x2000, s20  }
0xf: {  	s6 =	sshrl.u32 s6, $0x3;
	s23 =	sadd.s32 $0x4000, s20;
	[dreg:$0x6] =	wrdreg s22  }
0x10: {  	s24 =	sadd.s32 $0x6000, s20;
	s25 =	sadd.s32 $0x8000, s20;
	[dreg:$0x7] =	wrdreg s23  }
0x11: {  	s0 =	smax.u32 s0, $0x1;
	s20 =	simm.s32 $0x7000;
	[dreg:$0x8] =	wrdreg s24  }
0x12: {  	s1 =	sadd.s32 s1, s3;
	s3 =	sadd.s32 s6, s3;
	[dreg:$0x9] =	wrdreg s25  }
0x13: {  	[dreg:$0xb] =	wrdreg s0;
	s22 =	simm.s32 $0x9000;
	s24 =	simm.s32 $0xB000  }
.Ltmp0:
0x14: {  	s0 =	simm.s32 $0x13000;
	s19 =	sadd.s32 $0x1E00, s1;
	(pc) =	sbr.rel .LBB2_1-.Ltmp0, $4  }
0x15: {  	s23 =	simm.s32 $0x5;
	s1 =	sadd.s32 $0xBE00, s1;
	[dreg:$0x3] =	wrdreg s19  }
0x16: {  	s25 =	simm.s32 $0x6;
	s26 =	sadd.s32 $0x29E00, s3;
	[dreg:$0x4] =	wrdreg s1  }
0x17: {  	s6 =	simm.s32 $0xC;
	s3 =	simm.s32 $0xA;
	[dreg:$0xa] =	wrdreg s26  }
0x18: {  	v0 =	vimm.f32 $0.0e+00;
	s19 =	simm.s32 $0x80;
	s26 =	simm.s32 $0xD000;
	s1 =	simm.s32 $0x9  }
.LBB2_5:
0x19: {  	_ =	swait.ge [sflag:s3], $0x2000  }
0x1a: {  	[sflag:s3] =	ssyncset.done $0x0  }
0x1b: {  	[sflag:s3] =	ssyncadd.s32 $0xFFFFE000  }
0x1c: {  	_ =	swait.ge [sflag:s5], $0x2000  }
0x1d: {  	[sflag:s5] =	ssyncset.done $0x0  }
0x1e: {  	[sflag:s5] =	ssyncadd.s32 $0xFFFFE000  }
0x1f: {  	_ =	swait.ge [sflag:s6], $0x2000  }
0x20: {  	[sflag:s6] =	ssyncset.done $0x0  }
0x21: {  	[sflag:s6] =	ssyncadd.s32 $0xFFFFE000  }
0x22: {  	_ =	swait.ge [sflag:s8], $0x2000  }
0x23: {  	[sflag:s8] =	ssyncset.done $0x0  }
0x24: {  	[sflag:s8] =	ssyncadd.s32 $0xFFFFE000  }
0x25: {  	_ =	swait.ge [sflag:s9], $0x2000  }
0x26: {  	[sflag:s9] =	ssyncset.done $0x0  }
0x27: {  	[sflag:s9] =	ssyncadd.s32 $0xFFFFE000  }
0x28: {  	_ =	swait.ge [sflag:s10], $0x2000  }
0x29: {  	[sflag:s10] =	ssyncset.done $0x0  }
0x2a: {  	[sflag:s10] =	ssyncadd.s32 $0xFFFFE000  }
0x2b: {  	_ =	swait.ge [sflag:s11], $0x2000  }
0x2c: {  	[sflag:s11] =	ssyncset.done $0x0  }
0x2d: {  	[sflag:s11] =	ssyncadd.s32 $0xFFFFE000  }
.LBB2_7:
0x2e: {  	s7 =	stileid.u32;
	[bflag:$0x0] =	sbarrier.arrive $0xFFFF  }
0x2f: {  	s7 =	sshll.u32 s7, $0x6;
	s12 =	rddreg [dreg:$0x5]  }
0x30: {  	s13 =	rddreg [dreg:$0xa];
	s7 =	sor.u32 $0x1C11, s7;
	s12 =	sshrl.u32 s12, $0x3  }
0x31: {  	[hbm:s13], [sflag:s7] =	dma.local [spmem:s12], $0x1400  }
0x32: {  	_ =	swait.ge [sflag:s16], $0x1400  }
0x33: {  	s7 =	rddreg [dreg:$0xc]  }
0x34: {  	s13 =	rddreg [dreg:$0xb];
	s12 =	sadd.s32 $0x1, s7  }
0x35: {  	p0 =	sne.s32 s12, s13  }
.Ltmp1:
0x36: {  	_ = 	snop;
	(pc) =	sbr.rel @!p0 .LBB2_8-.Ltmp1, $3  }
0x37: {  	_ =	sdelay $0x1  }
0x38: {  	[sflag:s16] =	ssyncset.done $0x0  }
0x39: {  	[sflag:s16] =	ssyncadd.s32 $0xFFFFEC00  }
.LBB2_1:
0x3a: {  	[dreg:$0xc] =	wrdreg s12  }
0x3b: {  	s7 =	simm.s32 $0x0;
	s13 =	rddreg [dreg:$0x3]  }
0x3c: {  	[tilespmem:s7], [sflag:$0x1] =	stream.linear.gather [hbm4b:s13+s7], $0x2800, $0x38;
	[tilespmem:$0x1F000] =	vst v63  }
0x3d: {  	s12 =	rddreg [dreg:$0x4];
	s13 =	simm.s32 $0x2800  }
0x3e: {  	[tilespmem:s13], [sflag:$0x2] =	stream.linear.gather [hbm4b:s12+s7], $0x2800, $0x38;
	[tilespmem:$0x1F000] =	vst v63  }
0x3f: {  	s13 =	simm.s32 $0x100;
	s7 =	simm.s32 $0x0  }
.LBB2_2:
0x40: {  	p0 =	sne.s32 s13, $0x7F00;
	[tilespmem:s7+$0x5030] =	vst v0;
	s12 =	smov.u32 s13;
	s13 =	sadd.s32 $0x100, s13  }
.Ltmp2:
0x41: {  	[tilespmem:s7+$0x5020] =	vst v0;
	(pc) =	sbr.rel @p0 .LBB2_2-.Ltmp2, $3  }
0x42: {  	[tilespmem:s7+$0x5000] =	vst v0  }
0x43: {  	[tilespmem:s7+$0x5010] =	vst v0;
	_ =	sdelay $0x1  }
0x44: {  	s7 =	sshra.s32 s12, $0x2  }
0x45: {  	[tilespmem:s7+$0x5030] =	vst v0  }
0x46: {  	[tilespmem:s7+$0x5020] =	vst v0  }
0x47: {  	[tilespmem:s7+$0x5000] =	vst v0  }
0x48: {  	[tilespmem:s7+$0x5010] =	vst v0;
	s13 =	rddreg [dreg:$0x5]  }
0x49: {  	[spmem:s13] =	stream.linear.scatter [tilespmem:s15], [sflag:$0x11], $0x2000, $0x38;
	[tilespmem:$0x1F000] =	vst v63  }
0x4a: {  	_ =	swait.ge [sflag:s16], $0x2000  }
0x4b: {  	[sflag:s16] =	ssyncset.done $0x0  }
0x4c: {  	s12 =	rddreg [dreg:$0x6];
	[sflag:s16] =	ssyncadd.s32 $0xFFFFE000  }
0x4d: {  	[spmem:s12] =	stream.linear.scatter [tilespmem:s15], [sflag:$0x11], $0x2000, $0x38;
	[tilespmem:$0x1F000] =	vst v63  }
0x4e: {  	_ =	swait.ge [sflag:s16], $0x2000  }
0x4f: {  	[sflag:s16] =	ssyncset.done $0x0  }
0x50: {  	s13 =	rddreg [dreg:$0x7];
	[sflag:s16] =	ssyncadd.s32 $0xFFFFE000  }
0x51: {  	[spmem:s13] =	stream.linear.scatter [tilespmem:s15], [sflag:$0x11], $0x2000, $0x38;
	[tilespmem:$0x1F000] =	vst v63  }
0x52: {  	_ =	swait.ge [sflag:s16], $0x2000  }
0x53: {  	[sflag:s16] =	ssyncset.done $0x0  }
0x54: {  	s12 =	rddreg [dreg:$0x8];
	[sflag:s16] =	ssyncadd.s32 $0xFFFFE000  }
0x55: {  	[spmem:s12] =	stream.linear.scatter [tilespmem:s15], [sflag:$0x11], $0x2000, $0x38;
	[tilespmem:$0x1F000] =	vst v63  }
0x56: {  	_ =	swait.ge [sflag:s16], $0x2000  }
0x57: {  	[sflag:s16] =	ssyncset.done $0x0  }
0x58: {  	s13 =	rddreg [dreg:$0x9];
	[sflag:s16] =	ssyncadd.s32 $0xFFFFE000  }
0x59: {  	[spmem:s13] =	stream.linear.scatter [tilespmem:s15], [sflag:$0x11], $0x2000, $0x38;
	[tilespmem:$0x1F000] =	vst v63  }
0x5a: {  	_ =	swait.ge [sflag:s16], $0x2000  }
0x5b: {  	[sflag:s16] =	ssyncset.done $0x0  }
0x5c: {  	[sflag:s16] =	ssyncadd.s32 $0xFFFFE000  }
0x5d: {  	[bflag:$0x0] =	sbarrier.arrive $0xFFFF  }
0x5e: {  	_ =	swait.ge [sflag:s17], $0x2800  }
0x5f: {  	[sflag:s17] =	ssyncset.done $0x0  }
0x60: {  	[sflag:s17] =	ssyncadd.s32 $0xFFFFD800  }
0x61: {  	_ =	swait.ge [sflag:s18], $0x2800  }
0x62: {  	[sflag:s18] =	ssyncset.done $0x0  }
0x63: {  	s13 =	simm.s32 $0x0;
	[sflag:s18] =	ssyncadd.s32 $0xFFFFD800  }
0x64: {  	[tilespmem:s15], [sflag:$0x1] =	stream.indirect.gather [hbm4b:s4+s19], $0x40, s13, s19, $0xb8;
	[tilespmem:$0x1F000] =	vst v63  }
0x65: {  	_ = 	snop  }
0x66: {  	[tilespmem:s20], [sflag:$0x2] =	stream.indirect.gather [hbm4b:s4+s19], $0x40, s19, s19, $0xb8;
	[tilespmem:$0x1F000] =	vst v63  }
0x67: {  	s12 =	simm.s32 $0x100  }
0x68: {  	[tilespmem:s22], [sflag:$0x3] =	stream.indirect.gather [hbm4b:s4+s19], $0x40, s12, s19, $0xb8;
	[tilespmem:$0x1F000] =	vst v63  }
0x69: {  	s12 =	simm.s32 $0x180  }
0x6a: {  	[tilespmem:s24], [sflag:$0x4] =	stream.indirect.gather [hbm4b:s4+s19], $0x40, s12, s19, $0xb8;
	[tilespmem:$0x1F000] =	vst v63  }
0x6b: {  	s12 =	simm.s32 $0x200  }
0x6c: {  	[tilespmem:s26], [sflag:$0x5] =	stream.indirect.gather [hbm4b:s4+s19], $0x40, s12, s19, $0xb8;
	[tilespmem:$0x1F000] =	vst v63  }
0x6d: {  	s12 =	simm.s32 $0x280  }
0x6e: {  	[tilespmem:s29], [sflag:$0x6] =	stream.indirect.gather [hbm4b:s4+s19], $0x40, s12, s19, $0xb8;
	[tilespmem:$0x1F000] =	vst v63  }
0x6f: {  	s12 =	simm.s32 $0x300  }
0x70: {  	[tilespmem:s31], [sflag:$0x7] =	stream.indirect.gather [hbm4b:s4+s19], $0x40, s12, s19, $0xb8;
	[tilespmem:$0x1F000] =	vst v63  }
0x71: {  	s12 =	simm.s32 $0x380  }
0x72: {  	[tilespmem:s0], [sflag:$0x8] =	stream.indirect.gather [hbm4b:s4+s19], $0x40, s12, s19, $0xb8;
	[tilespmem:$0x1F000] =	vst v63  }
.LBB2_4:
0x73: {  	_ =	swait.ge [sflag:s17], $0x2000  }
0x74: {  	s7 =	sshra.s32 s13, $0x2;
	[sflag:s17] =	ssyncset.done $0x0  }
0x75: {  	s12 =	sadd.s32 $0x2800, s7;
	[sflag:s17] =	ssyncadd.s32 $0xFFFFE000  }
0x76: {  	[spmem:s2] =	stream.indirect.scatter.add.f32 [tilespmem:s15], [sflag:$0x9], $0x40, s12, s19, $0xb8;
	[tilespmem:$0x1F000] =	vst v63  }
0x77: {  	_ =	swait.ge [sflag:s18], $0x2000  }
0x78: {  	[sflag:s18] =	ssyncset.done $0x0  }
0x79: {  	s12 =	sadd.s32 $0x2880, s7;
	[sflag:s18] =	ssyncadd.s32 $0xFFFFE000  }
0x7a: {  	[spmem:s2] =	stream.indirect.scatter.add.f32 [tilespmem:s20], [sflag:$0xA], $0x40, s12, s19, $0xb8;
	[tilespmem:$0x1F000] =	vst v63  }
0x7b: {  	_ =	swait.ge [sflag:s14], $0x2000  }
0x7c: {  	[sflag:s14] =	ssyncset.done $0x0  }
0x7d: {  	s12 =	sadd.s32 $0x2900, s7;
	[sflag:s14] =	ssyncadd.s32 $0xFFFFE000  }
0x7e: {  	[spmem:s2] =	stream.indirect.scatter.add.f32 [tilespmem:s22], [sflag:$0xB], $0x40, s12, s19, $0xb8;
	[tilespmem:$0x1F000] =	vst v63  }
0x7f: {  	_ =	swait.ge [sflag:s21], $0x2000  }
0x80: {  	[sflag:s21] =	ssyncset.done $0x0  }
0x81: {  	s12 =	sadd.s32 $0x2980, s7;
	[sflag:s21] =	ssyncadd.s32 $0xFFFFE000  }
0x82: {  	[spmem:s2] =	stream.indirect.scatter.add.f32 [tilespmem:s24], [sflag:$0xC], $0x40, s12, s19, $0xb8;
	[tilespmem:$0x1F000] =	vst v63  }
0x83: {  	_ =	swait.ge [sflag:s23], $0x2000  }
0x84: {  	[sflag:s23] =	ssyncset.done $0x0  }
0x85: {  	s12 =	sadd.s32 $0x2A00, s7;
	[sflag:s23] =	ssyncadd.s32 $0xFFFFE000  }
0x86: {  	[spmem:s2] =	stream.indirect.scatter.add.f32 [tilespmem:s26], [sflag:$0xD], $0x40, s12, s19, $0xb8;
	[tilespmem:$0x1F000] =	vst v63  }
0x87: {  	_ =	swait.ge [sflag:s25], $0x2000  }
0x88: {  	[sflag:s25] =	ssyncset.done $0x0  }
0x89: {  	s12 =	sadd.s32 $0x2A80, s7;
	[sflag:s25] =	ssyncadd.s32 $0xFFFFE000  }
0x8a: {  	[spmem:s2] =	stream.indirect.scatter.add.f32 [tilespmem:s29], [sflag:$0xE], $0x40, s12, s19, $0xb8;
	[tilespmem:$0x1F000] =	vst v63  }
0x8b: {  	_ =	swait.ge [sflag:s28], $0x2000  }
0x8c: {  	[sflag:s28] =	ssyncset.done $0x0  }
0x8d: {  	s12 =	sadd.s32 $0x2B00, s7;
	[sflag:s28] =	ssyncadd.s32 $0xFFFFE000  }
0x8e: {  	[spmem:s2] =	stream.indirect.scatter.add.f32 [tilespmem:s31], [sflag:$0xF], $0x40, s12, s19, $0xb8;
	[tilespmem:$0x1F000] =	vst v63  }
0x8f: {  	_ =	swait.ge [sflag:s30], $0x2000  }
0x90: {  	p0 =	sne.s32 s13, $0x9000;
	[sflag:s30] =	ssyncset.done $0x0  }
.Ltmp3:
0x91: {  	s12 =	sadd.s32 $0x2B80, s7;
	[sflag:s30] =	ssyncadd.s32 $0xFFFFE000;
	(pc) =	sbr.rel @!p0 .LBB2_5-.Ltmp3, $4  }
0x92: {  	[spmem:s2] =	stream.indirect.scatter.add.f32 [tilespmem:s0], [sflag:$0x10], $0x40, s12, s19, $0xb8;
	[tilespmem:$0x1F000] =	vst v63  }
0x93: {  	_ =	swait.ge [sflag:s1], $0x2000  }
0x94: {  	[sflag:s1] =	ssyncset.done $0x0  }
0x95: {  	[sflag:s1] =	ssyncadd.s32 $0xFFFFE000  }
0x96: {  	s12 =	sadd.s32 $0x400, s7  }
0x97: {  	[tilespmem:s15], [sflag:$0x1] =	stream.indirect.gather [hbm4b:s4+s19], $0x40, s12, s19, $0xb8;
	[tilespmem:$0x1F000] =	vst v63  }
0x98: {  	_ =	swait.ge [sflag:s3], $0x2000  }
0x99: {  	[sflag:s3] =	ssyncset.done $0x0  }
0x9a: {  	s12 =	sadd.s32 $0x480, s7;
	[sflag:s3] =	ssyncadd.s32 $0xFFFFE000  }
0x9b: {  	[tilespmem:s20], [sflag:$0x2] =	stream.indirect.gather [hbm4b:s4+s19], $0x40, s12, s19, $0xb8;
	[tilespmem:$0x1F000] =	vst v63  }
0x9c: {  	_ =	swait.ge [sflag:s5], $0x2000  }
0x9d: {  	[sflag:s5] =	ssyncset.done $0x0  }
0x9e: {  	s12 =	sadd.s32 $0x500, s7;
	[sflag:s5] =	ssyncadd.s32 $0xFFFFE000  }
0x9f: {  	[tilespmem:s22], [sflag:$0x3] =	stream.indirect.gather [hbm4b:s4+s19], $0x40, s12, s19, $0xb8;
	[tilespmem:$0x1F000] =	vst v63  }
0xa0: {  	_ =	swait.ge [sflag:s6], $0x2000  }
0xa1: {  	[sflag:s6] =	ssyncset.done $0x0  }
0xa2: {  	s12 =	sadd.s32 $0x580, s7;
	[sflag:s6] =	ssyncadd.s32 $0xFFFFE000  }
0xa3: {  	[tilespmem:s24], [sflag:$0x4] =	stream.indirect.gather [hbm4b:s4+s19], $0x40, s12, s19, $0xb8;
	[tilespmem:$0x1F000] =	vst v63  }
0xa4: {  	_ =	swait.ge [sflag:s8], $0x2000  }
0xa5: {  	[sflag:s8] =	ssyncset.done $0x0  }
0xa6: {  	s12 =	sadd.s32 $0x600, s7;
	[sflag:s8] =	ssyncadd.s32 $0xFFFFE000  }
0xa7: {  	[tilespmem:s26], [sflag:$0x5] =	stream.indirect.gather [hbm4b:s4+s19], $0x40, s12, s19, $0xb8;
	[tilespmem:$0x1F000] =	vst v63  }
0xa8: {  	_ =	swait.ge [sflag:s9], $0x2000  }
0xa9: {  	[sflag:s9] =	ssyncset.done $0x0  }
0xaa: {  	s12 =	sadd.s32 $0x680, s7;
	[sflag:s9] =	ssyncadd.s32 $0xFFFFE000  }
0xab: {  	[tilespmem:s29], [sflag:$0x6] =	stream.indirect.gather [hbm4b:s4+s19], $0x40, s12, s19, $0xb8;
	[tilespmem:$0x1F000] =	vst v63  }
0xac: {  	_ =	swait.ge [sflag:s10], $0x2000  }
0xad: {  	s13 =	sadd.s32 $0x1000, s13;
	[sflag:s10] =	ssyncset.done $0x0  }
0xae: {  	p0 =	sne.s32 s13, $0xA000;
	s12 =	sadd.s32 $0x700, s7;
	[sflag:s10] =	ssyncadd.s32 $0xFFFFE000  }
0xaf: {  	[tilespmem:s31], [sflag:$0x7] =	stream.indirect.gather [hbm4b:s4+s19], $0x40, s12, s19, $0xb8;
	[tilespmem:$0x1F000] =	vst v63  }
.Ltmp4:
0xb0: {  	_ = 	snop;
	(pc) =	sbr.rel @p0 .LBB2_4-.Ltmp4, $4  }
.Ltmp5:
0xb1: {  	_ =	swait.ge [sflag:s11], $0x2000;
	(pc) =	sbr.rel @!p0 .LBB2_7-.Ltmp5, $4  }
0xb2: {  	[sflag:s11] =	ssyncset.done $0x0  }
0xb3: {  	s12 =	sadd.s32 $0x780, s7;
	[sflag:s11] =	ssyncadd.s32 $0xFFFFE000  }
0xb4: {  	[tilespmem:s0], [sflag:$0x8] =	stream.indirect.gather [hbm4b:s4+s19], $0x40, s12, s19, $0xb8;
	[tilespmem:$0x1F000] =	vst v63  }
0xb5: {  	_ = 	snop  }
.LBB2_8:
0xb6: {  	_ =	sfence.sel $0x180000  }
0xb7: {  	[bflag:$0x0] =	sbarrier.arrive $0xFFFF  }
0xb8: {  	_ =	strace $0x9000004D  }
0xb9: {  	s0 =	stileid.u32;
	[bflag:$0x2] =	sbarrier.arrive $0xFFFF  }
0xba: {  	p0 =	sne.s32 s0, $0x0;
	s0 =	rddreg [dreg:$0x2]  }
0xbb: {  	s0 =	sadd.s32 @!p0 $0x100000, s0  }
0xbc: {  	[sflag:s0] =	ssyncadd.tile.s32 @!p0 $0x1;
	_ =	shalt  }
.Lfunc_end2:
_tile_overlayer_lowered:
.L_overlay_start_2:
0xbd: {  	(tag) =	ssettag $0x2  }
0xbe: {  	s0 =	rddreg [dreg:$0x0];
	s2 =	stileid.u32  }
0xbf: {  	s1 =	rddreg [dreg:$0x1];
	p0 =	sne.s32 s2, $0x0  }
0xc0: {  	s3 =	rddreg [dreg:$0x2];
	[bflag:$0x3] =	sbarrier.arrive $0xFFFF;
	s2 =	simm.s32 @!p0 $0x1C11  }
0xc1: {  	[timem:s3], [sflag:s2] =	dma.local @!p0 [hbm:s0], s1  }
0xc2: {  	s0 =	simm.s32 @!p0 $0x11  }
0xc3: {  	_ =	swait.ge @!p0 [sflag:s0], s1  }
0xc4: {  	s1 =	ssub.s32 @!p0 $0x0, s1;
	[sflag:s0] =	ssyncset.done @!p0 $0x0  }
0xc5: {  	[sflag:s0] =	ssyncadd.s32 @!p0 s1  }
0xc6: {  	[bflag:$0x3] =	sbarrier.arrive $0xFFFF  }
0xc7: {  	_ =	shalt  }

// kernel: kernel.8.cloned.1.call-start
scs
__scs_entry_jumppad:
0x0: {  	(pc) =	sbr.rel $0x88, $3  }
0x1: {  	(tag) =	ssettag $0x0;
	lr =	simm.s32 $0x1  }
0x2: {  	[smem:$0x3F9B] =	sst lr;
	_ =	strace $0xD0000000  }
0x3: {  	_ = 	snop  }
0x4: {  	_ = 	snop  }
0x5: {  	_ = 	snop  }
0x6: {  	_ = 	snop  }
0x7: {  	_ = 	snop  }
__scs_overlays_trampoline_lowered:
0x8: {  	[smem:$0x3FAA] =	sst s0  }
0x9: {  	[smem:$0x3FAB] =	sst s1  }
0xa: {  	[smem:$0x3FAC] =	sst s2  }
0xb: {  	[smem:$0x3FAD] =	sst s3  }
0xc: {  	[smem:$0x3FAE] =	sst s4  }
0xd: {  	[smem:$0x3FAF] =	sst s5  }
0xe: {  	[smem:$0x3FB0] =	sst s6  }
0xf: {  	[smem:$0x3FB1] =	sst s7  }
0x10: {  	[smem:$0x3FB2] =	sst s8  }
0x11: {  	[smem:$0x3FB3] =	sst s9;
	s0 =	simm.s32 @!p0 $0x0  }
0x12: {  	s1 =	sld [smem:$0x3F99];
	s0 =	simm.s32 @p0 $0x1  }
0x13: {  	[smem:$0x3FB4] =	sst s0;
	s0 =	simm.s32 @!p1 $0x0  }
0x14: {  	s2 =	sld [smem:$0x3F98];
	s0 =	simm.s32 @p1 $0x1  }
0x15: {  	[smem:$0x3FB5] =	sst s0;
	s0 =	simm.s32 @!p2 $0x0  }
0x16: {  	s3 =	sld [smem:$0x3FDB];
	s0 =	simm.s32 @p2 $0x1  }
0x17: {  	s4 =	simm.s32 $0x1BF5;
	[smem:$0x3FB7] =	sst s0  }
0x18: {  	s0 =	sld [smem:$0x3F9A];
	_ =	swait.ge [sflag:s4], $0x0  }
0x19: {  	s7 =	sld [smem:$0x3F9B]  }
0x1a: {  	s8 =	sadd.s32 $0xFFFFE003, lr  }
0x1b: {  	s9 =	sadd.s32 $0xFFFFFEF7, lr;
	s5 =	simm.s32 $0xFFFFFFFF;
	p2 =	slt.u32 s8, $0xFFFFF086  }
0x1c: {  	p1 =	slt.u32 s9, $0xF7A;
	s5 =	simm.s32 @!p2 $0x0  }
0x1d: {  	s5 =	simm.s32 @p1 $0x1;
	p0 =	seq.s32 s7, s2  }
0x1e: {  	s7 =	smul.u32 @!p0 $0xF7A, s2;
	p2 =	seq.s32 @!p0 s5, $0x0  }
0x1f: {  	s9 =	smul.u32 $0xF7A, s1;
	s8 =	simm.s32 @!p0 $0x1BF5;
	p2 =	por !p2, p0  }
0x20: {  	[sflag:s8] =	ssyncset.s32 @!p0 $0xFFFFF086;
	s6 =	sadd.s32 @!p0 s3, s7;
	s7 =	simm.s32 @!p0 $0x108  }
0x21: {  	s3 =	sadd.s32 s3, s9;
	s6 =	sadd.s32 @!p0 $0x88, s6;
	s7 =	simm.s32 @p2 $0x1082  }
0x22: {  	[simem:s7], [sflag:s8] =	dma.local @!p0 [hbm:s6], $0xF7A  }
0x23: {  	s9 =	sor.u32 $0xD0000000, s2;
	s6 =	simm.s32 $0x108;
	_ =	swait.ge @!p0 [sflag:s8], $0x0  }
0x24: {  	s3 =	sadd.s32 $0x88, s3;
	s6 =	simm.s32 @!p1 $0x1082;
	[sflag:s4] =	ssyncset.s32 $0xFFFFF086  }
0x25: {  	[simem:s6], [sflag:s4] =	dma.local [hbm:s3], $0xF7A  }
0x26: {  	[smem:$0x3F9B] =	sst s1;
	(tag) =	ssettag s2;
	_ =	strace s9  }
0x27: {  	s1 =	sld [smem:$0x3FAB]  }
0x28: {  	s2 =	sld [smem:$0x3FAC]  }
0x29: {  	s4 =	sld [smem:$0x3FAE]  }
0x2a: {  	p0 =	seq.s32 s5, $0x0;
	s5 =	sld [smem:$0x3FAF]  }
0x2b: {  	s6 =	sld [smem:$0x3FB0]  }
0x2c: {  	s7 =	sld [smem:$0x3FB1]  }
0x2d: {  	s3 =	simm.s32 $0x108;
	s8 =	sld [smem:$0x3FB2]  }
0x2e: {  	s3 =	simm.s32 @!p0 $0x1082;
	s9 =	sld [smem:$0x3FB3]  }
0x2f: {  	lr =	sadd.s32 s0, s3;
	s0 =	sld [smem:$0x3FAA]  }
0x30: {  	s3 =	sld [smem:$0x3FAD]  }
0x31: {  	[smem:$0x3FB6] =	sst s10  }
0x32: {  	s10 =	sld [smem:$0x3FB4];
	_ =	sdelay $0x3  }
0x33: {  	p0 =	seq.s32 s10, $0x1;
	s10 =	sld [smem:$0x3FB6];
	_ =	sdelay $0x3  }
0x34: {  	[smem:$0x3FB6] =	sst s10  }
0x35: {  	s10 =	sld [smem:$0x3FB5];
	_ =	sdelay $0x3  }
0x36: {  	p1 =	seq.s32 s10, $0x1;
	s10 =	sld [smem:$0x3FB6];
	_ =	sdelay $0x3  }
0x37: {  	[smem:$0x3FB6] =	sst s10  }
0x38: {  	s10 =	sld [smem:$0x3FB7]  }
0x39: {  	_ = 	snop;
	(pc) =	sbr.ind lr, $3  }
0x3a: {  	_ = 	snop  }
0x3b: {  	_ = 	snop  }
0x3c: {  	p2 =	seq.s32 s10, $0x1;
	s10 =	sld [smem:$0x3FB6]  }
0x3d: {  	_ =	shalt  }
0x3e: {  	_ =	shalt  }
0x3f: {  	_ =	shalt  }
0x40: {  	_ =	shalt  }
0x41: {  	_ =	shalt  }
0x42: {  	_ =	shalt  }
0x43: {  	_ =	shalt  }
0x44: {  	_ =	shalt  }
0x45: {  	_ =	shalt  }
0x46: {  	_ =	shalt  }
0x47: {  	_ =	shalt  }
0x48: {  	_ =	shalt  }
0x49: {  	_ =	shalt  }
0x4a: {  	_ =	shalt  }
0x4b: {  	_ =	shalt  }
0x4c: {  	_ =	shalt  }
0x4d: {  	_ =	shalt  }
0x4e: {  	_ =	shalt  }
0x4f: {  	_ =	shalt  }
0x50: {  	_ =	shalt  }
0x51: {  	_ =	shalt  }
0x52: {  	_ =	shalt  }
0x53: {  	_ =	shalt  }
0x54: {  	_ =	shalt  }
0x55: {  	_ =	shalt  }
0x56: {  	_ =	shalt  }
0x57: {  	_ =	shalt  }
0x58: {  	_ =	shalt  }
0x59: {  	_ =	shalt  }
0x5a: {  	_ =	shalt  }
0x5b: {  	_ =	shalt  }
0x5c: {  	_ =	shalt  }
0x5d: {  	_ =	shalt  }
0x5e: {  	_ =	shalt  }
0x5f: {  	_ =	shalt  }
0x60: {  	_ =	shalt  }
0x61: {  	_ =	shalt  }
0x62: {  	_ =	shalt  }
0x63: {  	_ =	shalt  }
0x64: {  	_ =	shalt  }
0x65: {  	_ =	shalt  }
0x66: {  	_ =	shalt  }
0x67: {  	_ =	shalt  }
0x68: {  	_ =	shalt  }
0x69: {  	_ =	shalt  }
0x6a: {  	_ =	shalt  }
0x6b: {  	_ =	shalt  }
0x6c: {  	_ =	shalt  }
0x6d: {  	_ =	shalt  }
0x6e: {  	_ =	shalt  }
0x6f: {  	_ =	shalt  }
0x70: {  	_ =	shalt  }
0x71: {  	_ =	shalt  }
0x72: {  	_ =	shalt  }
0x73: {  	_ =	shalt  }
0x74: {  	_ =	shalt  }
0x75: {  	_ =	shalt  }
0x76: {  	_ =	shalt  }
0x77: {  	_ =	shalt  }
0x78: {  	_ =	shalt  }
0x79: {  	_ =	shalt  }
0x7a: {  	_ =	shalt  }
0x7b: {  	_ =	shalt  }
0x7c: {  	_ =	shalt  }
0x7d: {  	_ =	shalt  }
0x7e: {  	_ =	shalt  }
0x7f: {  	_ =	shalt  }
0x80: {  	_ =	shalt  }
0x81: {  	_ =	shalt  }
0x82: {  	_ =	shalt  }
0x83: {  	_ =	shalt  }
0x84: {  	_ =	shalt  }
0x85: {  	_ =	shalt  }
0x86: {  	_ =	shalt  }
0x87: {  	_ =	shalt  }
.Lfunc_end0:
.L_simem_size_0:
called_computation_lowered:
.L_overlay_start_0:
0x88: {  	s2 =	sld [smem:$0x3FD9]  }
0x89: {  	s3 =	sld [smem:$0x3FFE];
	_ =	sdelay $0x1  }
0x8a: {  	s1 =	srdreg.scid  }
0x8b: {  	s0 =	sand.u32 $0x1, s1  }
0x8c: {  	s16 =	sshll.u32 s0, $0xA;
	s2 =	sadd.s32 s3, s2  }
0x8d: {  	s2 =	sadd.s32 s2, s16  }
0x8e: {  	[smem:$0x3FC2] =	sst s2  }
0x8f: {  	_ = 	snop  }
0x90: {  	(tm) =	ssettm $0x1  }
0x91: {  	s17 =	sld [smem:$0x3FFB];
	_ =	sdelay $0x3  }
0x92: {  	_ =	strace s17  }
0x93: {  	s2 =	sld [smem:$0x3FFC];
	_ =	sdelay $0x3  }
0x94: {  	_ =	strace s2  }
0x95: {  	s2 =	sld [smem:$0x3FFD];
	_ =	sdelay $0x3  }
0x96: {  	_ =	strace s2  }
0x97: {  	_ =	strace $0x8FFFFFFF  }
0x98: {  	s18 =	sld [smem:$0x3FDB];
	_ =	sdelay $0x1  }
0x99: {  	s19 =	simm.s32 $_scs_section_size  }
0x9a: {  	s4 =	simm.s32 $_size__tile_overlayer_lowered;
	s5 =	simm.s32 $_tile_overlayer_lowered  }
0x9b: {  	s22 =	simm.s32 $0x1BFF;
	s21 =	sshll.u32 s5, $0x1;
	s2 =	sadd.s32 s19, s18  }
0x9c: {  	s6 =	simm.s32 $0x0;
	s20 =	sshll.u32 s4, $0x1;
	s4 =	sadd.s32 s21, s2  }
0x9d: {  	[timem:s6], [sflag:s22] =	dma.local [hbm:s4], s20  }
0x9e: {  	_ =	swait.ge [sflag:s22], s20  }
0x9f: {  	s3 =	ssub.s32 $0x0, s20;
	[sflag:s22] =	ssyncset.done $0x0  }
0xa0: {  	[sflag:s22] =	ssyncadd.s32 s3;
	_ =	sdelay $0x1  }
0xa1: {  	s23 =	simm.s32 $0x1B8B  }
0xa2: {  	_ =	swait.ge [sflag:s23], $0x1  }
0xa3: {  	[sflag:s23] =	ssyncset.done $0x0  }
0xa4: {  	s25 =	simm.s32 $0x1B8E;
	s24 =	sld [smem:$0x3FFE];
	[sflag:s23] =	ssyncadd.s32 $0xFFFFFFFF  }
0xa5: {  	s26 =	simm.s32 $execute0_lowered;
	[smem:$0x3FD2] =	sst s25  }
0xa6: {  	s4 =	sshll.u32 s26, $0x1;
	_ =	strace $0x80000046;
	[dreg:$0x1] =	wrdreg $0xFFFFFFFF  }
0xa7: {  	s28 =	simm.s32 $_size_execute0_lowered;
	s2 =	sadd.s32 s2, s4;
	[dreg:$0x0] =	wrdreg $0x0  }
0xa8: {  	s4 =	sshll.u32 s28, $0x1;
	[dreg:$0x2] =	wrdreg s2  }
0xa9: {  	[dreg:$0x3] =	wrdreg s4  }
0xaa: {  	[dreg:$0x4] =	wrdreg $0xC0  }
0xab: {  	_ =	task [dreg:s6], $0x5FFFF  }
0xac: {  	[dreg:$0x1] =	wrdreg $0xFFFFFFFF  }
0xad: {  	[dreg:$0x0] =	wrdreg $0x60  }
0xae: {  	[dreg:$0x2] =	wrdreg s24  }
0xaf: {  	[dreg:$0x3] =	wrdreg $0x2B000  }
0xb0: {  	[dreg:$0x4] =	wrdreg $0x9  }
0xb1: {  	_ =	task.clear_ibuf [dreg:s6], $0x5FFFF;
	_ =	strace $0x90000046  }
0xb2: {  	s29 =	simm.s32 $0x9;
	_ =	strace $0x80000048  }
0xb3: {  	_ =	swait.ge [sflag:s29], $0x1  }
0xb4: {  	[sflag:s29] =	ssyncadd.s32 $0xFFFFFFFF  }
0xb5: {  	_ =	strace $0x90000048  }
0xb6: {  	_ =	sfence  }
0xb7: {  	s30 =	sld [smem:$0x0];
	_ =	sdelay $0x2  }
0xb8: {  	s31 =	sshll.u32 s1, $0xD;
	s1 =	sshrl.u32 s1, $0x2  }
0xb9: {  	s3 =	sand.u32 $0x4000, s31;
	s1 =	sadd.s32 s1, s30  }
0xba: {  	s0 =	sor.u32 s3, s0;
	s1 =	sshll.u32 s1, $0x11  }
0xbb: {  	s0 =	sor.u32 s1, s0  }
0xbc: {  	s0 =	sadd.s32 $0x8F2B, s0  }
0xbd: {  	[sflag:s0] =	ssyncadd.remote.s32 $0x1  }
0xbe: {  	_ =	sfence.sel $0xFFFF  }
0xbf: {  	[dreg:$0x0] =	wrdreg $0xFFFFFFFF;
	(pc) =	sbr.abs _section_cstart, $3  }
0xc0: {  	[dreg:$0x1] =	wrdreg $0xFFFFFFFF  }
0xc1: {  	_ =	task.clear_ibuf [dreg:s6], $0x2FFFF;
	_ =	strace $0x9FFFFFFF  }
0xc2: {  	(tm) =	ssettm $0x7FFFFFFF  }
0xc3: {  	_ =	shalt  }
tec
execute0_lowered:
.L_overlay_start_1:
0x0: {  	(tag) =	ssettag $0x1  }
0x1: {  	s1 =	srdreg.scid;
	s5 =	rddreg [dreg:$0x0]  }
0x2: {  	s0 =	stileid.u32;
	s2 =	rddreg [dreg:$0x1];
	s3 =	simm.s32 $0x0  }
0x3: {  	s10 =	simm.s32 $0x80;
	s11 =	simm.s32 $0x2800;
	s12 =	simm.s32 $0x100  }
0x4: {  	s13 =	simm.s32 $0x180;
	s14 =	simm.s32 $0x200;
	s15 =	simm.s32 $0x280  }
0x5: {  	s16 =	simm.s32 $0x300;
	s17 =	simm.s32 $0x380;
	s18 =	simm.s32 $0x1  }
0x6: {  	s19 =	simm.s32 $0x2;
	s20 =	simm.s32 $0x3;
	s21 =	simm.s32 $0x4  }
0x7: {  	s22 =	simm.s32 $0x5;
	s23 =	simm.s32 $0x6;
	s24 =	simm.s32 $0x7  }
0x8: {  	s26 =	simm.s32 $0x8;
	s28 =	simm.s32 $0x0;
	s4 =	sand.u32 $0x1, s1  }
0x9: {  	s6 =	smul.u32 $0x280, s0;
	s8 =	sshll.u32 s0, $0x1;
	s1 =	rddreg [dreg:$0x2]  }
0xa: {  	[smem:$0x7FF] =	sst s3;
	s7 =	smul.u32 $0x2800, s4;
	s8 =	sor.u32 s4, s8  }
0xb: {  	s25 =	sshll.u32 s0, $0x6;
	_ =	strace $0x80000047;
	s8 =	smul.u32 $0x2800, s8  }
0xc: {  	s4 =	ssub.s32 $0x2, s4;
	s25 =	sor.u32 $0x1C09, s25;
	s7 =	sadd.s32 s6, s7  }
0xd: {  	s9 =	sshrl.u32 s4, $0x1;
	s7 =	sshrl.u32 s7, $0x3;
	s8 =	sshrl.u32 s8, $0x3  }
0xe: {  	s9 =	ssub.s32 s4, s9;
	s7 =	sadd.s32 s7, s5;
	s5 =	sadd.s32 s5, s8  }
0xf: {  	s4 =	sadd.s32 s6, s2;
	s8 =	simm.s32 $0x2880;
	s5 =	sadd.s32 $0xBE00, s5  }
0x10: {  	v0 =	vimm.f32 $0.0e+00;
	v1 =	vimm.f32 $1.000000000e+00;
	s6 =	sadd.s32 $0x15E00, s7;
	s7 =	smax.u32 s9, $0x1;
	s9 =	simm.s32 $0x9  }
.LBB2_1:
0x11: {  	[tilespmem:$0x2880] =	vst v0  }
0x12: {  	[tilespmem:$0x2890] =	vst v0  }
0x13: {  	[tilespmem:$0x28A0] =	vst v0  }
0x14: {  	[tilespmem:$0x28B0] =	vst v0  }
0x15: {  	[tilespmem:$0x28C0] =	vst v0  }
0x16: {  	[tilespmem:$0x28D0] =	vst v0  }
0x17: {  	[tilespmem:$0x28E0] =	vst v0  }
0x18: {  	[tilespmem:$0x28F0] =	vst v0  }
0x19: {  	[tilespmem:$0x2900] =	vst v0  }
0x1a: {  	[tilespmem:$0x2910] =	vst v0  }
0x1b: {  	[tilespmem:$0x2920] =	vst v0  }
0x1c: {  	[tilespmem:$0x2930] =	vst v0  }
0x1d: {  	[tilespmem:$0x2940] =	vst v0  }
0x1e: {  	[tilespmem:$0x2950] =	vst v0  }
0x1f: {  	[tilespmem:$0x2960] =	vst v0  }
0x20: {  	[tilespmem:$0x2970] =	vst v0  }
0x21: {  	[tilespmem:$0x2980] =	vst v0  }
0x22: {  	[tilespmem:$0x2990] =	vst v0  }
0x23: {  	[tilespmem:$0x29A0] =	vst v0  }
0x24: {  	[tilespmem:$0x29B0] =	vst v0  }
0x25: {  	[tilespmem:$0x29C0] =	vst v0  }
0x26: {  	[tilespmem:$0x29D0] =	vst v0  }
0x27: {  	[tilespmem:$0x29E0] =	vst v0  }
0x28: {  	[tilespmem:$0x29F0] =	vst v0  }
0x29: {  	[tilespmem:$0x2A00] =	vst v0  }
0x2a: {  	[tilespmem:$0x2A10] =	vst v0  }
0x2b: {  	[tilespmem:$0x2A20] =	vst v0  }
0x2c: {  	[tilespmem:$0x2A30] =	vst v0  }
0x2d: {  	[tilespmem:$0x2A40] =	vst v0  }
0x2e: {  	[tilespmem:$0x2A50] =	vst v0  }
0x2f: {  	[tilespmem:$0x2A60] =	vst v0  }
0x30: {  	[tilespmem:$0x2A70] =	vst v0  }
0x31: {  	[tilespmem:$0x2A80] =	vst v0  }
0x32: {  	[tilespmem:$0x2A90] =	vst v0  }
0x33: {  	[tilespmem:$0x2AA0] =	vst v0  }
0x34: {  	[tilespmem:$0x2AB0] =	vst v0  }
0x35: {  	[tilespmem:$0x2AC0] =	vst v0  }
0x36: {  	[tilespmem:$0x2AD0] =	vst v0  }
0x37: {  	[tilespmem:$0x2AE0] =	vst v0  }
0x38: {  	[tilespmem:$0x2AF0] =	vst v0  }
0x39: {  	[tilespmem:$0x2800] =	vst v1  }
0x3a: {  	[tilespmem:$0x2810] =	vst v1  }
0x3b: {  	[tilespmem:$0x2820] =	vst v1  }
0x3c: {  	[tilespmem:$0x2830] =	vst v1  }
0x3d: {  	[tilespmem:$0x2840] =	vst v1  }
0x3e: {  	[tilespmem:$0x2850] =	vst v1  }
0x3f: {  	[tilespmem:$0x2860] =	vst v1  }
0x40: {  	[tilespmem:$0x2870] =	vst v1  }
0x41: {  	[spmem:s4] =	stream.linear.scatter [tilespmem:s8], [sflag:$0x9], $0x280, $0x38;
	[tilespmem:$0x2D80] =	vst v63  }
0x42: {  	_ =	swait.ge [sflag:s9], $0x280  }
0x43: {  	[sflag:s9] =	ssyncset.done $0x0  }
0x44: {  	[sflag:s9] =	ssyncadd.s32 $0xFFFFFD80  }
0x45: {  	[bflag:$0x0] =	sbarrier.arrive $0xFFFF  }
0x46: {  	[tilespmem:s3], [sflag:$0x9] =	stream.linear.gather [hbm4b:s5+s3], $0x2800, $0x38;
	[tilespmem:$0x2D80] =	vst v63  }
0x47: {  	_ =	swait.ge [sflag:s9], $0x2800  }
0x48: {  	[sflag:s9] =	ssyncset.done $0x0  }
0x49: {  	[sflag:s9] =	ssyncadd.s32 $0xFFFFD800  }
0x4a: {  	[spmem:s2] =	stream.indirect.scatter.add.f32 [tilespmem:s11], [sflag:$0x1], $0x1, s3, s10, $0xb8;
	[tilespmem:$0x2D80] =	vst v63  }
0x4b: {  	_ = 	snop  }
0x4c: {  	[spmem:s2] =	stream.indirect.scatter.add.f32 [tilespmem:s11], [sflag:$0x2], $0x1, s10, s10, $0xb8;
	[tilespmem:$0x2D80] =	vst v63  }
0x4d: {  	_ = 	snop  }
0x4e: {  	[spmem:s2] =	stream.indirect.scatter.add.f32 [tilespmem:s11], [sflag:$0x3], $0x1, s12, s10, $0xb8;
	[tilespmem:$0x2D80] =	vst v63  }
0x4f: {  	_ = 	snop  }
0x50: {  	[spmem:s2] =	stream.indirect.scatter.add.f32 [tilespmem:s11], [sflag:$0x4], $0x1, s13, s10, $0xb8;
	[tilespmem:$0x2D80] =	vst v63  }
0x51: {  	_ = 	snop  }
0x52: {  	[spmem:s2] =	stream.indirect.scatter.add.f32 [tilespmem:s11], [sflag:$0x5], $0x1, s14, s10, $0xb8;
	[tilespmem:$0x2D80] =	vst v63  }
0x53: {  	_ = 	snop  }
0x54: {  	[spmem:s2] =	stream.indirect.scatter.add.f32 [tilespmem:s11], [sflag:$0x6], $0x1, s15, s10, $0xb8;
	[tilespmem:$0x2D80] =	vst v63  }
0x55: {  	_ = 	snop  }
0x56: {  	[spmem:s2] =	stream.indirect.scatter.add.f32 [tilespmem:s11], [sflag:$0x7], $0x1, s16, s10, $0xb8;
	[tilespmem:$0x2D80] =	vst v63  }
0x57: {  	_ = 	snop  }
0x58: {  	[spmem:s2] =	stream.indirect.scatter.add.f32 [tilespmem:s11], [sflag:$0x8], $0x1, s17, s10, $0xb8;
	[tilespmem:$0x2D80] =	vst v63  }
0x59: {  	_ =	swait.ge [sflag:s18], $0x80  }
0x5a: {  	[sflag:s18] =	ssyncset.done $0x0  }
0x5b: {  	s29 =	simm.s32 $0x400;
	[sflag:s18] =	ssyncadd.s32 $0xFFFFFF80  }
0x5c: {  	[spmem:s2] =	stream.indirect.scatter.add.f32 [tilespmem:s11], [sflag:$0x1], $0x1, s29, s10, $0xb8;
	[tilespmem:$0x2D80] =	vst v63  }
0x5d: {  	_ =	swait.ge [sflag:s19], $0x80  }
0x5e: {  	[sflag:s19] =	ssyncset.done $0x0  }
0x5f: {  	s29 =	simm.s32 $0x480;
	[sflag:s19] =	ssyncadd.s32 $0xFFFFFF80  }
0x60: {  	[spmem:s2] =	stream.indirect.scatter.add.f32 [tilespmem:s11], [sflag:$0x2], $0x1, s29, s10, $0xb8;
	[tilespmem:$0x2D80] =	vst v63  }
0x61: {  	_ =	swait.ge [sflag:s20], $0x80  }
0x62: {  	[sflag:s20] =	ssyncset.done $0x0  }
0x63: {  	s29 =	simm.s32 $0x500;
	[sflag:s20] =	ssyncadd.s32 $0xFFFFFF80  }
0x64: {  	[spmem:s2] =	stream.indirect.scatter.add.f32 [tilespmem:s11], [sflag:$0x3], $0x1, s29, s10, $0xb8;
	[tilespmem:$0x2D80] =	vst v63  }
0x65: {  	_ =	swait.ge [sflag:s21], $0x80  }
0x66: {  	[sflag:s21] =	ssyncset.done $0x0  }
0x67: {  	s29 =	simm.s32 $0x580;
	[sflag:s21] =	ssyncadd.s32 $0xFFFFFF80  }
0x68: {  	[spmem:s2] =	stream.indirect.scatter.add.f32 [tilespmem:s11], [sflag:$0x4], $0x1, s29, s10, $0xb8;
	[tilespmem:$0x2D80] =	vst v63  }
0x69: {  	_ =	swait.ge [sflag:s22], $0x80  }
0x6a: {  	[sflag:s22] =	ssyncset.done $0x0  }
0x6b: {  	s29 =	simm.s32 $0x600;
	[sflag:s22] =	ssyncadd.s32 $0xFFFFFF80  }
0x6c: {  	[spmem:s2] =	stream.indirect.scatter.add.f32 [tilespmem:s11], [sflag:$0x5], $0x1, s29, s10, $0xb8;
	[tilespmem:$0x2D80] =	vst v63  }
0x6d: {  	_ =	swait.ge [sflag:s23], $0x80  }
0x6e: {  	[sflag:s23] =	ssyncset.done $0x0  }
0x6f: {  	s29 =	simm.s32 $0x680;
	[sflag:s23] =	ssyncadd.s32 $0xFFFFFF80  }
0x70: {  	[spmem:s2] =	stream.indirect.scatter.add.f32 [tilespmem:s11], [sflag:$0x6], $0x1, s29, s10, $0xb8;
	[tilespmem:$0x2D80] =	vst v63  }
0x71: {  	_ =	swait.ge [sflag:s24], $0x80  }
0x72: {  	[sflag:s24] =	ssyncset.done $0x0  }
0x73: {  	s29 =	simm.s32 $0x700;
	[sflag:s24] =	ssyncadd.s32 $0xFFFFFF80  }
0x74: {  	[spmem:s2] =	stream.indirect.scatter.add.f32 [tilespmem:s11], [sflag:$0x7], $0x1, s29, s10, $0xb8;
	[tilespmem:$0x2D80] =	vst v63  }
0x75: {  	_ =	swait.ge [sflag:s26], $0x80  }
0x76: {  	[sflag:s26] =	ssyncset.done $0x0  }
0x77: {  	s30 =	simm.s32 $0x780;
	s29 =	simm.s32 $0x1000;
	[sflag:s26] =	ssyncadd.s32 $0xFFFFFF80  }
.LBB2_2:
0x78: {  	[spmem:s2] =	stream.indirect.scatter.add.f32 [tilespmem:s11], [sflag:$0x8], $0x1, s30, s10, $0xb8;
	[tilespmem:$0x2D80] =	vst v63  }
0x79: {  	s30 =	smov.u32 s29  }
0x7a: {  	p0 =	sne.s32 s29, $0x8000;
	s29 =	sadd.s32 $0x1000, s29;
	_ =	swait.ge [sflag:s18], $0x80  }
0x7b: {  	s30 =	sshra.s32 s30, $0x2;
	[sflag:s18] =	ssyncset.done $0x0  }
0x7c: {  	s31 =	sadd.s32 $0x400, s30;
	[sflag:s18] =	ssyncadd.s32 $0xFFFFFF80  }
0x7d: {  	[spmem:s2] =	stream.indirect.scatter.add.f32 [tilespmem:s11], [sflag:$0x1], $0x1, s31, s10, $0xb8;
	[tilespmem:$0x2D80] =	vst v63  }
0x7e: {  	_ =	swait.ge [sflag:s19], $0x80  }
0x7f: {  	[sflag:s19] =	ssyncset.done $0x0  }
0x80: {  	s31 =	sadd.s32 $0x480, s30;
	[sflag:s19] =	ssyncadd.s32 $0xFFFFFF80  }
0x81: {  	[spmem:s2] =	stream.indirect.scatter.add.f32 [tilespmem:s11], [sflag:$0x2], $0x1, s31, s10, $0xb8;
	[tilespmem:$0x2D80] =	vst v63  }
0x82: {  	_ =	swait.ge [sflag:s20], $0x80  }
0x83: {  	[sflag:s20] =	ssyncset.done $0x0  }
0x84: {  	s31 =	sadd.s32 $0x500, s30;
	[sflag:s20] =	ssyncadd.s32 $0xFFFFFF80  }
0x85: {  	[spmem:s2] =	stream.indirect.scatter.add.f32 [tilespmem:s11], [sflag:$0x3], $0x1, s31, s10, $0xb8;
	[tilespmem:$0x2D80] =	vst v63  }
0x86: {  	_ =	swait.ge [sflag:s21], $0x80  }
0x87: {  	[sflag:s21] =	ssyncset.done $0x0  }
0x88: {  	s31 =	sadd.s32 $0x580, s30;
	[sflag:s21] =	ssyncadd.s32 $0xFFFFFF80  }
0x89: {  	[spmem:s2] =	stream.indirect.scatter.add.f32 [tilespmem:s11], [sflag:$0x4], $0x1, s31, s10, $0xb8;
	[tilespmem:$0x2D80] =	vst v63  }
0x8a: {  	_ =	swait.ge [sflag:s22], $0x80  }
0x8b: {  	[sflag:s22] =	ssyncset.done $0x0  }
0x8c: {  	s31 =	sadd.s32 $0x600, s30;
	[sflag:s22] =	ssyncadd.s32 $0xFFFFFF80  }
0x8d: {  	[spmem:s2] =	stream.indirect.scatter.add.f32 [tilespmem:s11], [sflag:$0x5], $0x1, s31, s10, $0xb8;
	[tilespmem:$0x2D80] =	vst v63  }
0x8e: {  	_ =	swait.ge [sflag:s23], $0x80  }
0x8f: {  	[sflag:s23] =	ssyncset.done $0x0  }
0x90: {  	s31 =	sadd.s32 $0x680, s30;
	[sflag:s23] =	ssyncadd.s32 $0xFFFFFF80  }
0x91: {  	[spmem:s2] =	stream.indirect.scatter.add.f32 [tilespmem:s11], [sflag:$0x6], $0x1, s31, s10, $0xb8;
	[tilespmem:$0x2D80] =	vst v63  }
0x92: {  	_ =	swait.ge [sflag:s24], $0x80  }
0x93: {  	[sflag:s24] =	ssyncset.done $0x0  }
.Ltmp0:
0x94: {  	s31 =	sadd.s32 $0x700, s30;
	[sflag:s24] =	ssyncadd.s32 $0xFFFFFF80;
	(pc) =	sbr.rel @p0 .LBB2_2-.Ltmp0, $4  }
0x95: {  	[spmem:s2] =	stream.indirect.scatter.add.f32 [tilespmem:s11], [sflag:$0x7], $0x1, s31, s10, $0xb8;
	[tilespmem:$0x2D80] =	vst v63  }
0x96: {  	_ =	swait.ge [sflag:s26], $0x80  }
0x97: {  	[sflag:s26] =	ssyncset.done $0x0  }
0x98: {  	s30 =	sadd.s32 $0x780, s30;
	[sflag:s26] =	ssyncadd.s32 $0xFFFFFF80  }
0x99: {  	[spmem:s2] =	stream.indirect.scatter.add.f32 [tilespmem:s11], [sflag:$0x8], $0x1, s30, s10, $0xb8;
	[tilespmem:$0x2D80] =	vst v63  }
0x9a: {  	_ =	swait.ge [sflag:s18], $0x80  }
0x9b: {  	[sflag:s18] =	ssyncset.done $0x0  }
0x9c: {  	[sflag:s18] =	ssyncadd.s32 $0xFFFFFF80  }
0x9d: {  	_ =	swait.ge [sflag:s19], $0x80  }
0x9e: {  	[sflag:s19] =	ssyncset.done $0x0  }
0x9f: {  	[sflag:s19] =	ssyncadd.s32 $0xFFFFFF80  }
0xa0: {  	_ =	swait.ge [sflag:s20], $0x80  }
0xa1: {  	[sflag:s20] =	ssyncset.done $0x0  }
0xa2: {  	[sflag:s20] =	ssyncadd.s32 $0xFFFFFF80  }
0xa3: {  	_ =	swait.ge [sflag:s21], $0x80  }
0xa4: {  	[sflag:s21] =	ssyncset.done $0x0  }
0xa5: {  	[sflag:s21] =	ssyncadd.s32 $0xFFFFFF80  }
0xa6: {  	_ =	swait.ge [sflag:s22], $0x80  }
0xa7: {  	[sflag:s22] =	ssyncset.done $0x0  }
0xa8: {  	[sflag:s22] =	ssyncadd.s32 $0xFFFFFF80  }
0xa9: {  	_ =	swait.ge [sflag:s23], $0x80  }
0xaa: {  	[sflag:s23] =	ssyncset.done $0x0  }
0xab: {  	[sflag:s23] =	ssyncadd.s32 $0xFFFFFF80  }
0xac: {  	_ =	swait.ge [sflag:s24], $0x80  }
0xad: {  	[sflag:s24] =	ssyncset.done $0x0  }
0xae: {  	[sflag:s24] =	ssyncadd.s32 $0xFFFFFF80  }
0xaf: {  	_ =	swait.ge [sflag:s26], $0x80  }
0xb0: {  	s28 =	sadd.s32 $0x1, s28;
	[sflag:s26] =	ssyncset.done $0x0  }
0xb1: {  	p0 =	sne.s32 s28, s7;
	[sflag:s26] =	ssyncadd.s32 $0xFFFFFF80  }
.Ltmp1:
0xb2: {  	s29 =	sshrl.u32 s4, $0x3;
	[bflag:$0x0] =	sbarrier.arrive $0xFFFF;
	(pc) =	sbr.rel @p0 .LBB2_1-.Ltmp1, $4  }
0xb3: {  	[hbm:s6], [sflag:s25] =	dma.local [spmem:s29], $0x50  }
0xb4: {  	_ =	swait.ge [sflag:s9], $0x50  }
0xb5: {  	[sflag:s9] =	ssyncset.done $0x0  }
0xb6: {  	[sflag:s9] =	ssyncadd.s32 $0xFFFFFFB0  }
0xb7: {  	_ =	sfence.sel $0x180000  }
0xb8: {  	[bflag:$0x0] =	sbarrier.arrive $0xFFFF  }
0xb9: {  	p0 =	sne.s32 s0, $0x0;
	_ =	strace $0x90000047  }
0xba: {  	s0 =	sadd.s32 @!p0 $0x100000, s1;
	[bflag:$0x2] =	sbarrier.arrive $0xFFFF  }
0xbb: {  	[sflag:s0] =	ssyncadd.tile.s32 @!p0 $0x1;
	_ =	shalt  }
.Lfunc_end2:
_tile_overlayer_lowered:
.L_overlay_start_2:
0xbc: {  	(tag) =	ssettag $0x2  }
0xbd: {  	s0 =	rddreg [dreg:$0x0];
	s2 =	stileid.u32  }
0xbe: {  	s1 =	rddreg [dreg:$0x1];
	p0 =	sne.s32 s2, $0x0  }
0xbf: {  	s3 =	rddreg [dreg:$0x2];
	[bflag:$0x3] =	sbarrier.arrive $0xFFFF;
	s2 =	simm.s32 @!p0 $0x1C09  }
0xc0: {  	[timem:s3], [sflag:s2] =	dma.local @!p0 [hbm:s0], s1  }
0xc1: {  	s0 =	simm.s32 @!p0 $0x9  }
0xc2: {  	_ =	swait.ge @!p0 [sflag:s0], s1  }
0xc3: {  	s1 =	ssub.s32 @!p0 $0x0, s1;
	[sflag:s0] =	ssyncset.done @!p0 $0x0  }
0xc4: {  	[sflag:s0] =	ssyncadd.s32 @!p0 s1  }
0xc5: {  	[bflag:$0x3] =	sbarrier.arrive $0xFFFF  }
0xc6: {  	_ =	shalt  }

</sc_bundles>
